<compile_context>
chip_gen: v7x
topology: tpu7x:2x2x1
jax: 0.10.2.dev20260603
libtpu: 0.0.44.dev20260713+nightly
codegen_flags: <defaults>
</compile_context>

<pallas_src>
import functools

import jax
import jax.numpy as jnp
from jax import lax
from jax.experimental import pallas as pl
from jax.experimental.pallas import tpu as pltpu
from jax.experimental.pallas import tpu_sc as plsc

ACTION_SIZE = 1000000
EMBED_DIM = 64

NC = 2
NS = 16
NW = NC * NS

B_TOTAL = 16384 * 50
B_PER_W = B_TOTAL // NW
BLK = 128
NBLK = B_PER_W // BLK
QUAD = 4
NBUF = 2 * QUAD
NQUAD = NBLK // QUAD


def _gather_body(idx_hbm, table_hbm, out_hbm, idx_v, rows_v, gsem, wsem):
    wid = lax.axis_index("s") * NC + lax.axis_index("c")
    base = wid * B_PER_W

    pltpu.sync_copy(idx_hbm.at[wid], idx_v)

    def gather_start(j, b):
        pltpu.make_async_copy(
            table_hbm.at[idx_v.at[j]], rows_v.at[b], gsem.at[b]
        ).start()

    def gather_wait(j, b):
        pltpu.make_async_copy(
            table_hbm.at[idx_v.at[j]], rows_v.at[b], gsem.at[b]
        ).wait()

    def write_start(j, b):
        pltpu.make_async_copy(
            rows_v.at[b], out_hbm.at[pl.ds(base + j * BLK, BLK)], wsem.at[b]
        ).start()

    def write_wait(j, b):
        pltpu.make_async_copy(
            rows_v.at[b], out_hbm.at[pl.ds(base + j * BLK, BLK)], wsem.at[b]
        ).wait()

    A = 0
    B = QUAD

    def quad_wait_write(q, s):
        for b in range(QUAD):
            gather_wait(q * QUAD + b, s + b)
            write_start(q * QUAD + b, s + b)

    def quad_rearm(q_done, q_next, s):
        for b in range(QUAD):
            write_wait(q_done * QUAD + b, s + b)
            gather_start(q_next * QUAD + b, s + b)

    for b in range(QUAD):
        gather_start(b, A + b)
    quad_wait_write(0, A)
    for b in range(QUAD):
        gather_start(QUAD + b, B + b)
    quad_wait_write(1, B)
    quad_rearm(0, 2, A)

    def pair_body(g, carry):
        qe = 2 * g
        quad_wait_write(qe, A)
        quad_rearm(qe - 1, qe + 1, B)
        quad_wait_write(qe + 1, B)
        quad_rearm(qe, qe + 2, A)
        return carry

    lax.fori_loop(1, NQUAD // 2 - 1, pair_body, 0)

    quad_wait_write(NQUAD - 2, A)
    quad_rearm(NQUAD - 3, NQUAD - 1, B)
    quad_wait_write(NQUAD - 1, B)
    for b in range(QUAD):
        write_wait((NQUAD - 2) * QUAD + b, A + b)
    for b in range(QUAD):
        write_wait((NQUAD - 1) * QUAD + b, B + b)


@jax.jit
def _embedding_gather(idx3, table):
    mesh = plsc.VectorSubcoreMesh(core_axis_name="c", subcore_axis_name="s")
    run = functools.partial(
        pl.kernel,
        out_type=jax.ShapeDtypeStruct((B_TOTAL, EMBED_DIM), jnp.float32),
        mesh=mesh,
        scratch_types=[
            pltpu.VMEM((NBLK, BLK), jnp.int32),
            pltpu.VMEM((NBUF, BLK, EMBED_DIM), jnp.float32),
            pltpu.SemaphoreType.DMA((NBUF,)),
            pltpu.SemaphoreType.DMA((NBUF,)),
        ],
        compiler_params=pltpu.CompilerParams(use_tc_tiling_on_sc=False),
    )(_gather_body)
    return run(idx3, table)


def kernel(action_indices, embedding_weight):
    idx3 = jnp.asarray(action_indices, jnp.int32).reshape(NW, NBLK, BLK)
    out = _embedding_gather(idx3, embedding_weight)
    return out.reshape(action_indices.shape + (EMBED_DIM,))

# --- scband reference (transcript-rebuilt; emitter-appended) ---
"""Pipeline reference for scband-heuristic-embedding-model-87368224735516 (READ-ONLY COPY).

The authoritative reference and input builder live on the scoring server;
editing this copy changes nothing except your own understanding.
"""

import jax, jax.numpy as jnp
import numpy as np

ACTION_SIZE = 1000000
EMBED_DIM = 64

def setup_inputs(seed: int = 0) -> dict:
    key = jax.random.key(seed)
    k_idx, k_w = jax.random.split(key)
    action_indices = jax.random.randint(k_idx, (16384, 50), 0, ACTION_SIZE, dtype=jnp.int64 if jax.config.jax_enable_x64 else jnp.int32)
    embedding_weight = jax.random.normal(k_w, (ACTION_SIZE, EMBED_DIM), dtype=jnp.float32) * 0.02
    return {"action_indices": action_indices, "embedding_weight": embedding_weight}

def reference(action_indices, embedding_weight):
    # nn.Embedding forward: simple row gather from the embedding table
    return jnp.take(embedding_weight, action_indices, axis=0)

if __name__ == "__main__":
    import jax
    _d = setup_inputs()
    print(jax.jit(kernel)(*tuple(_d.values())))

</pallas_src>

<mosaic_0001>
#map = affine_map<(d0, d1) -> (0, 0, 0)>
#map1 = affine_map<(d0, d1) -> (0, 0)>
module attributes {stable_mosaic.version = 14 : i64} {
  func.func @_gather_body(%arg0: i32, %arg1: i32, %arg2: memref<32x200x128xi32, #tpu.memory_space<hbm>>, %arg3: memref<1000000x64xf32, #tpu.memory_space<hbm>>, %arg4: memref<819200x64xf32, #tpu.memory_space<hbm>>, %arg5: memref<200x128xi32, #tpu.memory_space<vmem>>, %arg6: memref<8x128x64xf32, #tpu.memory_space<vmem>>, %arg7: memref<8x!tpu.dma_semaphore, #tpu.memory_space<semaphore_mem>>, %arg8: memref<8x!tpu.dma_semaphore, #tpu.memory_space<semaphore_mem>>) attributes {dimension_semantics = [#tpu.dimension_semantics<core_parallel>, #tpu.dimension_semantics<subcore_parallel>], iteration_bounds = array<i64: 2, 16>, scalar_prefetch = 0 : i64, scratch_operands = 4 : i64, tpu.core_type = #tpu.core_type<sc_vector_subcore>, window_params = [{transform_indices = #map}, {transform_indices = #map1}, {transform_indices = #map1}]} {
    %mul3A = arith.constant 2 : i32
    %mul3A_0 = arith.muli %arg1, %mul3A : i32
    %add3A = arith.addi %mul3A_0, %arg0 : i32
    %mul3A_1 = arith.constant 25600 : i32
    %mul3A_2 = arith.muli %add3A, %mul3A_1 : i32
    "tpu.region"() ({
      %run_scoped3A = tpu.sem_alloc : memref<!tpu.dma_semaphore, #tpu.memory_space<semaphore_mem>>
      %dma_start3A_1062 = arith.constant 0 : i32
      %dma_start3A_1063 = arith.constant 0 : i32
      %dma_start3A_1064 = tpu.memref_slice %arg2[%add3A, %dma_start3A_1062, %dma_start3A_1063] : memref<32x200x128xi32, #tpu.memory_space<hbm>> -> memref<1x200x128xi32, #tpu.memory_space<hbm>>
      %dma_start3A_1065 = tpu.memref_squeeze %dma_start3A_1064 : memref<1x200x128xi32, #tpu.memory_space<hbm>> -> memref<200x128xi32, #tpu.memory_space<hbm>>
      %dma_start3A_1066 = arith.constant 0 : i32
      %dma_start3A_1067 = arith.constant 0 : i32
      %dma_start3A_1068 = tpu.memref_slice %arg2[%add3A, %dma_start3A_1066, %dma_start3A_1067] : memref<32x200x128xi32, #tpu.memory_space<hbm>> -> memref<1x200x128xi32, #tpu.memory_space<hbm>>
      %dma_start3A_1069 = tpu.memref_squeeze %dma_start3A_1068 : memref<1x200x128xi32, #tpu.memory_space<hbm>> -> memref<200x128xi32, #tpu.memory_space<hbm>>
      tpu.enqueue_dma source(%dma_start3A_1069 : memref<200x128xi32, #tpu.memory_space<hbm>>) target(%arg5 : memref<200x128xi32, #tpu.memory_space<vmem>>) target_semaphore(%run_scoped3A : memref<!tpu.dma_semaphore, #tpu.memory_space<semaphore_mem>>)
      %dma_wait3A_1070 = arith.constant 0 : i32
      %dma_wait3A_1071 = arith.constant 0 : i32
      %dma_wait3A_1072 = tpu.memref_slice %arg2[%add3A, %dma_wait3A_1070, %dma_wait3A_1071] : memref<32x200x128xi32, #tpu.memory_space<hbm>> -> memref<1x200x128xi32, #tpu.memory_space<hbm>>
      %dma_wait3A_1073 = tpu.memref_squeeze %dma_wait3A_1072 : memref<1x200x128xi32, #tpu.memory_space<hbm>> -> memref<200x128xi32, #tpu.memory_space<hbm>>
      %dma_wait3A_1074 = arith.constant 0 : i32
      %dma_wait3A_1075 = arith.constant 0 : i32
      %dma_wait3A_1076 = tpu.memref_slice %arg2[%add3A, %dma_wait3A_1074, %dma_wait3A_1075] : memref<32x200x128xi32, #tpu.memory_space<hbm>> -> memref<1x200x128xi32, #tpu.memory_space<hbm>>
      %dma_wait3A_1077 = tpu.memref_squeeze %dma_wait3A_1076 : memref<1x200x128xi32, #tpu.memory_space<hbm>> -> memref<200x128xi32, #tpu.memory_space<hbm>>
      tpu.wait_dma2 semaphore(%run_scoped3A : memref<!tpu.dma_semaphore, #tpu.memory_space<semaphore_mem>>) src(%dma_wait3A_1077 : memref<200x128xi32, #tpu.memory_space<hbm>>) dst(%arg5 : memref<200x128xi32, #tpu.memory_space<vmem>>)
      tpu.yield
    }) : () -> ()
    %dma_start3A = arith.constant 0 : i32
    %dma_start3A_3 = arith.constant 0 : i32
    %dma_start3A_4 = arith.constant 0 : i32
    %dma_start3A_5 = arith.constant 0 : i32
    %dma_start3A_6 = arith.constant 0 : i32
    %dma_start3A_7 = tpu.memref_slice %arg6[%dma_start3A_3, %dma_start3A_5, %dma_start3A_6] : memref<8x128x64xf32, #tpu.memory_space<vmem>> -> memref<1x128x64xf32, #tpu.memory_space<vmem>>
    %dma_start3A_8 = tpu.memref_squeeze %dma_start3A_7 : memref<1x128x64xf32, #tpu.memory_space<vmem>> -> memref<128x64xf32, #tpu.memory_space<vmem>>
    %dma_start3A_9 = arith.constant 0 : i32
    %dma_start3A_10 = tpu.memref_slice %arg5[%dma_start3A, %dma_start3A_9] : memref<200x128xi32, #tpu.memory_space<vmem>> -> memref<1x128xi32, #tpu.memory_space<vmem>>
    %dma_start3A_11 = tpu.memref_squeeze %dma_start3A_10 : memref<1x128xi32, #tpu.memory_space<vmem>> -> memref<128xi32, #tpu.memory_space<vmem>>
    %dma_start3A_12 = arith.constant 0 : i32
    %dma_start3A_13 = arith.constant 0 : i32
    %dma_start3A_14 = tpu.memref_slice %arg3[%dma_start3A_12, %dma_start3A_13] : memref<1000000x64xf32, #tpu.memory_space<hbm>> -> memref<1000000x64xf32, #tpu.memory_space<hbm>>
    %dma_start3A_15 = tpu.memref_slice %arg7[%dma_start3A_4] : memref<8x!tpu.dma_semaphore, #tpu.memory_space<semaphore_mem>> -> memref<1x!tpu.dma_semaphore, #tpu.memory_space<semaphore_mem>>
    %dma_start3A_16 = tpu.memref_squeeze %dma_start3A_15 : memref<1x!tpu.dma_semaphore, #tpu.memory_space<semaphore_mem>> -> memref<!tpu.dma_semaphore, #tpu.memory_space<semaphore_mem>>
    tpu.enqueue_indirect_dma source(%dma_start3A_14 : memref<1000000x64xf32, #tpu.memory_space<hbm>>) target(%dma_start3A_8 : memref<128x64xf32, #tpu.memory_space<vmem>>) offsets(%dma_start3A_11 : memref<128xi32, #tpu.memory_space<vmem>>) semaphore(%dma_start3A_16 : memref<!tpu.dma_semaphore, #tpu.memory_space<semaphore_mem>>)
    %dma_start3A_17 = arith.constant 1 : i32
    %dma_start3A_18 = arith.constant 1 : i32
    %dma_start3A_19 = arith.constant 1 : i32
    %dma_start3A_20 = arith.constant 0 : i32
    %dma_start3A_21 = arith.constant 0 : i32
    %dma_start3A_22 = tpu.memref_slice %arg6[%dma_start3A_18, %dma_start3A_20, %dma_start3A_21] : memref<8x128x64xf32, #tpu.memory_space<vmem>> -> memref<1x128x64xf32, #tpu.memory_space<vmem>>
    %dma_start3A_23 = tpu.memref_squeeze %dma_start3A_22 : memref<1x128x64xf32, #tpu.memory_space<vmem>> -> memref<128x64xf32, #tpu.memory_space<vmem>>
    %dma_start3A_24 = arith.constant 0 : i32
    %dma_start3A_25 = tpu.memref_slice %arg5[%dma_start3A_17, %dma_start3A_24] : memref<200x128xi32, #tpu.memory_space<vmem>> -> memref<1x128xi32, #tpu.memory_space<vmem>>
    %dma_start3A_26 = tpu.memref_squeeze %dma_start3A_25 : memref<1x128xi32, #tpu.memory_space<vmem>> -> memref<128xi32, #tpu.memory_space<vmem>>
    %dma_start3A_27 = arith.constant 0 : i32
    %dma_start3A_28 = arith.constant 0 : i32
    %dma_start3A_29 = tpu.memref_slice %arg3[%dma_start3A_27, %dma_start3A_28] : memref<1000000x64xf32, #tpu.memory_space<hbm>> -> memref<1000000x64xf32, #tpu.memory_space<hbm>>
    %dma_start3A_30 = tpu.memref_slice %arg7[%dma_start3A_19] : memref<8x!tpu.dma_semaphore, #tpu.memory_space<semaphore_mem>> -> memref<1x!tpu.dma_semaphore, #tpu.memory_space<semaphore_mem>>
    %dma_start3A_31 = tpu.memref_squeeze %dma_start3A_30 : memref<1x!tpu.dma_semaphore, #tpu.memory_space<semaphore_mem>> -> memref<!tpu.dma_semaphore, #tpu.memory_space<semaphore_mem>>
    tpu.enqueue_indirect_dma source(%dma_start3A_29 : memref<1000000x64xf32, #tpu.memory_space<hbm>>) target(%dma_start3A_23 : memref<128x64xf32, #tpu.memory_space<vmem>>) offsets(%dma_start3A_26 : memref<128xi32, #tpu.memory_space<vmem>>) semaphore(%dma_start3A_31 : memref<!tpu.dma_semaphore, #tpu.memory_space<semaphore_mem>>)
    %dma_start3A_32 = arith.constant 2 : i32
    %dma_start3A_33 = arith.constant 2 : i32
    %dma_start3A_34 = arith.constant 2 : i32
    %dma_start3A_35 = arith.constant 0 : i32
    %dma_start3A_36 = arith.constant 0 : i32
    %dma_start3A_37 = tpu.memref_slice %arg6[%dma_start3A_33, %dma_start3A_35, %dma_start3A_36] : memref<8x128x64xf32, #tpu.memory_space<vmem>> -> memref<1x128x64xf32, #tpu.memory_space<vmem>>
    %dma_start3A_38 = tpu.memref_squeeze %dma_start3A_37 : memref<1x128x64xf32, #tpu.memory_space<vmem>> -> memref<128x64xf32, #tpu.memory_space<vmem>>
    %dma_start3A_39 = arith.constant 0 : i32
    %dma_start3A_40 = tpu.memref_slice %arg5[%dma_start3A_32, %dma_start3A_39] : memref<200x128xi32, #tpu.memory_space<vmem>> -> memref<1x128xi32, #tpu.memory_space<vmem>>
    %dma_start3A_41 = tpu.memref_squeeze %dma_start3A_40 : memref<1x128xi32, #tpu.memory_space<vmem>> -> memref<128xi32, #tpu.memory_space<vmem>>
    %dma_start3A_42 = arith.constant 0 : i32
    %dma_start3A_43 = arith.constant 0 : i32
    %dma_start3A_44 = tpu.memref_slice %arg3[%dma_start3A_42, %dma_start3A_43] : memref<1000000x64xf32, #tpu.memory_space<hbm>> -> memref<1000000x64xf32, #tpu.memory_space<hbm>>
    %dma_start3A_45 = tpu.memref_slice %arg7[%dma_start3A_34] : memref<8x!tpu.dma_semaphore, #tpu.memory_space<semaphore_mem>> -> memref<1x!tpu.dma_semaphore, #tpu.memory_space<semaphore_mem>>
    %dma_start3A_46 = tpu.memref_squeeze %dma_start3A_45 : memref<1x!tpu.dma_semaphore, #tpu.memory_space<semaphore_mem>> -> memref<!tpu.dma_semaphore, #tpu.memory_space<semaphore_mem>>
    tpu.enqueue_indirect_dma source(%dma_start3A_44 : memref<1000000x64xf32, #tpu.memory_space<hbm>>) target(%dma_start3A_38 : memref<128x64xf32, #tpu.memory_space<vmem>>) offsets(%dma_start3A_41 : memref<128xi32, #tpu.memory_space<vmem>>) semaphore(%dma_start3A_46 : memref<!tpu.dma_semaphore, #tpu.memory_space<semaphore_mem>>)
    %dma_start3A_47 = arith.constant 3 : i32
    %dma_start3A_48 = arith.constant 3 : i32
    %dma_start3A_49 = arith.constant 3 : i32
    %dma_start3A_50 = arith.constant 0 : i32
    %dma_start3A_51 = arith.constant 0 : i32
    %dma_start3A_52 = tpu.memref_slice %arg6[%dma_start3A_48, %dma_start3A_50, %dma_start3A_51] : memref<8x128x64xf32, #tpu.memory_space<vmem>> -> memref<1x128x64xf32, #tpu.memory_space<vmem>>
    %dma_start3A_53 = tpu.memref_squeeze %dma_start3A_52 : memref<1x128x64xf32, #tpu.memory_space<vmem>> -> memref<128x64xf32, #tpu.memory_space<vmem>>
    %dma_start3A_54 = arith.constant 0 : i32
    %dma_start3A_55 = tpu.memref_slice %arg5[%dma_start3A_47, %dma_start3A_54] : memref<200x128xi32, #tpu.memory_space<vmem>> -> memref<1x128xi32, #tpu.memory_space<vmem>>
    %dma_start3A_56 = tpu.memref_squeeze %dma_start3A_55 : memref<1x128xi32, #tpu.memory_space<vmem>> -> memref<128xi32, #tpu.memory_space<vmem>>
    %dma_start3A_57 = arith.constant 0 : i32
    %dma_start3A_58 = arith.constant 0 : i32
    %dma_start3A_59 = tpu.memref_slice %arg3[%dma_start3A_57, %dma_start3A_58] : memref<1000000x64xf32, #tpu.memory_space<hbm>> -> memref<1000000x64xf32, #tpu.memory_space<hbm>>
    %dma_start3A_60 = tpu.memref_slice %arg7[%dma_start3A_49] : memref<8x!tpu.dma_semaphore, #tpu.memory_space<semaphore_mem>> -> memref<1x!tpu.dma_semaphore, #tpu.memory_space<semaphore_mem>>
    %dma_start3A_61 = tpu.memref_squeeze %dma_start3A_60 : memref<1x!tpu.dma_semaphore, #tpu.memory_space<semaphore_mem>> -> memref<!tpu.dma_semaphore, #tpu.memory_space<semaphore_mem>>
    tpu.enqueue_indirect_dma source(%dma_start3A_59 : memref<1000000x64xf32, #tpu.memory_space<hbm>>) target(%dma_start3A_53 : memref<128x64xf32, #tpu.memory_space<vmem>>) offsets(%dma_start3A_56 : memref<128xi32, #tpu.memory_space<vmem>>) semaphore(%dma_start3A_61 : memref<!tpu.dma_semaphore, #tpu.memory_space<semaphore_mem>>)
    %dma_wait3A = arith.constant 0 : i32
    %dma_wait3A_62 = arith.constant 0 : i32
    %dma_wait3A_63 = arith.constant 0 : i32
    %dma_wait3A_64 = arith.constant 0 : i32
    %dma_wait3A_65 = arith.constant 0 : i32
    %dma_wait3A_66 = tpu.memref_slice %arg6[%dma_wait3A_62, %dma_wait3A_64, %dma_wait3A_65] : memref<8x128x64xf32, #tpu.memory_space<vmem>> -> memref<1x128x64xf32, #tpu.memory_space<vmem>>
    %dma_wait3A_67 = tpu.memref_squeeze %dma_wait3A_66 : memref<1x128x64xf32, #tpu.memory_space<vmem>> -> memref<128x64xf32, #tpu.memory_space<vmem>>
    %dma_wait3A_68 = arith.constant 0 : i32
    %dma_wait3A_69 = tpu.memref_slice %arg5[%dma_wait3A, %dma_wait3A_68] : memref<200x128xi32, #tpu.memory_space<vmem>> -> memref<1x128xi32, #tpu.memory_space<vmem>>
    %dma_wait3A_70 = tpu.memref_squeeze %dma_wait3A_69 : memref<1x128xi32, #tpu.memory_space<vmem>> -> memref<128xi32, #tpu.memory_space<vmem>>
    %dma_wait3A_71 = arith.constant 0 : i32
    %dma_wait3A_72 = arith.constant 0 : i32
    %dma_wait3A_73 = tpu.memref_slice %arg3[%dma_wait3A_71, %dma_wait3A_72] : memref<1000000x64xf32, #tpu.memory_space<hbm>> -> memref<1000000x64xf32, #tpu.memory_space<hbm>>
    %dma_wait3A_74 = tpu.memref_slice %arg7[%dma_wait3A_63] : memref<8x!tpu.dma_semaphore, #tpu.memory_space<semaphore_mem>> -> memref<1x!tpu.dma_semaphore, #tpu.memory_space<semaphore_mem>>
    %dma_wait3A_75 = tpu.memref_squeeze %dma_wait3A_74 : memref<1x!tpu.dma_semaphore, #tpu.memory_space<semaphore_mem>> -> memref<!tpu.dma_semaphore, #tpu.memory_space<semaphore_mem>>
    tpu.wait_indirect_dma semaphore(%dma_wait3A_75 : memref<!tpu.dma_semaphore, #tpu.memory_space<semaphore_mem>>) src(%dma_wait3A_73 : memref<1000000x64xf32, #tpu.memory_space<hbm>>) dst(%dma_wait3A_67 : memref<128x64xf32, #tpu.memory_space<vmem>>)
    %add3A_76 = arith.constant 0 : i32
    %add3A_77 = arith.addi %mul3A_2, %add3A_76 : i32
    %dma_start3A_78 = arith.constant 0 : i32
    %dma_start3A_79 = arith.constant 0 : i32
    %dma_start3A_80 = arith.constant 0 : i32
    %dma_start3A_81 = arith.constant 0 : i32
    %dma_start3A_82 = tpu.memref_slice %arg6[%dma_start3A_78, %dma_start3A_80, %dma_start3A_81] : memref<8x128x64xf32, #tpu.memory_space<vmem>> -> memref<1x128x64xf32, #tpu.memory_space<vmem>>
    %dma_start3A_83 = tpu.memref_squeeze %dma_start3A_82 : memref<1x128x64xf32, #tpu.memory_space<vmem>> -> memref<128x64xf32, #tpu.memory_space<vmem>>
    %dma_start3A_84 = arith.constant 0 : i32
    %dma_start3A_85 = tpu.memref_slice %arg4[%add3A_77, %dma_start3A_84] : memref<819200x64xf32, #tpu.memory_space<hbm>> -> memref<128x64xf32, #tpu.memory_space<hbm>>
    %dma_start3A_86 = tpu.memref_slice %arg8[%dma_start3A_79] : memref<8x!tpu.dma_semaphore, #tpu.memory_space<semaphore_mem>> -> memref<1x!tpu.dma_semaphore, #tpu.memory_space<semaphore_mem>>
    %dma_start3A_87 = tpu.memref_squeeze %dma_start3A_86 : memref<1x!tpu.dma_semaphore, #tpu.memory_space<semaphore_mem>> -> memref<!tpu.dma_semaphore, #tpu.memory_space<semaphore_mem>>
    %dma_start3A_88 = arith.constant 0 : i32
    %dma_start3A_89 = tpu.memref_slice %arg4[%add3A_77, %dma_start3A_88] : memref<819200x64xf32, #tpu.memory_space<hbm>> -> memref<128x64xf32, #tpu.memory_space<hbm>>
    %dma_start3A_90 = arith.constant 0 : i32
    %dma_start3A_91 = arith.constant 0 : i32
    %dma_start3A_92 = tpu.memref_slice %arg6[%dma_start3A_78, %dma_start3A_90, %dma_start3A_91] : memref<8x128x64xf32, #tpu.memory_space<vmem>> -> memref<1x128x64xf32, #tpu.memory_space<vmem>>
    %dma_start3A_93 = tpu.memref_squeeze %dma_start3A_92 : memref<1x128x64xf32, #tpu.memory_space<vmem>> -> memref<128x64xf32, #tpu.memory_space<vmem>>
    tpu.enqueue_dma source(%dma_start3A_93 : memref<128x64xf32, #tpu.memory_space<vmem>>) target(%dma_start3A_89 : memref<128x64xf32, #tpu.memory_space<hbm>>) target_semaphore(%dma_start3A_87 : memref<!tpu.dma_semaphore, #tpu.memory_space<semaphore_mem>>)
    %dma_wait3A_94 = arith.constant 1 : i32
    %dma_wait3A_95 = arith.constant 1 : i32
    %dma_wait3A_96 = arith.constant 1 : i32
    %dma_wait3A_97 = arith.constant 0 : i32
    %dma_wait3A_98 = arith.constant 0 : i32
    %dma_wait3A_99 = tpu.memref_slice %arg6[%dma_wait3A_95, %dma_wait3A_97, %dma_wait3A_98] : memref<8x128x64xf32, #tpu.memory_space<vmem>> -> memref<1x128x64xf32, #tpu.memory_space<vmem>>
    %dma_wait3A_100 = tpu.memref_squeeze %dma_wait3A_99 : memref<1x128x64xf32, #tpu.memory_space<vmem>> -> memref<128x64xf32, #tpu.memory_space<vmem>>
    %dma_wait3A_101 = arith.constant 0 : i32
    %dma_wait3A_102 = tpu.memref_slice %arg5[%dma_wait3A_94, %dma_wait3A_101] : memref<200x128xi32, #tpu.memory_space<vmem>> -> memref<1x128xi32, #tpu.memory_space<vmem>>
    %dma_wait3A_103 = tpu.memref_squeeze %dma_wait3A_102 : memref<1x128xi32, #tpu.memory_space<vmem>> -> memref<128xi32, #tpu.memory_space<vmem>>
    %dma_wait3A_104 = arith.constant 0 : i32
    %dma_wait3A_105 = arith.constant 0 : i32
    %dma_wait3A_106 = tpu.memref_slice %arg3[%dma_wait3A_104, %dma_wait3A_105] : memref<1000000x64xf32, #tpu.memory_space<hbm>> -> memref<1000000x64xf32, #tpu.memory_space<hbm>>
    %dma_wait3A_107 = tpu.memref_slice %arg7[%dma_wait3A_96] : memref<8x!tpu.dma_semaphore, #tpu.memory_space<semaphore_mem>> -> memref<1x!tpu.dma_semaphore, #tpu.memory_space<semaphore_mem>>
    %dma_wait3A_108 = tpu.memref_squeeze %dma_wait3A_107 : memref<1x!tpu.dma_semaphore, #tpu.memory_space<semaphore_mem>> -> memref<!tpu.dma_semaphore, #tpu.memory_space<semaphore_mem>>
    tpu.wait_indirect_dma semaphore(%dma_wait3A_108 : memref<!tpu.dma_semaphore, #tpu.memory_space<semaphore_mem>>) src(%dma_wait3A_106 : memref<1000000x64xf32, #tpu.memory_space<hbm>>) dst(%dma_wait3A_100 : memref<128x64xf32, #tpu.memory_space<vmem>>)
    %add3A_109 = arith.constant 128 : i32
    %add3A_110 = arith.addi %mul3A_2, %add3A_109 : i32
    %dma_start3A_111 = arith.constant 1 : i32
    %dma_start3A_112 = arith.constant 1 : i32
    %dma_start3A_113 = arith.constant 0 : i32
    %dma_start3A_114 = arith.constant 0 : i32
    %dma_start3A_115 = tpu.memref_slice %arg6[%dma_start3A_111, %dma_start3A_113, %dma_start3A_114] : memref<8x128x64xf32, #tpu.memory_space<vmem>> -> memref<1x128x64xf32, #tpu.memory_space<vmem>>
    %dma_start3A_116 = tpu.memref_squeeze %dma_start3A_115 : memref<1x128x64xf32, #tpu.memory_space<vmem>> -> memref<128x64xf32, #tpu.memory_space<vmem>>
    %dma_start3A_117 = arith.constant 0 : i32
    %dma_start3A_118 = tpu.memref_slice %arg4[%add3A_110, %dma_start3A_117] : memref<819200x64xf32, #tpu.memory_space<hbm>> -> memref<128x64xf32, #tpu.memory_space<hbm>>
    %dma_start3A_119 = tpu.memref_slice %arg8[%dma_start3A_112] : memref<8x!tpu.dma_semaphore, #tpu.memory_space<semaphore_mem>> -> memref<1x!tpu.dma_semaphore, #tpu.memory_space<semaphore_mem>>
    %dma_start3A_120 = tpu.memref_squeeze %dma_start3A_119 : memref<1x!tpu.dma_semaphore, #tpu.memory_space<semaphore_mem>> -> memref<!tpu.dma_semaphore, #tpu.memory_space<semaphore_mem>>
    %dma_start3A_121 = arith.constant 0 : i32
    %dma_start3A_122 = tpu.memref_slice %arg4[%add3A_110, %dma_start3A_121] : memref<819200x64xf32, #tpu.memory_space<hbm>> -> memref<128x64xf32, #tpu.memory_space<hbm>>
    %dma_start3A_123 = arith.constant 0 : i32
    %dma_start3A_124 = arith.constant 0 : i32
    %dma_start3A_125 = tpu.memref_slice %arg6[%dma_start3A_111, %dma_start3A_123, %dma_start3A_124] : memref<8x128x64xf32, #tpu.memory_space<vmem>> -> memref<1x128x64xf32, #tpu.memory_space<vmem>>
    %dma_start3A_126 = tpu.memref_squeeze %dma_start3A_125 : memref<1x128x64xf32, #tpu.memory_space<vmem>> -> memref<128x64xf32, #tpu.memory_space<vmem>>
    tpu.enqueue_dma source(%dma_start3A_126 : memref<128x64xf32, #tpu.memory_space<vmem>>) target(%dma_start3A_122 : memref<128x64xf32, #tpu.memory_space<hbm>>) target_semaphore(%dma_start3A_120 : memref<!tpu.dma_semaphore, #tpu.memory_space<semaphore_mem>>)
    %dma_wait3A_127 = arith.constant 2 : i32
    %dma_wait3A_128 = arith.constant 2 : i32
    %dma_wait3A_129 = arith.constant 2 : i32
    %dma_wait3A_130 = arith.constant 0 : i32
    %dma_wait3A_131 = arith.constant 0 : i32
    %dma_wait3A_132 = tpu.memref_slice %arg6[%dma_wait3A_128, %dma_wait3A_130, %dma_wait3A_131] : memref<8x128x64xf32, #tpu.memory_space<vmem>> -> memref<1x128x64xf32, #tpu.memory_space<vmem>>
    %dma_wait3A_133 = tpu.memref_squeeze %dma_wait3A_132 : memref<1x128x64xf32, #tpu.memory_space<vmem>> -> memref<128x64xf32, #tpu.memory_space<vmem>>
    %dma_wait3A_134 = arith.constant 0 : i32
    %dma_wait3A_135 = tpu.memref_slice %arg5[%dma_wait3A_127, %dma_wait3A_134] : memref<200x128xi32, #tpu.memory_space<vmem>> -> memref<1x128xi32, #tpu.memory_space<vmem>>
    %dma_wait3A_136 = tpu.memref_squeeze %dma_wait3A_135 : memref<1x128xi32, #tpu.memory_space<vmem>> -> memref<128xi32, #tpu.memory_space<vmem>>
    %dma_wait3A_137 = arith.constant 0 : i32
    %dma_wait3A_138 = arith.constant 0 : i32
    %dma_wait3A_139 = tpu.memref_slice %arg3[%dma_wait3A_137, %dma_wait3A_138] : memref<1000000x64xf32, #tpu.memory_space<hbm>> -> memref<1000000x64xf32, #tpu.memory_space<hbm>>
    %dma_wait3A_140 = tpu.memref_slice %arg7[%dma_wait3A_129] : memref<8x!tpu.dma_semaphore, #tpu.memory_space<semaphore_mem>> -> memref<1x!tpu.dma_semaphore, #tpu.memory_space<semaphore_mem>>
    %dma_wait3A_141 = tpu.memref_squeeze %dma_wait3A_140 : memref<1x!tpu.dma_semaphore, #tpu.memory_space<semaphore_mem>> -> memref<!tpu.dma_semaphore, #tpu.memory_space<semaphore_mem>>
    tpu.wait_indirect_dma semaphore(%dma_wait3A_141 : memref<!tpu.dma_semaphore, #tpu.memory_space<semaphore_mem>>) src(%dma_wait3A_139 : memref<1000000x64xf32, #tpu.memory_space<hbm>>) dst(%dma_wait3A_133 : memref<128x64xf32, #tpu.memory_space<vmem>>)
    %add3A_142 = arith.constant 256 : i32
    %add3A_143 = arith.addi %mul3A_2, %add3A_142 : i32
    %dma_start3A_144 = arith.constant 2 : i32
    %dma_start3A_145 = arith.constant 2 : i32
    %dma_start3A_146 = arith.constant 0 : i32
    %dma_start3A_147 = arith.constant 0 : i32
    %dma_start3A_148 = tpu.memref_slice %arg6[%dma_start3A_144, %dma_start3A_146, %dma_start3A_147] : memref<8x128x64xf32, #tpu.memory_space<vmem>> -> memref<1x128x64xf32, #tpu.memory_space<vmem>>
    %dma_start3A_149 = tpu.memref_squeeze %dma_start3A_148 : memref<1x128x64xf32, #tpu.memory_space<vmem>> -> memref<128x64xf32, #tpu.memory_space<vmem>>
    %dma_start3A_150 = arith.constant 0 : i32
    %dma_start3A_151 = tpu.memref_slice %arg4[%add3A_143, %dma_start3A_150] : memref<819200x64xf32, #tpu.memory_space<hbm>> -> memref<128x64xf32, #tpu.memory_space<hbm>>
    %dma_start3A_152 = tpu.memref_slice %arg8[%dma_start3A_145] : memref<8x!tpu.dma_semaphore, #tpu.memory_space<semaphore_mem>> -> memref<1x!tpu.dma_semaphore, #tpu.memory_space<semaphore_mem>>
    %dma_start3A_153 = tpu.memref_squeeze %dma_start3A_152 : memref<1x!tpu.dma_semaphore, #tpu.memory_space<semaphore_mem>> -> memref<!tpu.dma_semaphore, #tpu.memory_space<semaphore_mem>>
    %dma_start3A_154 = arith.constant 0 : i32
    %dma_start3A_155 = tpu.memref_slice %arg4[%add3A_143, %dma_start3A_154] : memref<819200x64xf32, #tpu.memory_space<hbm>> -> memref<128x64xf32, #tpu.memory_space<hbm>>
    %dma_start3A_156 = arith.constant 0 : i32
    %dma_start3A_157 = arith.constant 0 : i32
    %dma_start3A_158 = tpu.memref_slice %arg6[%dma_start3A_144, %dma_start3A_156, %dma_start3A_157] : memref<8x128x64xf32, #tpu.memory_space<vmem>> -> memref<1x128x64xf32, #tpu.memory_space<vmem>>
    %dma_start3A_159 = tpu.memref_squeeze %dma_start3A_158 : memref<1x128x64xf32, #tpu.memory_space<vmem>> -> memref<128x64xf32, #tpu.memory_space<vmem>>
    tpu.enqueue_dma source(%dma_start3A_159 : memref<128x64xf32, #tpu.memory_space<vmem>>) target(%dma_start3A_155 : memref<128x64xf32, #tpu.memory_space<hbm>>) target_semaphore(%dma_start3A_153 : memref<!tpu.dma_semaphore, #tpu.memory_space<semaphore_mem>>)
    %dma_wait3A_160 = arith.constant 3 : i32
    %dma_wait3A_161 = arith.constant 3 : i32
    %dma_wait3A_162 = arith.constant 3 : i32
    %dma_wait3A_163 = arith.constant 0 : i32
    %dma_wait3A_164 = arith.constant 0 : i32
    %dma_wait3A_165 = tpu.memref_slice %arg6[%dma_wait3A_161, %dma_wait3A_163, %dma_wait3A_164] : memref<8x128x64xf32, #tpu.memory_space<vmem>> -> memref<1x128x64xf32, #tpu.memory_space<vmem>>
    %dma_wait3A_166 = tpu.memref_squeeze %dma_wait3A_165 : memref<1x128x64xf32, #tpu.memory_space<vmem>> -> memref<128x64xf32, #tpu.memory_space<vmem>>
    %dma_wait3A_167 = arith.constant 0 : i32
    %dma_wait3A_168 = tpu.memref_slice %arg5[%dma_wait3A_160, %dma_wait3A_167] : memref<200x128xi32, #tpu.memory_space<vmem>> -> memref<1x128xi32, #tpu.memory_space<vmem>>
    %dma_wait3A_169 = tpu.memref_squeeze %dma_wait3A_168 : memref<1x128xi32, #tpu.memory_space<vmem>> -> memref<128xi32, #tpu.memory_space<vmem>>
    %dma_wait3A_170 = arith.constant 0 : i32
    %dma_wait3A_171 = arith.constant 0 : i32
    %dma_wait3A_172 = tpu.memref_slice %arg3[%dma_wait3A_170, %dma_wait3A_171] : memref<1000000x64xf32, #tpu.memory_space<hbm>> -> memref<1000000x64xf32, #tpu.memory_space<hbm>>
    %dma_wait3A_173 = tpu.memref_slice %arg7[%dma_wait3A_162] : memref<8x!tpu.dma_semaphore, #tpu.memory_space<semaphore_mem>> -> memref<1x!tpu.dma_semaphore, #tpu.memory_space<semaphore_mem>>
    %dma_wait3A_174 = tpu.memref_squeeze %dma_wait3A_173 : memref<1x!tpu.dma_semaphore, #tpu.memory_space<semaphore_mem>> -> memref<!tpu.dma_semaphore, #tpu.memory_space<semaphore_mem>>
    tpu.wait_indirect_dma semaphore(%dma_wait3A_174 : memref<!tpu.dma_semaphore, #tpu.memory_space<semaphore_mem>>) src(%dma_wait3A_172 : memref<1000000x64xf32, #tpu.memory_space<hbm>>) dst(%dma_wait3A_166 : memref<128x64xf32, #tpu.memory_space<vmem>>)
    %add3A_175 = arith.constant 384 : i32
    %add3A_176 = arith.addi %mul3A_2, %add3A_175 : i32
    %dma_start3A_177 = arith.constant 3 : i32
    %dma_start3A_178 = arith.constant 3 : i32
    %dma_start3A_179 = arith.constant 0 : i32
    %dma_start3A_180 = arith.constant 0 : i32
    %dma_start3A_181 = tpu.memref_slice %arg6[%dma_start3A_177, %dma_start3A_179, %dma_start3A_180] : memref<8x128x64xf32, #tpu.memory_space<vmem>> -> memref<1x128x64xf32, #tpu.memory_space<vmem>>
    %dma_start3A_182 = tpu.memref_squeeze %dma_start3A_181 : memref<1x128x64xf32, #tpu.memory_space<vmem>> -> memref<128x64xf32, #tpu.memory_space<vmem>>
    %dma_start3A_183 = arith.constant 0 : i32
    %dma_start3A_184 = tpu.memref_slice %arg4[%add3A_176, %dma_start3A_183] : memref<819200x64xf32, #tpu.memory_space<hbm>> -> memref<128x64xf32, #tpu.memory_space<hbm>>
    %dma_start3A_185 = tpu.memref_slice %arg8[%dma_start3A_178] : memref<8x!tpu.dma_semaphore, #tpu.memory_space<semaphore_mem>> -> memref<1x!tpu.dma_semaphore, #tpu.memory_space<semaphore_mem>>
    %dma_start3A_186 = tpu.memref_squeeze %dma_start3A_185 : memref<1x!tpu.dma_semaphore, #tpu.memory_space<semaphore_mem>> -> memref<!tpu.dma_semaphore, #tpu.memory_space<semaphore_mem>>
    %dma_start3A_187 = arith.constant 0 : i32
    %dma_start3A_188 = tpu.memref_slice %arg4[%add3A_176, %dma_start3A_187] : memref<819200x64xf32, #tpu.memory_space<hbm>> -> memref<128x64xf32, #tpu.memory_space<hbm>>
    %dma_start3A_189 = arith.constant 0 : i32
    %dma_start3A_190 = arith.constant 0 : i32
    %dma_start3A_191 = tpu.memref_slice %arg6[%dma_start3A_177, %dma_start3A_189, %dma_start3A_190] : memref<8x128x64xf32, #tpu.memory_space<vmem>> -> memref<1x128x64xf32, #tpu.memory_space<vmem>>
    %dma_start3A_192 = tpu.memref_squeeze %dma_start3A_191 : memref<1x128x64xf32, #tpu.memory_space<vmem>> -> memref<128x64xf32, #tpu.memory_space<vmem>>
    tpu.enqueue_dma source(%dma_start3A_192 : memref<128x64xf32, #tpu.memory_space<vmem>>) target(%dma_start3A_188 : memref<128x64xf32, #tpu.memory_space<hbm>>) target_semaphore(%dma_start3A_186 : memref<!tpu.dma_semaphore, #tpu.memory_space<semaphore_mem>>)
    %dma_start3A_193 = arith.constant 4 : i32
    %dma_start3A_194 = arith.constant 4 : i32
    %dma_start3A_195 = arith.constant 4 : i32
    %dma_start3A_196 = arith.constant 0 : i32
    %dma_start3A_197 = arith.constant 0 : i32
    %dma_start3A_198 = tpu.memref_slice %arg6[%dma_start3A_194, %dma_start3A_196, %dma_start3A_197] : memref<8x128x64xf32, #tpu.memory_space<vmem>> -> memref<1x128x64xf32, #tpu.memory_space<vmem>>
    %dma_start3A_199 = tpu.memref_squeeze %dma_start3A_198 : memref<1x128x64xf32, #tpu.memory_space<vmem>> -> memref<128x64xf32, #tpu.memory_space<vmem>>
    %dma_start3A_200 = arith.constant 0 : i32
    %dma_start3A_201 = tpu.memref_slice %arg5[%dma_start3A_193, %dma_start3A_200] : memref<200x128xi32, #tpu.memory_space<vmem>> -> memref<1x128xi32, #tpu.memory_space<vmem>>
    %dma_start3A_202 = tpu.memref_squeeze %dma_start3A_201 : memref<1x128xi32, #tpu.memory_space<vmem>> -> memref<128xi32, #tpu.memory_space<vmem>>
    %dma_start3A_203 = arith.constant 0 : i32
    %dma_start3A_204 = arith.constant 0 : i32
    %dma_start3A_205 = tpu.memref_slice %arg3[%dma_start3A_203, %dma_start3A_204] : memref<1000000x64xf32, #tpu.memory_space<hbm>> -> memref<1000000x64xf32, #tpu.memory_space<hbm>>
    %dma_start3A_206 = tpu.memref_slice %arg7[%dma_start3A_195] : memref<8x!tpu.dma_semaphore, #tpu.memory_space<semaphore_mem>> -> memref<1x!tpu.dma_semaphore, #tpu.memory_space<semaphore_mem>>
    %dma_start3A_207 = tpu.memref_squeeze %dma_start3A_206 : memref<1x!tpu.dma_semaphore, #tpu.memory_space<semaphore_mem>> -> memref<!tpu.dma_semaphore, #tpu.memory_space<semaphore_mem>>
    tpu.enqueue_indirect_dma source(%dma_start3A_205 : memref<1000000x64xf32, #tpu.memory_space<hbm>>) target(%dma_start3A_199 : memref<128x64xf32, #tpu.memory_space<vmem>>) offsets(%dma_start3A_202 : memref<128xi32, #tpu.memory_space<vmem>>) semaphore(%dma_start3A_207 : memref<!tpu.dma_semaphore, #tpu.memory_space<semaphore_mem>>)
    %dma_start3A_208 = arith.constant 5 : i32
    %dma_start3A_209 = arith.constant 5 : i32
    %dma_start3A_210 = arith.constant 5 : i32
    %dma_start3A_211 = arith.constant 0 : i32
    %dma_start3A_212 = arith.constant 0 : i32
    %dma_start3A_213 = tpu.memref_slice %arg6[%dma_start3A_209, %dma_start3A_211, %dma_start3A_212] : memref<8x128x64xf32, #tpu.memory_space<vmem>> -> memref<1x128x64xf32, #tpu.memory_space<vmem>>
    %dma_start3A_214 = tpu.memref_squeeze %dma_start3A_213 : memref<1x128x64xf32, #tpu.memory_space<vmem>> -> memref<128x64xf32, #tpu.memory_space<vmem>>
    %dma_start3A_215 = arith.constant 0 : i32
    %dma_start3A_216 = tpu.memref_slice %arg5[%dma_start3A_208, %dma_start3A_215] : memref<200x128xi32, #tpu.memory_space<vmem>> -> memref<1x128xi32, #tpu.memory_space<vmem>>
    %dma_start3A_217 = tpu.memref_squeeze %dma_start3A_216 : memref<1x128xi32, #tpu.memory_space<vmem>> -> memref<128xi32, #tpu.memory_space<vmem>>
    %dma_start3A_218 = arith.constant 0 : i32
    %dma_start3A_219 = arith.constant 0 : i32
    %dma_start3A_220 = tpu.memref_slice %arg3[%dma_start3A_218, %dma_start3A_219] : memref<1000000x64xf32, #tpu.memory_space<hbm>> -> memref<1000000x64xf32, #tpu.memory_space<hbm>>
    %dma_start3A_221 = tpu.memref_slice %arg7[%dma_start3A_210] : memref<8x!tpu.dma_semaphore, #tpu.memory_space<semaphore_mem>> -> memref<1x!tpu.dma_semaphore, #tpu.memory_space<semaphore_mem>>
    %dma_start3A_222 = tpu.memref_squeeze %dma_start3A_221 : memref<1x!tpu.dma_semaphore, #tpu.memory_space<semaphore_mem>> -> memref<!tpu.dma_semaphore, #tpu.memory_space<semaphore_mem>>
    tpu.enqueue_indirect_dma source(%dma_start3A_220 : memref<1000000x64xf32, #tpu.memory_space<hbm>>) target(%dma_start3A_214 : memref<128x64xf32, #tpu.memory_space<vmem>>) offsets(%dma_start3A_217 : memref<128xi32, #tpu.memory_space<vmem>>) semaphore(%dma_start3A_222 : memref<!tpu.dma_semaphore, #tpu.memory_space<semaphore_mem>>)
    %dma_start3A_223 = arith.constant 6 : i32
    %dma_start3A_224 = arith.constant 6 : i32
    %dma_start3A_225 = arith.constant 6 : i32
    %dma_start3A_226 = arith.constant 0 : i32
    %dma_start3A_227 = arith.constant 0 : i32
    %dma_start3A_228 = tpu.memref_slice %arg6[%dma_start3A_224, %dma_start3A_226, %dma_start3A_227] : memref<8x128x64xf32, #tpu.memory_space<vmem>> -> memref<1x128x64xf32, #tpu.memory_space<vmem>>
    %dma_start3A_229 = tpu.memref_squeeze %dma_start3A_228 : memref<1x128x64xf32, #tpu.memory_space<vmem>> -> memref<128x64xf32, #tpu.memory_space<vmem>>
    %dma_start3A_230 = arith.constant 0 : i32
    %dma_start3A_231 = tpu.memref_slice %arg5[%dma_start3A_223, %dma_start3A_230] : memref<200x128xi32, #tpu.memory_space<vmem>> -> memref<1x128xi32, #tpu.memory_space<vmem>>
    %dma_start3A_232 = tpu.memref_squeeze %dma_start3A_231 : memref<1x128xi32, #tpu.memory_space<vmem>> -> memref<128xi32, #tpu.memory_space<vmem>>
    %dma_start3A_233 = arith.constant 0 : i32
    %dma_start3A_234 = arith.constant 0 : i32
    %dma_start3A_235 = tpu.memref_slice %arg3[%dma_start3A_233, %dma_start3A_234] : memref<1000000x64xf32, #tpu.memory_space<hbm>> -> memref<1000000x64xf32, #tpu.memory_space<hbm>>
    %dma_start3A_236 = tpu.memref_slice %arg7[%dma_start3A_225] : memref<8x!tpu.dma_semaphore, #tpu.memory_space<semaphore_mem>> -> memref<1x!tpu.dma_semaphore, #tpu.memory_space<semaphore_mem>>
    %dma_start3A_237 = tpu.memref_squeeze %dma_start3A_236 : memref<1x!tpu.dma_semaphore, #tpu.memory_space<semaphore_mem>> -> memref<!tpu.dma_semaphore, #tpu.memory_space<semaphore_mem>>
    tpu.enqueue_indirect_dma source(%dma_start3A_235 : memref<1000000x64xf32, #tpu.memory_space<hbm>>) target(%dma_start3A_229 : memref<128x64xf32, #tpu.memory_space<vmem>>) offsets(%dma_start3A_232 : memref<128xi32, #tpu.memory_space<vmem>>) semaphore(%dma_start3A_237 : memref<!tpu.dma_semaphore, #tpu.memory_space<semaphore_mem>>)
    %dma_start3A_238 = arith.constant 7 : i32
    %dma_start3A_239 = arith.constant 7 : i32
    %dma_start3A_240 = arith.constant 7 : i32
    %dma_start3A_241 = arith.constant 0 : i32
    %dma_start3A_242 = arith.constant 0 : i32
    %dma_start3A_243 = tpu.memref_slice %arg6[%dma_start3A_239, %dma_start3A_241, %dma_start3A_242] : memref<8x128x64xf32, #tpu.memory_space<vmem>> -> memref<1x128x64xf32, #tpu.memory_space<vmem>>
    %dma_start3A_244 = tpu.memref_squeeze %dma_start3A_243 : memref<1x128x64xf32, #tpu.memory_space<vmem>> -> memref<128x64xf32, #tpu.memory_space<vmem>>
    %dma_start3A_245 = arith.constant 0 : i32
    %dma_start3A_246 = tpu.memref_slice %arg5[%dma_start3A_238, %dma_start3A_245] : memref<200x128xi32, #tpu.memory_space<vmem>> -> memref<1x128xi32, #tpu.memory_space<vmem>>
    %dma_start3A_247 = tpu.memref_squeeze %dma_start3A_246 : memref<1x128xi32, #tpu.memory_space<vmem>> -> memref<128xi32, #tpu.memory_space<vmem>>
    %dma_start3A_248 = arith.constant 0 : i32
    %dma_start3A_249 = arith.constant 0 : i32
    %dma_start3A_250 = tpu.memref_slice %arg3[%dma_start3A_248, %dma_start3A_249] : memref<1000000x64xf32, #tpu.memory_space<hbm>> -> memref<1000000x64xf32, #tpu.memory_space<hbm>>
    %dma_start3A_251 = tpu.memref_slice %arg7[%dma_start3A_240] : memref<8x!tpu.dma_semaphore, #tpu.memory_space<semaphore_mem>> -> memref<1x!tpu.dma_semaphore, #tpu.memory_space<semaphore_mem>>
    %dma_start3A_252 = tpu.memref_squeeze %dma_start3A_251 : memref<1x!tpu.dma_semaphore, #tpu.memory_space<semaphore_mem>> -> memref<!tpu.dma_semaphore, #tpu.memory_space<semaphore_mem>>
    tpu.enqueue_indirect_dma source(%dma_start3A_250 : memref<1000000x64xf32, #tpu.memory_space<hbm>>) target(%dma_start3A_244 : memref<128x64xf32, #tpu.memory_space<vmem>>) offsets(%dma_start3A_247 : memref<128xi32, #tpu.memory_space<vmem>>) semaphore(%dma_start3A_252 : memref<!tpu.dma_semaphore, #tpu.memory_space<semaphore_mem>>)
    %dma_wait3A_253 = arith.constant 4 : i32
    %dma_wait3A_254 = arith.constant 4 : i32
    %dma_wait3A_255 = arith.constant 4 : i32
    %dma_wait3A_256 = arith.constant 0 : i32
    %dma_wait3A_257 = arith.constant 0 : i32
    %dma_wait3A_258 = tpu.memref_slice %arg6[%dma_wait3A_254, %dma_wait3A_256, %dma_wait3A_257] : memref<8x128x64xf32, #tpu.memory_space<vmem>> -> memref<1x128x64xf32, #tpu.memory_space<vmem>>
    %dma_wait3A_259 = tpu.memref_squeeze %dma_wait3A_258 : memref<1x128x64xf32, #tpu.memory_space<vmem>> -> memref<128x64xf32, #tpu.memory_space<vmem>>
    %dma_wait3A_260 = arith.constant 0 : i32
    %dma_wait3A_261 = tpu.memref_slice %arg5[%dma_wait3A_253, %dma_wait3A_260] : memref<200x128xi32, #tpu.memory_space<vmem>> -> memref<1x128xi32, #tpu.memory_space<vmem>>
    %dma_wait3A_262 = tpu.memref_squeeze %dma_wait3A_261 : memref<1x128xi32, #tpu.memory_space<vmem>> -> memref<128xi32, #tpu.memory_space<vmem>>
    %dma_wait3A_263 = arith.constant 0 : i32
    %dma_wait3A_264 = arith.constant 0 : i32
    %dma_wait3A_265 = tpu.memref_slice %arg3[%dma_wait3A_263, %dma_wait3A_264] : memref<1000000x64xf32, #tpu.memory_space<hbm>> -> memref<1000000x64xf32, #tpu.memory_space<hbm>>
    %dma_wait3A_266 = tpu.memref_slice %arg7[%dma_wait3A_255] : memref<8x!tpu.dma_semaphore, #tpu.memory_space<semaphore_mem>> -> memref<1x!tpu.dma_semaphore, #tpu.memory_space<semaphore_mem>>
    %dma_wait3A_267 = tpu.memref_squeeze %dma_wait3A_266 : memref<1x!tpu.dma_semaphore, #tpu.memory_space<semaphore_mem>> -> memref<!tpu.dma_semaphore, #tpu.memory_space<semaphore_mem>>
    tpu.wait_indirect_dma semaphore(%dma_wait3A_267 : memref<!tpu.dma_semaphore, #tpu.memory_space<semaphore_mem>>) src(%dma_wait3A_265 : memref<1000000x64xf32, #tpu.memory_space<hbm>>) dst(%dma_wait3A_259 : memref<128x64xf32, #tpu.memory_space<vmem>>)
    %add3A_268 = arith.constant 512 : i32
    %add3A_269 = arith.addi %mul3A_2, %add3A_268 : i32
    %dma_start3A_270 = arith.constant 4 : i32
    %dma_start3A_271 = arith.constant 4 : i32
    %dma_start3A_272 = arith.constant 0 : i32
    %dma_start3A_273 = arith.constant 0 : i32
    %dma_start3A_274 = tpu.memref_slice %arg6[%dma_start3A_270, %dma_start3A_272, %dma_start3A_273] : memref<8x128x64xf32, #tpu.memory_space<vmem>> -> memref<1x128x64xf32, #tpu.memory_space<vmem>>
    %dma_start3A_275 = tpu.memref_squeeze %dma_start3A_274 : memref<1x128x64xf32, #tpu.memory_space<vmem>> -> memref<128x64xf32, #tpu.memory_space<vmem>>
    %dma_start3A_276 = arith.constant 0 : i32
    %dma_start3A_277 = tpu.memref_slice %arg4[%add3A_269, %dma_start3A_276] : memref<819200x64xf32, #tpu.memory_space<hbm>> -> memref<128x64xf32, #tpu.memory_space<hbm>>
    %dma_start3A_278 = tpu.memref_slice %arg8[%dma_start3A_271] : memref<8x!tpu.dma_semaphore, #tpu.memory_space<semaphore_mem>> -> memref<1x!tpu.dma_semaphore, #tpu.memory_space<semaphore_mem>>
    %dma_start3A_279 = tpu.memref_squeeze %dma_start3A_278 : memref<1x!tpu.dma_semaphore, #tpu.memory_space<semaphore_mem>> -> memref<!tpu.dma_semaphore, #tpu.memory_space<semaphore_mem>>
    %dma_start3A_280 = arith.constant 0 : i32
    %dma_start3A_281 = tpu.memref_slice %arg4[%add3A_269, %dma_start3A_280] : memref<819200x64xf32, #tpu.memory_space<hbm>> -> memref<128x64xf32, #tpu.memory_space<hbm>>
    %dma_start3A_282 = arith.constant 0 : i32
    %dma_start3A_283 = arith.constant 0 : i32
    %dma_start3A_284 = tpu.memref_slice %arg6[%dma_start3A_270, %dma_start3A_282, %dma_start3A_283] : memref<8x128x64xf32, #tpu.memory_space<vmem>> -> memref<1x128x64xf32, #tpu.memory_space<vmem>>
    %dma_start3A_285 = tpu.memref_squeeze %dma_start3A_284 : memref<1x128x64xf32, #tpu.memory_space<vmem>> -> memref<128x64xf32, #tpu.memory_space<vmem>>
    tpu.enqueue_dma source(%dma_start3A_285 : memref<128x64xf32, #tpu.memory_space<vmem>>) target(%dma_start3A_281 : memref<128x64xf32, #tpu.memory_space<hbm>>) target_semaphore(%dma_start3A_279 : memref<!tpu.dma_semaphore, #tpu.memory_space<semaphore_mem>>)
    %dma_wait3A_286 = arith.constant 5 : i32
    %dma_wait3A_287 = arith.constant 5 : i32
    %dma_wait3A_288 = arith.constant 5 : i32
    %dma_wait3A_289 = arith.constant 0 : i32
    %dma_wait3A_290 = arith.constant 0 : i32
    %dma_wait3A_291 = tpu.memref_slice %arg6[%dma_wait3A_287, %dma_wait3A_289, %dma_wait3A_290] : memref<8x128x64xf32, #tpu.memory_space<vmem>> -> memref<1x128x64xf32, #tpu.memory_space<vmem>>
    %dma_wait3A_292 = tpu.memref_squeeze %dma_wait3A_291 : memref<1x128x64xf32, #tpu.memory_space<vmem>> -> memref<128x64xf32, #tpu.memory_space<vmem>>
    %dma_wait3A_293 = arith.constant 0 : i32
    %dma_wait3A_294 = tpu.memref_slice %arg5[%dma_wait3A_286, %dma_wait3A_293] : memref<200x128xi32, #tpu.memory_space<vmem>> -> memref<1x128xi32, #tpu.memory_space<vmem>>
    %dma_wait3A_295 = tpu.memref_squeeze %dma_wait3A_294 : memref<1x128xi32, #tpu.memory_space<vmem>> -> memref<128xi32, #tpu.memory_space<vmem>>
    %dma_wait3A_296 = arith.constant 0 : i32
    %dma_wait3A_297 = arith.constant 0 : i32
    %dma_wait3A_298 = tpu.memref_slice %arg3[%dma_wait3A_296, %dma_wait3A_297] : memref<1000000x64xf32, #tpu.memory_space<hbm>> -> memref<1000000x64xf32, #tpu.memory_space<hbm>>
    %dma_wait3A_299 = tpu.memref_slice %arg7[%dma_wait3A_288] : memref<8x!tpu.dma_semaphore, #tpu.memory_space<semaphore_mem>> -> memref<1x!tpu.dma_semaphore, #tpu.memory_space<semaphore_mem>>
    %dma_wait3A_300 = tpu.memref_squeeze %dma_wait3A_299 : memref<1x!tpu.dma_semaphore, #tpu.memory_space<semaphore_mem>> -> memref<!tpu.dma_semaphore, #tpu.memory_space<semaphore_mem>>
    tpu.wait_indirect_dma semaphore(%dma_wait3A_300 : memref<!tpu.dma_semaphore, #tpu.memory_space<semaphore_mem>>) src(%dma_wait3A_298 : memref<1000000x64xf32, #tpu.memory_space<hbm>>) dst(%dma_wait3A_292 : memref<128x64xf32, #tpu.memory_space<vmem>>)
    %add3A_301 = arith.constant 640 : i32
    %add3A_302 = arith.addi %mul3A_2, %add3A_301 : i32
    %dma_start3A_303 = arith.constant 5 : i32
    %dma_start3A_304 = arith.constant 5 : i32
    %dma_start3A_305 = arith.constant 0 : i32
    %dma_start3A_306 = arith.constant 0 : i32
    %dma_start3A_307 = tpu.memref_slice %arg6[%dma_start3A_303, %dma_start3A_305, %dma_start3A_306] : memref<8x128x64xf32, #tpu.memory_space<vmem>> -> memref<1x128x64xf32, #tpu.memory_space<vmem>>
    %dma_start3A_308 = tpu.memref_squeeze %dma_start3A_307 : memref<1x128x64xf32, #tpu.memory_space<vmem>> -> memref<128x64xf32, #tpu.memory_space<vmem>>
    %dma_start3A_309 = arith.constant 0 : i32
    %dma_start3A_310 = tpu.memref_slice %arg4[%add3A_302, %dma_start3A_309] : memref<819200x64xf32, #tpu.memory_space<hbm>> -> memref<128x64xf32, #tpu.memory_space<hbm>>
    %dma_start3A_311 = tpu.memref_slice %arg8[%dma_start3A_304] : memref<8x!tpu.dma_semaphore, #tpu.memory_space<semaphore_mem>> -> memref<1x!tpu.dma_semaphore, #tpu.memory_space<semaphore_mem>>
    %dma_start3A_312 = tpu.memref_squeeze %dma_start3A_311 : memref<1x!tpu.dma_semaphore, #tpu.memory_space<semaphore_mem>> -> memref<!tpu.dma_semaphore, #tpu.memory_space<semaphore_mem>>
    %dma_start3A_313 = arith.constant 0 : i32
    %dma_start3A_314 = tpu.memref_slice %arg4[%add3A_302, %dma_start3A_313] : memref<819200x64xf32, #tpu.memory_space<hbm>> -> memref<128x64xf32, #tpu.memory_space<hbm>>
    %dma_start3A_315 = arith.constant 0 : i32
    %dma_start3A_316 = arith.constant 0 : i32
    %dma_start3A_317 = tpu.memref_slice %arg6[%dma_start3A_303, %dma_start3A_315, %dma_start3A_316] : memref<8x128x64xf32, #tpu.memory_space<vmem>> -> memref<1x128x64xf32, #tpu.memory_space<vmem>>
    %dma_start3A_318 = tpu.memref_squeeze %dma_start3A_317 : memref<1x128x64xf32, #tpu.memory_space<vmem>> -> memref<128x64xf32, #tpu.memory_space<vmem>>
    tpu.enqueue_dma source(%dma_start3A_318 : memref<128x64xf32, #tpu.memory_space<vmem>>) target(%dma_start3A_314 : memref<128x64xf32, #tpu.memory_space<hbm>>) target_semaphore(%dma_start3A_312 : memref<!tpu.dma_semaphore, #tpu.memory_space<semaphore_mem>>)
    %dma_wait3A_319 = arith.constant 6 : i32
    %dma_wait3A_320 = arith.constant 6 : i32
    %dma_wait3A_321 = arith.constant 6 : i32
    %dma_wait3A_322 = arith.constant 0 : i32
    %dma_wait3A_323 = arith.constant 0 : i32
    %dma_wait3A_324 = tpu.memref_slice %arg6[%dma_wait3A_320, %dma_wait3A_322, %dma_wait3A_323] : memref<8x128x64xf32, #tpu.memory_space<vmem>> -> memref<1x128x64xf32, #tpu.memory_space<vmem>>
    %dma_wait3A_325 = tpu.memref_squeeze %dma_wait3A_324 : memref<1x128x64xf32, #tpu.memory_space<vmem>> -> memref<128x64xf32, #tpu.memory_space<vmem>>
    %dma_wait3A_326 = arith.constant 0 : i32
    %dma_wait3A_327 = tpu.memref_slice %arg5[%dma_wait3A_319, %dma_wait3A_326] : memref<200x128xi32, #tpu.memory_space<vmem>> -> memref<1x128xi32, #tpu.memory_space<vmem>>
    %dma_wait3A_328 = tpu.memref_squeeze %dma_wait3A_327 : memref<1x128xi32, #tpu.memory_space<vmem>> -> memref<128xi32, #tpu.memory_space<vmem>>
    %dma_wait3A_329 = arith.constant 0 : i32
    %dma_wait3A_330 = arith.constant 0 : i32
    %dma_wait3A_331 = tpu.memref_slice %arg3[%dma_wait3A_329, %dma_wait3A_330] : memref<1000000x64xf32, #tpu.memory_space<hbm>> -> memref<1000000x64xf32, #tpu.memory_space<hbm>>
    %dma_wait3A_332 = tpu.memref_slice %arg7[%dma_wait3A_321] : memref<8x!tpu.dma_semaphore, #tpu.memory_space<semaphore_mem>> -> memref<1x!tpu.dma_semaphore, #tpu.memory_space<semaphore_mem>>
    %dma_wait3A_333 = tpu.memref_squeeze %dma_wait3A_332 : memref<1x!tpu.dma_semaphore, #tpu.memory_space<semaphore_mem>> -> memref<!tpu.dma_semaphore, #tpu.memory_space<semaphore_mem>>
    tpu.wait_indirect_dma semaphore(%dma_wait3A_333 : memref<!tpu.dma_semaphore, #tpu.memory_space<semaphore_mem>>) src(%dma_wait3A_331 : memref<1000000x64xf32, #tpu.memory_space<hbm>>) dst(%dma_wait3A_325 : memref<128x64xf32, #tpu.memory_space<vmem>>)
    %add3A_334 = arith.constant 768 : i32
    %add3A_335 = arith.addi %mul3A_2, %add3A_334 : i32
    %dma_start3A_336 = arith.constant 6 : i32
    %dma_start3A_337 = arith.constant 6 : i32
    %dma_start3A_338 = arith.constant 0 : i32
    %dma_start3A_339 = arith.constant 0 : i32
    %dma_start3A_340 = tpu.memref_slice %arg6[%dma_start3A_336, %dma_start3A_338, %dma_start3A_339] : memref<8x128x64xf32, #tpu.memory_space<vmem>> -> memref<1x128x64xf32, #tpu.memory_space<vmem>>
    %dma_start3A_341 = tpu.memref_squeeze %dma_start3A_340 : memref<1x128x64xf32, #tpu.memory_space<vmem>> -> memref<128x64xf32, #tpu.memory_space<vmem>>
    %dma_start3A_342 = arith.constant 0 : i32
    %dma_start3A_343 = tpu.memref_slice %arg4[%add3A_335, %dma_start3A_342] : memref<819200x64xf32, #tpu.memory_space<hbm>> -> memref<128x64xf32, #tpu.memory_space<hbm>>
    %dma_start3A_344 = tpu.memref_slice %arg8[%dma_start3A_337] : memref<8x!tpu.dma_semaphore, #tpu.memory_space<semaphore_mem>> -> memref<1x!tpu.dma_semaphore, #tpu.memory_space<semaphore_mem>>
    %dma_start3A_345 = tpu.memref_squeeze %dma_start3A_344 : memref<1x!tpu.dma_semaphore, #tpu.memory_space<semaphore_mem>> -> memref<!tpu.dma_semaphore, #tpu.memory_space<semaphore_mem>>
    %dma_start3A_346 = arith.constant 0 : i32
    %dma_start3A_347 = tpu.memref_slice %arg4[%add3A_335, %dma_start3A_346] : memref<819200x64xf32, #tpu.memory_space<hbm>> -> memref<128x64xf32, #tpu.memory_space<hbm>>
    %dma_start3A_348 = arith.constant 0 : i32
    %dma_start3A_349 = arith.constant 0 : i32
    %dma_start3A_350 = tpu.memref_slice %arg6[%dma_start3A_336, %dma_start3A_348, %dma_start3A_349] : memref<8x128x64xf32, #tpu.memory_space<vmem>> -> memref<1x128x64xf32, #tpu.memory_space<vmem>>
    %dma_start3A_351 = tpu.memref_squeeze %dma_start3A_350 : memref<1x128x64xf32, #tpu.memory_space<vmem>> -> memref<128x64xf32, #tpu.memory_space<vmem>>
    tpu.enqueue_dma source(%dma_start3A_351 : memref<128x64xf32, #tpu.memory_space<vmem>>) target(%dma_start3A_347 : memref<128x64xf32, #tpu.memory_space<hbm>>) target_semaphore(%dma_start3A_345 : memref<!tpu.dma_semaphore, #tpu.memory_space<semaphore_mem>>)
    %dma_wait3A_352 = arith.constant 7 : i32
    %dma_wait3A_353 = arith.constant 7 : i32
    %dma_wait3A_354 = arith.constant 7 : i32
    %dma_wait3A_355 = arith.constant 0 : i32
    %dma_wait3A_356 = arith.constant 0 : i32
    %dma_wait3A_357 = tpu.memref_slice %arg6[%dma_wait3A_353, %dma_wait3A_355, %dma_wait3A_356] : memref<8x128x64xf32, #tpu.memory_space<vmem>> -> memref<1x128x64xf32, #tpu.memory_space<vmem>>
    %dma_wait3A_358 = tpu.memref_squeeze %dma_wait3A_357 : memref<1x128x64xf32, #tpu.memory_space<vmem>> -> memref<128x64xf32, #tpu.memory_space<vmem>>
    %dma_wait3A_359 = arith.constant 0 : i32
    %dma_wait3A_360 = tpu.memref_slice %arg5[%dma_wait3A_352, %dma_wait3A_359] : memref<200x128xi32, #tpu.memory_space<vmem>> -> memref<1x128xi32, #tpu.memory_space<vmem>>
    %dma_wait3A_361 = tpu.memref_squeeze %dma_wait3A_360 : memref<1x128xi32, #tpu.memory_space<vmem>> -> memref<128xi32, #tpu.memory_space<vmem>>
    %dma_wait3A_362 = arith.constant 0 : i32
    %dma_wait3A_363 = arith.constant 0 : i32
    %dma_wait3A_364 = tpu.memref_slice %arg3[%dma_wait3A_362, %dma_wait3A_363] : memref<1000000x64xf32, #tpu.memory_space<hbm>> -> memref<1000000x64xf32, #tpu.memory_space<hbm>>
    %dma_wait3A_365 = tpu.memref_slice %arg7[%dma_wait3A_354] : memref<8x!tpu.dma_semaphore, #tpu.memory_space<semaphore_mem>> -> memref<1x!tpu.dma_semaphore, #tpu.memory_space<semaphore_mem>>
    %dma_wait3A_366 = tpu.memref_squeeze %dma_wait3A_365 : memref<1x!tpu.dma_semaphore, #tpu.memory_space<semaphore_mem>> -> memref<!tpu.dma_semaphore, #tpu.memory_space<semaphore_mem>>
    tpu.wait_indirect_dma semaphore(%dma_wait3A_366 : memref<!tpu.dma_semaphore, #tpu.memory_space<semaphore_mem>>) src(%dma_wait3A_364 : memref<1000000x64xf32, #tpu.memory_space<hbm>>) dst(%dma_wait3A_358 : memref<128x64xf32, #tpu.memory_space<vmem>>)
    %add3A_367 = arith.constant 896 : i32
    %add3A_368 = arith.addi %mul3A_2, %add3A_367 : i32
    %dma_start3A_369 = arith.constant 7 : i32
    %dma_start3A_370 = arith.constant 7 : i32
    %dma_start3A_371 = arith.constant 0 : i32
    %dma_start3A_372 = arith.constant 0 : i32
    %dma_start3A_373 = tpu.memref_slice %arg6[%dma_start3A_369, %dma_start3A_371, %dma_start3A_372] : memref<8x128x64xf32, #tpu.memory_space<vmem>> -> memref<1x128x64xf32, #tpu.memory_space<vmem>>
    %dma_start3A_374 = tpu.memref_squeeze %dma_start3A_373 : memref<1x128x64xf32, #tpu.memory_space<vmem>> -> memref<128x64xf32, #tpu.memory_space<vmem>>
    %dma_start3A_375 = arith.constant 0 : i32
    %dma_start3A_376 = tpu.memref_slice %arg4[%add3A_368, %dma_start3A_375] : memref<819200x64xf32, #tpu.memory_space<hbm>> -> memref<128x64xf32, #tpu.memory_space<hbm>>
    %dma_start3A_377 = tpu.memref_slice %arg8[%dma_start3A_370] : memref<8x!tpu.dma_semaphore, #tpu.memory_space<semaphore_mem>> -> memref<1x!tpu.dma_semaphore, #tpu.memory_space<semaphore_mem>>
    %dma_start3A_378 = tpu.memref_squeeze %dma_start3A_377 : memref<1x!tpu.dma_semaphore, #tpu.memory_space<semaphore_mem>> -> memref<!tpu.dma_semaphore, #tpu.memory_space<semaphore_mem>>
    %dma_start3A_379 = arith.constant 0 : i32
    %dma_start3A_380 = tpu.memref_slice %arg4[%add3A_368, %dma_start3A_379] : memref<819200x64xf32, #tpu.memory_space<hbm>> -> memref<128x64xf32, #tpu.memory_space<hbm>>
    %dma_start3A_381 = arith.constant 0 : i32
    %dma_start3A_382 = arith.constant 0 : i32
    %dma_start3A_383 = tpu.memref_slice %arg6[%dma_start3A_369, %dma_start3A_381, %dma_start3A_382] : memref<8x128x64xf32, #tpu.memory_space<vmem>> -> memref<1x128x64xf32, #tpu.memory_space<vmem>>
    %dma_start3A_384 = tpu.memref_squeeze %dma_start3A_383 : memref<1x128x64xf32, #tpu.memory_space<vmem>> -> memref<128x64xf32, #tpu.memory_space<vmem>>
    tpu.enqueue_dma source(%dma_start3A_384 : memref<128x64xf32, #tpu.memory_space<vmem>>) target(%dma_start3A_380 : memref<128x64xf32, #tpu.memory_space<hbm>>) target_semaphore(%dma_start3A_378 : memref<!tpu.dma_semaphore, #tpu.memory_space<semaphore_mem>>)
    %add3A_385 = arith.constant 0 : i32
    %add3A_386 = arith.addi %mul3A_2, %add3A_385 : i32
    %dma_wait3A_387 = arith.constant 0 : i32
    %dma_wait3A_388 = arith.constant 0 : i32
    %dma_wait3A_389 = arith.constant 0 : i32
    %dma_wait3A_390 = arith.constant 0 : i32
    %dma_wait3A_391 = tpu.memref_slice %arg6[%dma_wait3A_387, %dma_wait3A_389, %dma_wait3A_390] : memref<8x128x64xf32, #tpu.memory_space<vmem>> -> memref<1x128x64xf32, #tpu.memory_space<vmem>>
    %dma_wait3A_392 = tpu.memref_squeeze %dma_wait3A_391 : memref<1x128x64xf32, #tpu.memory_space<vmem>> -> memref<128x64xf32, #tpu.memory_space<vmem>>
    %dma_wait3A_393 = arith.constant 0 : i32
    %dma_wait3A_394 = tpu.memref_slice %arg4[%add3A_386, %dma_wait3A_393] : memref<819200x64xf32, #tpu.memory_space<hbm>> -> memref<128x64xf32, #tpu.memory_space<hbm>>
    %dma_wait3A_395 = tpu.memref_slice %arg8[%dma_wait3A_388] : memref<8x!tpu.dma_semaphore, #tpu.memory_space<semaphore_mem>> -> memref<1x!tpu.dma_semaphore, #tpu.memory_space<semaphore_mem>>
    %dma_wait3A_396 = tpu.memref_squeeze %dma_wait3A_395 : memref<1x!tpu.dma_semaphore, #tpu.memory_space<semaphore_mem>> -> memref<!tpu.dma_semaphore, #tpu.memory_space<semaphore_mem>>
    %dma_wait3A_397 = arith.constant 0 : i32
    %dma_wait3A_398 = tpu.memref_slice %arg4[%add3A_386, %dma_wait3A_397] : memref<819200x64xf32, #tpu.memory_space<hbm>> -> memref<128x64xf32, #tpu.memory_space<hbm>>
    %dma_wait3A_399 = arith.constant 0 : i32
    %dma_wait3A_400 = arith.constant 0 : i32
    %dma_wait3A_401 = tpu.memref_slice %arg6[%dma_wait3A_387, %dma_wait3A_399, %dma_wait3A_400] : memref<8x128x64xf32, #tpu.memory_space<vmem>> -> memref<1x128x64xf32, #tpu.memory_space<vmem>>
    %dma_wait3A_402 = tpu.memref_squeeze %dma_wait3A_401 : memref<1x128x64xf32, #tpu.memory_space<vmem>> -> memref<128x64xf32, #tpu.memory_space<vmem>>
    tpu.wait_dma2 semaphore(%dma_wait3A_396 : memref<!tpu.dma_semaphore, #tpu.memory_space<semaphore_mem>>) src(%dma_wait3A_402 : memref<128x64xf32, #tpu.memory_space<vmem>>) dst(%dma_wait3A_398 : memref<128x64xf32, #tpu.memory_space<hbm>>)
    %dma_start3A_403 = arith.constant 8 : i32
    %dma_start3A_404 = arith.constant 0 : i32
    %dma_start3A_405 = arith.constant 0 : i32
    %dma_start3A_406 = arith.constant 0 : i32
    %dma_start3A_407 = arith.constant 0 : i32
    %dma_start3A_408 = tpu.memref_slice %arg6[%dma_start3A_404, %dma_start3A_406, %dma_start3A_407] : memref<8x128x64xf32, #tpu.memory_space<vmem>> -> memref<1x128x64xf32, #tpu.memory_space<vmem>>
    %dma_start3A_409 = tpu.memref_squeeze %dma_start3A_408 : memref<1x128x64xf32, #tpu.memory_space<vmem>> -> memref<128x64xf32, #tpu.memory_space<vmem>>
    %dma_start3A_410 = arith.constant 0 : i32
    %dma_start3A_411 = tpu.memref_slice %arg5[%dma_start3A_403, %dma_start3A_410] : memref<200x128xi32, #tpu.memory_space<vmem>> -> memref<1x128xi32, #tpu.memory_space<vmem>>
    %dma_start3A_412 = tpu.memref_squeeze %dma_start3A_411 : memref<1x128xi32, #tpu.memory_space<vmem>> -> memref<128xi32, #tpu.memory_space<vmem>>
    %dma_start3A_413 = arith.constant 0 : i32
    %dma_start3A_414 = arith.constant 0 : i32
    %dma_start3A_415 = tpu.memref_slice %arg3[%dma_start3A_413, %dma_start3A_414] : memref<1000000x64xf32, #tpu.memory_space<hbm>> -> memref<1000000x64xf32, #tpu.memory_space<hbm>>
    %dma_start3A_416 = tpu.memref_slice %arg7[%dma_start3A_405] : memref<8x!tpu.dma_semaphore, #tpu.memory_space<semaphore_mem>> -> memref<1x!tpu.dma_semaphore, #tpu.memory_space<semaphore_mem>>
    %dma_start3A_417 = tpu.memref_squeeze %dma_start3A_416 : memref<1x!tpu.dma_semaphore, #tpu.memory_space<semaphore_mem>> -> memref<!tpu.dma_semaphore, #tpu.memory_space<semaphore_mem>>
    tpu.enqueue_indirect_dma source(%dma_start3A_415 : memref<1000000x64xf32, #tpu.memory_space<hbm>>) target(%dma_start3A_409 : memref<128x64xf32, #tpu.memory_space<vmem>>) offsets(%dma_start3A_412 : memref<128xi32, #tpu.memory_space<vmem>>) semaphore(%dma_start3A_417 : memref<!tpu.dma_semaphore, #tpu.memory_space<semaphore_mem>>)
    %add3A_418 = arith.constant 128 : i32
    %add3A_419 = arith.addi %mul3A_2, %add3A_418 : i32
    %dma_wait3A_420 = arith.constant 1 : i32
    %dma_wait3A_421 = arith.constant 1 : i32
    %dma_wait3A_422 = arith.constant 0 : i32
    %dma_wait3A_423 = arith.constant 0 : i32
    %dma_wait3A_424 = tpu.memref_slice %arg6[%dma_wait3A_420, %dma_wait3A_422, %dma_wait3A_423] : memref<8x128x64xf32, #tpu.memory_space<vmem>> -> memref<1x128x64xf32, #tpu.memory_space<vmem>>
    %dma_wait3A_425 = tpu.memref_squeeze %dma_wait3A_424 : memref<1x128x64xf32, #tpu.memory_space<vmem>> -> memref<128x64xf32, #tpu.memory_space<vmem>>
    %dma_wait3A_426 = arith.constant 0 : i32
    %dma_wait3A_427 = tpu.memref_slice %arg4[%add3A_419, %dma_wait3A_426] : memref<819200x64xf32, #tpu.memory_space<hbm>> -> memref<128x64xf32, #tpu.memory_space<hbm>>
    %dma_wait3A_428 = tpu.memref_slice %arg8[%dma_wait3A_421] : memref<8x!tpu.dma_semaphore, #tpu.memory_space<semaphore_mem>> -> memref<1x!tpu.dma_semaphore, #tpu.memory_space<semaphore_mem>>
    %dma_wait3A_429 = tpu.memref_squeeze %dma_wait3A_428 : memref<1x!tpu.dma_semaphore, #tpu.memory_space<semaphore_mem>> -> memref<!tpu.dma_semaphore, #tpu.memory_space<semaphore_mem>>
    %dma_wait3A_430 = arith.constant 0 : i32
    %dma_wait3A_431 = tpu.memref_slice %arg4[%add3A_419, %dma_wait3A_430] : memref<819200x64xf32, #tpu.memory_space<hbm>> -> memref<128x64xf32, #tpu.memory_space<hbm>>
    %dma_wait3A_432 = arith.constant 0 : i32
    %dma_wait3A_433 = arith.constant 0 : i32
    %dma_wait3A_434 = tpu.memref_slice %arg6[%dma_wait3A_420, %dma_wait3A_432, %dma_wait3A_433] : memref<8x128x64xf32, #tpu.memory_space<vmem>> -> memref<1x128x64xf32, #tpu.memory_space<vmem>>
    %dma_wait3A_435 = tpu.memref_squeeze %dma_wait3A_434 : memref<1x128x64xf32, #tpu.memory_space<vmem>> -> memref<128x64xf32, #tpu.memory_space<vmem>>
    tpu.wait_dma2 semaphore(%dma_wait3A_429 : memref<!tpu.dma_semaphore, #tpu.memory_space<semaphore_mem>>) src(%dma_wait3A_435 : memref<128x64xf32, #tpu.memory_space<vmem>>) dst(%dma_wait3A_431 : memref<128x64xf32, #tpu.memory_space<hbm>>)
    %dma_start3A_436 = arith.constant 9 : i32
    %dma_start3A_437 = arith.constant 1 : i32
    %dma_start3A_438 = arith.constant 1 : i32
    %dma_start3A_439 = arith.constant 0 : i32
    %dma_start3A_440 = arith.constant 0 : i32
    %dma_start3A_441 = tpu.memref_slice %arg6[%dma_start3A_437, %dma_start3A_439, %dma_start3A_440] : memref<8x128x64xf32, #tpu.memory_space<vmem>> -> memref<1x128x64xf32, #tpu.memory_space<vmem>>
    %dma_start3A_442 = tpu.memref_squeeze %dma_start3A_441 : memref<1x128x64xf32, #tpu.memory_space<vmem>> -> memref<128x64xf32, #tpu.memory_space<vmem>>
    %dma_start3A_443 = arith.constant 0 : i32
    %dma_start3A_444 = tpu.memref_slice %arg5[%dma_start3A_436, %dma_start3A_443] : memref<200x128xi32, #tpu.memory_space<vmem>> -> memref<1x128xi32, #tpu.memory_space<vmem>>
    %dma_start3A_445 = tpu.memref_squeeze %dma_start3A_444 : memref<1x128xi32, #tpu.memory_space<vmem>> -> memref<128xi32, #tpu.memory_space<vmem>>
    %dma_start3A_446 = arith.constant 0 : i32
    %dma_start3A_447 = arith.constant 0 : i32
    %dma_start3A_448 = tpu.memref_slice %arg3[%dma_start3A_446, %dma_start3A_447] : memref<1000000x64xf32, #tpu.memory_space<hbm>> -> memref<1000000x64xf32, #tpu.memory_space<hbm>>
    %dma_start3A_449 = tpu.memref_slice %arg7[%dma_start3A_438] : memref<8x!tpu.dma_semaphore, #tpu.memory_space<semaphore_mem>> -> memref<1x!tpu.dma_semaphore, #tpu.memory_space<semaphore_mem>>
    %dma_start3A_450 = tpu.memref_squeeze %dma_start3A_449 : memref<1x!tpu.dma_semaphore, #tpu.memory_space<semaphore_mem>> -> memref<!tpu.dma_semaphore, #tpu.memory_space<semaphore_mem>>
    tpu.enqueue_indirect_dma source(%dma_start3A_448 : memref<1000000x64xf32, #tpu.memory_space<hbm>>) target(%dma_start3A_442 : memref<128x64xf32, #tpu.memory_space<vmem>>) offsets(%dma_start3A_445 : memref<128xi32, #tpu.memory_space<vmem>>) semaphore(%dma_start3A_450 : memref<!tpu.dma_semaphore, #tpu.memory_space<semaphore_mem>>)
    %add3A_451 = arith.constant 256 : i32
    %add3A_452 = arith.addi %mul3A_2, %add3A_451 : i32
    %dma_wait3A_453 = arith.constant 2 : i32
    %dma_wait3A_454 = arith.constant 2 : i32
    %dma_wait3A_455 = arith.constant 0 : i32
    %dma_wait3A_456 = arith.constant 0 : i32
    %dma_wait3A_457 = tpu.memref_slice %arg6[%dma_wait3A_453, %dma_wait3A_455, %dma_wait3A_456] : memref<8x128x64xf32, #tpu.memory_space<vmem>> -> memref<1x128x64xf32, #tpu.memory_space<vmem>>
    %dma_wait3A_458 = tpu.memref_squeeze %dma_wait3A_457 : memref<1x128x64xf32, #tpu.memory_space<vmem>> -> memref<128x64xf32, #tpu.memory_space<vmem>>
    %dma_wait3A_459 = arith.constant 0 : i32
    %dma_wait3A_460 = tpu.memref_slice %arg4[%add3A_452, %dma_wait3A_459] : memref<819200x64xf32, #tpu.memory_space<hbm>> -> memref<128x64xf32, #tpu.memory_space<hbm>>
    %dma_wait3A_461 = tpu.memref_slice %arg8[%dma_wait3A_454] : memref<8x!tpu.dma_semaphore, #tpu.memory_space<semaphore_mem>> -> memref<1x!tpu.dma_semaphore, #tpu.memory_space<semaphore_mem>>
    %dma_wait3A_462 = tpu.memref_squeeze %dma_wait3A_461 : memref<1x!tpu.dma_semaphore, #tpu.memory_space<semaphore_mem>> -> memref<!tpu.dma_semaphore, #tpu.memory_space<semaphore_mem>>
    %dma_wait3A_463 = arith.constant 0 : i32
    %dma_wait3A_464 = tpu.memref_slice %arg4[%add3A_452, %dma_wait3A_463] : memref<819200x64xf32, #tpu.memory_space<hbm>> -> memref<128x64xf32, #tpu.memory_space<hbm>>
    %dma_wait3A_465 = arith.constant 0 : i32
    %dma_wait3A_466 = arith.constant 0 : i32
    %dma_wait3A_467 = tpu.memref_slice %arg6[%dma_wait3A_453, %dma_wait3A_465, %dma_wait3A_466] : memref<8x128x64xf32, #tpu.memory_space<vmem>> -> memref<1x128x64xf32, #tpu.memory_space<vmem>>
    %dma_wait3A_468 = tpu.memref_squeeze %dma_wait3A_467 : memref<1x128x64xf32, #tpu.memory_space<vmem>> -> memref<128x64xf32, #tpu.memory_space<vmem>>
    tpu.wait_dma2 semaphore(%dma_wait3A_462 : memref<!tpu.dma_semaphore, #tpu.memory_space<semaphore_mem>>) src(%dma_wait3A_468 : memref<128x64xf32, #tpu.memory_space<vmem>>) dst(%dma_wait3A_464 : memref<128x64xf32, #tpu.memory_space<hbm>>)
    %dma_start3A_469 = arith.constant 10 : i32
    %dma_start3A_470 = arith.constant 2 : i32
    %dma_start3A_471 = arith.constant 2 : i32
    %dma_start3A_472 = arith.constant 0 : i32
    %dma_start3A_473 = arith.constant 0 : i32
    %dma_start3A_474 = tpu.memref_slice %arg6[%dma_start3A_470, %dma_start3A_472, %dma_start3A_473] : memref<8x128x64xf32, #tpu.memory_space<vmem>> -> memref<1x128x64xf32, #tpu.memory_space<vmem>>
    %dma_start3A_475 = tpu.memref_squeeze %dma_start3A_474 : memref<1x128x64xf32, #tpu.memory_space<vmem>> -> memref<128x64xf32, #tpu.memory_space<vmem>>
    %dma_start3A_476 = arith.constant 0 : i32
    %dma_start3A_477 = tpu.memref_slice %arg5[%dma_start3A_469, %dma_start3A_476] : memref<200x128xi32, #tpu.memory_space<vmem>> -> memref<1x128xi32, #tpu.memory_space<vmem>>
    %dma_start3A_478 = tpu.memref_squeeze %dma_start3A_477 : memref<1x128xi32, #tpu.memory_space<vmem>> -> memref<128xi32, #tpu.memory_space<vmem>>
    %dma_start3A_479 = arith.constant 0 : i32
    %dma_start3A_480 = arith.constant 0 : i32
    %dma_start3A_481 = tpu.memref_slice %arg3[%dma_start3A_479, %dma_start3A_480] : memref<1000000x64xf32, #tpu.memory_space<hbm>> -> memref<1000000x64xf32, #tpu.memory_space<hbm>>
    %dma_start3A_482 = tpu.memref_slice %arg7[%dma_start3A_471] : memref<8x!tpu.dma_semaphore, #tpu.memory_space<semaphore_mem>> -> memref<1x!tpu.dma_semaphore, #tpu.memory_space<semaphore_mem>>
    %dma_start3A_483 = tpu.memref_squeeze %dma_start3A_482 : memref<1x!tpu.dma_semaphore, #tpu.memory_space<semaphore_mem>> -> memref<!tpu.dma_semaphore, #tpu.memory_space<semaphore_mem>>
    tpu.enqueue_indirect_dma source(%dma_start3A_481 : memref<1000000x64xf32, #tpu.memory_space<hbm>>) target(%dma_start3A_475 : memref<128x64xf32, #tpu.memory_space<vmem>>) offsets(%dma_start3A_478 : memref<128xi32, #tpu.memory_space<vmem>>) semaphore(%dma_start3A_483 : memref<!tpu.dma_semaphore, #tpu.memory_space<semaphore_mem>>)
    %add3A_484 = arith.constant 384 : i32
    %add3A_485 = arith.addi %mul3A_2, %add3A_484 : i32
    %dma_wait3A_486 = arith.constant 3 : i32
    %dma_wait3A_487 = arith.constant 3 : i32
    %dma_wait3A_488 = arith.constant 0 : i32
    %dma_wait3A_489 = arith.constant 0 : i32
    %dma_wait3A_490 = tpu.memref_slice %arg6[%dma_wait3A_486, %dma_wait3A_488, %dma_wait3A_489] : memref<8x128x64xf32, #tpu.memory_space<vmem>> -> memref<1x128x64xf32, #tpu.memory_space<vmem>>
    %dma_wait3A_491 = tpu.memref_squeeze %dma_wait3A_490 : memref<1x128x64xf32, #tpu.memory_space<vmem>> -> memref<128x64xf32, #tpu.memory_space<vmem>>
    %dma_wait3A_492 = arith.constant 0 : i32
    %dma_wait3A_493 = tpu.memref_slice %arg4[%add3A_485, %dma_wait3A_492] : memref<819200x64xf32, #tpu.memory_space<hbm>> -> memref<128x64xf32, #tpu.memory_space<hbm>>
    %dma_wait3A_494 = tpu.memref_slice %arg8[%dma_wait3A_487] : memref<8x!tpu.dma_semaphore, #tpu.memory_space<semaphore_mem>> -> memref<1x!tpu.dma_semaphore, #tpu.memory_space<semaphore_mem>>
    %dma_wait3A_495 = tpu.memref_squeeze %dma_wait3A_494 : memref<1x!tpu.dma_semaphore, #tpu.memory_space<semaphore_mem>> -> memref<!tpu.dma_semaphore, #tpu.memory_space<semaphore_mem>>
    %dma_wait3A_496 = arith.constant 0 : i32
    %dma_wait3A_497 = tpu.memref_slice %arg4[%add3A_485, %dma_wait3A_496] : memref<819200x64xf32, #tpu.memory_space<hbm>> -> memref<128x64xf32, #tpu.memory_space<hbm>>
    %dma_wait3A_498 = arith.constant 0 : i32
    %dma_wait3A_499 = arith.constant 0 : i32
    %dma_wait3A_500 = tpu.memref_slice %arg6[%dma_wait3A_486, %dma_wait3A_498, %dma_wait3A_499] : memref<8x128x64xf32, #tpu.memory_space<vmem>> -> memref<1x128x64xf32, #tpu.memory_space<vmem>>
    %dma_wait3A_501 = tpu.memref_squeeze %dma_wait3A_500 : memref<1x128x64xf32, #tpu.memory_space<vmem>> -> memref<128x64xf32, #tpu.memory_space<vmem>>
    tpu.wait_dma2 semaphore(%dma_wait3A_495 : memref<!tpu.dma_semaphore, #tpu.memory_space<semaphore_mem>>) src(%dma_wait3A_501 : memref<128x64xf32, #tpu.memory_space<vmem>>) dst(%dma_wait3A_497 : memref<128x64xf32, #tpu.memory_space<hbm>>)
    %dma_start3A_502 = arith.constant 11 : i32
    %dma_start3A_503 = arith.constant 3 : i32
    %dma_start3A_504 = arith.constant 3 : i32
    %dma_start3A_505 = arith.constant 0 : i32
    %dma_start3A_506 = arith.constant 0 : i32
    %dma_start3A_507 = tpu.memref_slice %arg6[%dma_start3A_503, %dma_start3A_505, %dma_start3A_506] : memref<8x128x64xf32, #tpu.memory_space<vmem>> -> memref<1x128x64xf32, #tpu.memory_space<vmem>>
    %dma_start3A_508 = tpu.memref_squeeze %dma_start3A_507 : memref<1x128x64xf32, #tpu.memory_space<vmem>> -> memref<128x64xf32, #tpu.memory_space<vmem>>
    %dma_start3A_509 = arith.constant 0 : i32
    %dma_start3A_510 = tpu.memref_slice %arg5[%dma_start3A_502, %dma_start3A_509] : memref<200x128xi32, #tpu.memory_space<vmem>> -> memref<1x128xi32, #tpu.memory_space<vmem>>
    %dma_start3A_511 = tpu.memref_squeeze %dma_start3A_510 : memref<1x128xi32, #tpu.memory_space<vmem>> -> memref<128xi32, #tpu.memory_space<vmem>>
    %dma_start3A_512 = arith.constant 0 : i32
    %dma_start3A_513 = arith.constant 0 : i32
    %dma_start3A_514 = tpu.memref_slice %arg3[%dma_start3A_512, %dma_start3A_513] : memref<1000000x64xf32, #tpu.memory_space<hbm>> -> memref<1000000x64xf32, #tpu.memory_space<hbm>>
    %dma_start3A_515 = tpu.memref_slice %arg7[%dma_start3A_504] : memref<8x!tpu.dma_semaphore, #tpu.memory_space<semaphore_mem>> -> memref<1x!tpu.dma_semaphore, #tpu.memory_space<semaphore_mem>>
    %dma_start3A_516 = tpu.memref_squeeze %dma_start3A_515 : memref<1x!tpu.dma_semaphore, #tpu.memory_space<semaphore_mem>> -> memref<!tpu.dma_semaphore, #tpu.memory_space<semaphore_mem>>
    tpu.enqueue_indirect_dma source(%dma_start3A_514 : memref<1000000x64xf32, #tpu.memory_space<hbm>>) target(%dma_start3A_508 : memref<128x64xf32, #tpu.memory_space<vmem>>) offsets(%dma_start3A_511 : memref<128xi32, #tpu.memory_space<vmem>>) semaphore(%dma_start3A_516 : memref<!tpu.dma_semaphore, #tpu.memory_space<semaphore_mem>>)
    %scan3A = arith.constant 0 : i32
    %scan3A_517 = arith.constant 1 : i32
    %scan3A_518 = arith.constant 23 : i32
    %scan3A_519 = arith.addi %scan3A_517, %scan3A_518 : i32
    %scan3A_520 = arith.constant 1 : i32
    scf.for %scan3A_1062 = %scan3A_517 to %scan3A_519 step %scan3A_520  : i32 {
      %mul3A_1063 = arith.constant 2 : i32
      %mul3A_1064 = arith.muli %mul3A_1063, %scan3A_1062 : i32
      %mul3A_1065 = arith.constant 4 : i32
      %mul3A_1066 = arith.muli %mul3A_1064, %mul3A_1065 : i32
      %add3A_1067 = arith.constant 0 : i32
      %add3A_1068 = arith.addi %mul3A_1066, %add3A_1067 : i32
      %dma_wait3A_1069 = arith.constant 0 : i32
      %dma_wait3A_1070 = arith.constant 0 : i32
      %dma_wait3A_1071 = arith.constant 0 : i32
      %dma_wait3A_1072 = arith.constant 0 : i32
      %dma_wait3A_1073 = tpu.memref_slice %arg6[%dma_wait3A_1069, %dma_wait3A_1071, %dma_wait3A_1072] : memref<8x128x64xf32, #tpu.memory_space<vmem>> -> memref<1x128x64xf32, #tpu.memory_space<vmem>>
      %dma_wait3A_1074 = tpu.memref_squeeze %dma_wait3A_1073 : memref<1x128x64xf32, #tpu.memory_space<vmem>> -> memref<128x64xf32, #tpu.memory_space<vmem>>
      %dma_wait3A_1075 = arith.constant 0 : i32
      %dma_wait3A_1076 = tpu.memref_slice %arg5[%add3A_1068, %dma_wait3A_1075] : memref<200x128xi32, #tpu.memory_space<vmem>> -> memref<1x128xi32, #tpu.memory_space<vmem>>
      %dma_wait3A_1077 = tpu.memref_squeeze %dma_wait3A_1076 : memref<1x128xi32, #tpu.memory_space<vmem>> -> memref<128xi32, #tpu.memory_space<vmem>>
      %dma_wait3A_1078 = arith.constant 0 : i32
      %dma_wait3A_1079 = arith.constant 0 : i32
      %dma_wait3A_1080 = tpu.memref_slice %arg3[%dma_wait3A_1078, %dma_wait3A_1079] : memref<1000000x64xf32, #tpu.memory_space<hbm>> -> memref<1000000x64xf32, #tpu.memory_space<hbm>>
      %dma_wait3A_1081 = tpu.memref_slice %arg7[%dma_wait3A_1070] : memref<8x!tpu.dma_semaphore, #tpu.memory_space<semaphore_mem>> -> memref<1x!tpu.dma_semaphore, #tpu.memory_space<semaphore_mem>>
      %dma_wait3A_1082 = tpu.memref_squeeze %dma_wait3A_1081 : memref<1x!tpu.dma_semaphore, #tpu.memory_space<semaphore_mem>> -> memref<!tpu.dma_semaphore, #tpu.memory_space<semaphore_mem>>
      tpu.wait_indirect_dma semaphore(%dma_wait3A_1082 : memref<!tpu.dma_semaphore, #tpu.memory_space<semaphore_mem>>) src(%dma_wait3A_1080 : memref<1000000x64xf32, #tpu.memory_space<hbm>>) dst(%dma_wait3A_1074 : memref<128x64xf32, #tpu.memory_space<vmem>>)
      %mul3A_1083 = arith.constant 4 : i32
      %mul3A_1084 = arith.muli %mul3A_1064, %mul3A_1083 : i32
      %add3A_1085 = arith.constant 0 : i32
      %add3A_1086 = arith.addi %mul3A_1084, %add3A_1085 : i32
      %mul3A_1087 = arith.constant 128 : i32
      %mul3A_1088 = arith.muli %add3A_1086, %mul3A_1087 : i32
      %add3A_1089 = arith.addi %mul3A_2, %mul3A_1088 : i32
      %dma_start3A_1090 = arith.constant 0 : i32
      %dma_start3A_1091 = arith.constant 0 : i32
      %dma_start3A_1092 = arith.constant 0 : i32
      %dma_start3A_1093 = arith.constant 0 : i32
      %dma_start3A_1094 = tpu.memref_slice %arg6[%dma_start3A_1090, %dma_start3A_1092, %dma_start3A_1093] : memref<8x128x64xf32, #tpu.memory_space<vmem>> -> memref<1x128x64xf32, #tpu.memory_space<vmem>>
      %dma_start3A_1095 = tpu.memref_squeeze %dma_start3A_1094 : memref<1x128x64xf32, #tpu.memory_space<vmem>> -> memref<128x64xf32, #tpu.memory_space<vmem>>
      %dma_start3A_1096 = arith.constant 0 : i32
      %dma_start3A_1097 = tpu.memref_slice %arg4[%add3A_1089, %dma_start3A_1096] : memref<819200x64xf32, #tpu.memory_space<hbm>> -> memref<128x64xf32, #tpu.memory_space<hbm>>
      %dma_start3A_1098 = tpu.memref_slice %arg8[%dma_start3A_1091] : memref<8x!tpu.dma_semaphore, #tpu.memory_space<semaphore_mem>> -> memref<1x!tpu.dma_semaphore, #tpu.memory_space<semaphore_mem>>
      %dma_start3A_1099 = tpu.memref_squeeze %dma_start3A_1098 : memref<1x!tpu.dma_semaphore, #tpu.memory_space<semaphore_mem>> -> memref<!tpu.dma_semaphore, #tpu.memory_space<semaphore_mem>>
      %dma_start3A_1100 = arith.constant 0 : i32
      %dma_start3A_1101 = tpu.memref_slice %arg4[%add3A_1089, %dma_start3A_1100] : memref<819200x64xf32, #tpu.memory_space<hbm>> -> memref<128x64xf32, #tpu.memory_space<hbm>>
      %dma_start3A_1102 = arith.constant 0 : i32
      %dma_start3A_1103 = arith.constant 0 : i32
      %dma_start3A_1104 = tpu.memref_slice %arg6[%dma_start3A_1090, %dma_start3A_1102, %dma_start3A_1103] : memref<8x128x64xf32, #tpu.memory_space<vmem>> -> memref<1x128x64xf32, #tpu.memory_space<vmem>>
      %dma_start3A_1105 = tpu.memref_squeeze %dma_start3A_1104 : memref<1x128x64xf32, #tpu.memory_space<vmem>> -> memref<128x64xf32, #tpu.memory_space<vmem>>
      tpu.enqueue_dma source(%dma_start3A_1105 : memref<128x64xf32, #tpu.memory_space<vmem>>) target(%dma_start3A_1101 : memref<128x64xf32, #tpu.memory_space<hbm>>) target_semaphore(%dma_start3A_1099 : memref<!tpu.dma_semaphore, #tpu.memory_space<semaphore_mem>>)
      %mul3A_1106 = arith.constant 4 : i32
      %mul3A_1107 = arith.muli %mul3A_1064, %mul3A_1106 : i32
      %add3A_1108 = arith.constant 1 : i32
      %add3A_1109 = arith.addi %mul3A_1107, %add3A_1108 : i32
      %dma_wait3A_1110 = arith.constant 1 : i32
      %dma_wait3A_1111 = arith.constant 1 : i32
      %dma_wait3A_1112 = arith.constant 0 : i32
      %dma_wait3A_1113 = arith.constant 0 : i32
      %dma_wait3A_1114 = tpu.memref_slice %arg6[%dma_wait3A_1110, %dma_wait3A_1112, %dma_wait3A_1113] : memref<8x128x64xf32, #tpu.memory_space<vmem>> -> memref<1x128x64xf32, #tpu.memory_space<vmem>>
      %dma_wait3A_1115 = tpu.memref_squeeze %dma_wait3A_1114 : memref<1x128x64xf32, #tpu.memory_space<vmem>> -> memref<128x64xf32, #tpu.memory_space<vmem>>
      %dma_wait3A_1116 = arith.constant 0 : i32
      %dma_wait3A_1117 = tpu.memref_slice %arg5[%add3A_1109, %dma_wait3A_1116] : memref<200x128xi32, #tpu.memory_space<vmem>> -> memref<1x128xi32, #tpu.memory_space<vmem>>
      %dma_wait3A_1118 = tpu.memref_squeeze %dma_wait3A_1117 : memref<1x128xi32, #tpu.memory_space<vmem>> -> memref<128xi32, #tpu.memory_space<vmem>>
      %dma_wait3A_1119 = arith.constant 0 : i32
      %dma_wait3A_1120 = arith.constant 0 : i32
      %dma_wait3A_1121 = tpu.memref_slice %arg3[%dma_wait3A_1119, %dma_wait3A_1120] : memref<1000000x64xf32, #tpu.memory_space<hbm>> -> memref<1000000x64xf32, #tpu.memory_space<hbm>>
      %dma_wait3A_1122 = tpu.memref_slice %arg7[%dma_wait3A_1111] : memref<8x!tpu.dma_semaphore, #tpu.memory_space<semaphore_mem>> -> memref<1x!tpu.dma_semaphore, #tpu.memory_space<semaphore_mem>>
      %dma_wait3A_1123 = tpu.memref_squeeze %dma_wait3A_1122 : memref<1x!tpu.dma_semaphore, #tpu.memory_space<semaphore_mem>> -> memref<!tpu.dma_semaphore, #tpu.memory_space<semaphore_mem>>
      tpu.wait_indirect_dma semaphore(%dma_wait3A_1123 : memref<!tpu.dma_semaphore, #tpu.memory_space<semaphore_mem>>) src(%dma_wait3A_1121 : memref<1000000x64xf32, #tpu.memory_space<hbm>>) dst(%dma_wait3A_1115 : memref<128x64xf32, #tpu.memory_space<vmem>>)
      %mul3A_1124 = arith.constant 4 : i32
      %mul3A_1125 = arith.muli %mul3A_1064, %mul3A_1124 : i32
      %add3A_1126 = arith.constant 1 : i32
      %add3A_1127 = arith.addi %mul3A_1125, %add3A_1126 : i32
      %mul3A_1128 = arith.constant 128 : i32
      %mul3A_1129 = arith.muli %add3A_1127, %mul3A_1128 : i32
      %add3A_1130 = arith.addi %mul3A_2, %mul3A_1129 : i32
      %dma_start3A_1131 = arith.constant 1 : i32
      %dma_start3A_1132 = arith.constant 1 : i32
      %dma_start3A_1133 = arith.constant 0 : i32
      %dma_start3A_1134 = arith.constant 0 : i32
      %dma_start3A_1135 = tpu.memref_slice %arg6[%dma_start3A_1131, %dma_start3A_1133, %dma_start3A_1134] : memref<8x128x64xf32, #tpu.memory_space<vmem>> -> memref<1x128x64xf32, #tpu.memory_space<vmem>>
      %dma_start3A_1136 = tpu.memref_squeeze %dma_start3A_1135 : memref<1x128x64xf32, #tpu.memory_space<vmem>> -> memref<128x64xf32, #tpu.memory_space<vmem>>
      %dma_start3A_1137 = arith.constant 0 : i32
      %dma_start3A_1138 = tpu.memref_slice %arg4[%add3A_1130, %dma_start3A_1137] : memref<819200x64xf32, #tpu.memory_space<hbm>> -> memref<128x64xf32, #tpu.memory_space<hbm>>
      %dma_start3A_1139 = tpu.memref_slice %arg8[%dma_start3A_1132] : memref<8x!tpu.dma_semaphore, #tpu.memory_space<semaphore_mem>> -> memref<1x!tpu.dma_semaphore, #tpu.memory_space<semaphore_mem>>
      %dma_start3A_1140 = tpu.memref_squeeze %dma_start3A_1139 : memref<1x!tpu.dma_semaphore, #tpu.memory_space<semaphore_mem>> -> memref<!tpu.dma_semaphore, #tpu.memory_space<semaphore_mem>>
      %dma_start3A_1141 = arith.constant 0 : i32
      %dma_start3A_1142 = tpu.memref_slice %arg4[%add3A_1130, %dma_start3A_1141] : memref<819200x64xf32, #tpu.memory_space<hbm>> -> memref<128x64xf32, #tpu.memory_space<hbm>>
      %dma_start3A_1143 = arith.constant 0 : i32
      %dma_start3A_1144 = arith.constant 0 : i32
      %dma_start3A_1145 = tpu.memref_slice %arg6[%dma_start3A_1131, %dma_start3A_1143, %dma_start3A_1144] : memref<8x128x64xf32, #tpu.memory_space<vmem>> -> memref<1x128x64xf32, #tpu.memory_space<vmem>>
      %dma_start3A_1146 = tpu.memref_squeeze %dma_start3A_1145 : memref<1x128x64xf32, #tpu.memory_space<vmem>> -> memref<128x64xf32, #tpu.memory_space<vmem>>
      tpu.enqueue_dma source(%dma_start3A_1146 : memref<128x64xf32, #tpu.memory_space<vmem>>) target(%dma_start3A_1142 : memref<128x64xf32, #tpu.memory_space<hbm>>) target_semaphore(%dma_start3A_1140 : memref<!tpu.dma_semaphore, #tpu.memory_space<semaphore_mem>>)
      %mul3A_1147 = arith.constant 4 : i32
      %mul3A_1148 = arith.muli %mul3A_1064, %mul3A_1147 : i32
      %add3A_1149 = arith.constant 2 : i32
      %add3A_1150 = arith.addi %mul3A_1148, %add3A_1149 : i32
      %dma_wait3A_1151 = arith.constant 2 : i32
      %dma_wait3A_1152 = arith.constant 2 : i32
      %dma_wait3A_1153 = arith.constant 0 : i32
      %dma_wait3A_1154 = arith.constant 0 : i32
      %dma_wait3A_1155 = tpu.memref_slice %arg6[%dma_wait3A_1151, %dma_wait3A_1153, %dma_wait3A_1154] : memref<8x128x64xf32, #tpu.memory_space<vmem>> -> memref<1x128x64xf32, #tpu.memory_space<vmem>>
      %dma_wait3A_1156 = tpu.memref_squeeze %dma_wait3A_1155 : memref<1x128x64xf32, #tpu.memory_space<vmem>> -> memref<128x64xf32, #tpu.memory_space<vmem>>
      %dma_wait3A_1157 = arith.constant 0 : i32
      %dma_wait3A_1158 = tpu.memref_slice %arg5[%add3A_1150, %dma_wait3A_1157] : memref<200x128xi32, #tpu.memory_space<vmem>> -> memref<1x128xi32, #tpu.memory_space<vmem>>
      %dma_wait3A_1159 = tpu.memref_squeeze %dma_wait3A_1158 : memref<1x128xi32, #tpu.memory_space<vmem>> -> memref<128xi32, #tpu.memory_space<vmem>>
      %dma_wait3A_1160 = arith.constant 0 : i32
      %dma_wait3A_1161 = arith.constant 0 : i32
      %dma_wait3A_1162 = tpu.memref_slice %arg3[%dma_wait3A_1160, %dma_wait3A_1161] : memref<1000000x64xf32, #tpu.memory_space<hbm>> -> memref<1000000x64xf32, #tpu.memory_space<hbm>>
      %dma_wait3A_1163 = tpu.memref_slice %arg7[%dma_wait3A_1152] : memref<8x!tpu.dma_semaphore, #tpu.memory_space<semaphore_mem>> -> memref<1x!tpu.dma_semaphore, #tpu.memory_space<semaphore_mem>>
      %dma_wait3A_1164 = tpu.memref_squeeze %dma_wait3A_1163 : memref<1x!tpu.dma_semaphore, #tpu.memory_space<semaphore_mem>> -> memref<!tpu.dma_semaphore, #tpu.memory_space<semaphore_mem>>
      tpu.wait_indirect_dma semaphore(%dma_wait3A_1164 : memref<!tpu.dma_semaphore, #tpu.memory_space<semaphore_mem>>) src(%dma_wait3A_1162 : memref<1000000x64xf32, #tpu.memory_space<hbm>>) dst(%dma_wait3A_1156 : memref<128x64xf32, #tpu.memory_space<vmem>>)
      %mul3A_1165 = arith.constant 4 : i32
      %mul3A_1166 = arith.muli %mul3A_1064, %mul3A_1165 : i32
      %add3A_1167 = arith.constant 2 : i32
      %add3A_1168 = arith.addi %mul3A_1166, %add3A_1167 : i32
      %mul3A_1169 = arith.constant 128 : i32
      %mul3A_1170 = arith.muli %add3A_1168, %mul3A_1169 : i32
      %add3A_1171 = arith.addi %mul3A_2, %mul3A_1170 : i32
      %dma_start3A_1172 = arith.constant 2 : i32
      %dma_start3A_1173 = arith.constant 2 : i32
      %dma_start3A_1174 = arith.constant 0 : i32
      %dma_start3A_1175 = arith.constant 0 : i32
      %dma_start3A_1176 = tpu.memref_slice %arg6[%dma_start3A_1172, %dma_start3A_1174, %dma_start3A_1175] : memref<8x128x64xf32, #tpu.memory_space<vmem>> -> memref<1x128x64xf32, #tpu.memory_space<vmem>>
      %dma_start3A_1177 = tpu.memref_squeeze %dma_start3A_1176 : memref<1x128x64xf32, #tpu.memory_space<vmem>> -> memref<128x64xf32, #tpu.memory_space<vmem>>
      %dma_start3A_1178 = arith.constant 0 : i32
      %dma_start3A_1179 = tpu.memref_slice %arg4[%add3A_1171, %dma_start3A_1178] : memref<819200x64xf32, #tpu.memory_space<hbm>> -> memref<128x64xf32, #tpu.memory_space<hbm>>
      %dma_start3A_1180 = tpu.memref_slice %arg8[%dma_start3A_1173] : memref<8x!tpu.dma_semaphore, #tpu.memory_space<semaphore_mem>> -> memref<1x!tpu.dma_semaphore, #tpu.memory_space<semaphore_mem>>
      %dma_start3A_1181 = tpu.memref_squeeze %dma_start3A_1180 : memref<1x!tpu.dma_semaphore, #tpu.memory_space<semaphore_mem>> -> memref<!tpu.dma_semaphore, #tpu.memory_space<semaphore_mem>>
      %dma_start3A_1182 = arith.constant 0 : i32
      %dma_start3A_1183 = tpu.memref_slice %arg4[%add3A_1171, %dma_start3A_1182] : memref<819200x64xf32, #tpu.memory_space<hbm>> -> memref<128x64xf32, #tpu.memory_space<hbm>>
      %dma_start3A_1184 = arith.constant 0 : i32
      %dma_start3A_1185 = arith.constant 0 : i32
      %dma_start3A_1186 = tpu.memref_slice %arg6[%dma_start3A_1172, %dma_start3A_1184, %dma_start3A_1185] : memref<8x128x64xf32, #tpu.memory_space<vmem>> -> memref<1x128x64xf32, #tpu.memory_space<vmem>>
      %dma_start3A_1187 = tpu.memref_squeeze %dma_start3A_1186 : memref<1x128x64xf32, #tpu.memory_space<vmem>> -> memref<128x64xf32, #tpu.memory_space<vmem>>
      tpu.enqueue_dma source(%dma_start3A_1187 : memref<128x64xf32, #tpu.memory_space<vmem>>) target(%dma_start3A_1183 : memref<128x64xf32, #tpu.memory_space<hbm>>) target_semaphore(%dma_start3A_1181 : memref<!tpu.dma_semaphore, #tpu.memory_space<semaphore_mem>>)
      %mul3A_1188 = arith.constant 4 : i32
      %mul3A_1189 = arith.muli %mul3A_1064, %mul3A_1188 : i32
      %add3A_1190 = arith.constant 3 : i32
      %add3A_1191 = arith.addi %mul3A_1189, %add3A_1190 : i32
      %dma_wait3A_1192 = arith.constant 3 : i32
      %dma_wait3A_1193 = arith.constant 3 : i32
      %dma_wait3A_1194 = arith.constant 0 : i32
      %dma_wait3A_1195 = arith.constant 0 : i32
      %dma_wait3A_1196 = tpu.memref_slice %arg6[%dma_wait3A_1192, %dma_wait3A_1194, %dma_wait3A_1195] : memref<8x128x64xf32, #tpu.memory_space<vmem>> -> memref<1x128x64xf32, #tpu.memory_space<vmem>>
      %dma_wait3A_1197 = tpu.memref_squeeze %dma_wait3A_1196 : memref<1x128x64xf32, #tpu.memory_space<vmem>> -> memref<128x64xf32, #tpu.memory_space<vmem>>
      %dma_wait3A_1198 = arith.constant 0 : i32
      %dma_wait3A_1199 = tpu.memref_slice %arg5[%add3A_1191, %dma_wait3A_1198] : memref<200x128xi32, #tpu.memory_space<vmem>> -> memref<1x128xi32, #tpu.memory_space<vmem>>
      %dma_wait3A_1200 = tpu.memref_squeeze %dma_wait3A_1199 : memref<1x128xi32, #tpu.memory_space<vmem>> -> memref<128xi32, #tpu.memory_space<vmem>>
      %dma_wait3A_1201 = arith.constant 0 : i32
      %dma_wait3A_1202 = arith.constant 0 : i32
      %dma_wait3A_1203 = tpu.memref_slice %arg3[%dma_wait3A_1201, %dma_wait3A_1202] : memref<1000000x64xf32, #tpu.memory_space<hbm>> -> memref<1000000x64xf32, #tpu.memory_space<hbm>>
      %dma_wait3A_1204 = tpu.memref_slice %arg7[%dma_wait3A_1193] : memref<8x!tpu.dma_semaphore, #tpu.memory_space<semaphore_mem>> -> memref<1x!tpu.dma_semaphore, #tpu.memory_space<semaphore_mem>>
      %dma_wait3A_1205 = tpu.memref_squeeze %dma_wait3A_1204 : memref<1x!tpu.dma_semaphore, #tpu.memory_space<semaphore_mem>> -> memref<!tpu.dma_semaphore, #tpu.memory_space<semaphore_mem>>
      tpu.wait_indirect_dma semaphore(%dma_wait3A_1205 : memref<!tpu.dma_semaphore, #tpu.memory_space<semaphore_mem>>) src(%dma_wait3A_1203 : memref<1000000x64xf32, #tpu.memory_space<hbm>>) dst(%dma_wait3A_1197 : memref<128x64xf32, #tpu.memory_space<vmem>>)
      %mul3A_1206 = arith.constant 4 : i32
      %mul3A_1207 = arith.muli %mul3A_1064, %mul3A_1206 : i32
      %add3A_1208 = arith.constant 3 : i32
      %add3A_1209 = arith.addi %mul3A_1207, %add3A_1208 : i32
      %mul3A_1210 = arith.constant 128 : i32
      %mul3A_1211 = arith.muli %add3A_1209, %mul3A_1210 : i32
      %add3A_1212 = arith.addi %mul3A_2, %mul3A_1211 : i32
      %dma_start3A_1213 = arith.constant 3 : i32
      %dma_start3A_1214 = arith.constant 3 : i32
      %dma_start3A_1215 = arith.constant 0 : i32
      %dma_start3A_1216 = arith.constant 0 : i32
      %dma_start3A_1217 = tpu.memref_slice %arg6[%dma_start3A_1213, %dma_start3A_1215, %dma_start3A_1216] : memref<8x128x64xf32, #tpu.memory_space<vmem>> -> memref<1x128x64xf32, #tpu.memory_space<vmem>>
      %dma_start3A_1218 = tpu.memref_squeeze %dma_start3A_1217 : memref<1x128x64xf32, #tpu.memory_space<vmem>> -> memref<128x64xf32, #tpu.memory_space<vmem>>
      %dma_start3A_1219 = arith.constant 0 : i32
      %dma_start3A_1220 = tpu.memref_slice %arg4[%add3A_1212, %dma_start3A_1219] : memref<819200x64xf32, #tpu.memory_space<hbm>> -> memref<128x64xf32, #tpu.memory_space<hbm>>
      %dma_start3A_1221 = tpu.memref_slice %arg8[%dma_start3A_1214] : memref<8x!tpu.dma_semaphore, #tpu.memory_space<semaphore_mem>> -> memref<1x!tpu.dma_semaphore, #tpu.memory_space<semaphore_mem>>
      %dma_start3A_1222 = tpu.memref_squeeze %dma_start3A_1221 : memref<1x!tpu.dma_semaphore, #tpu.memory_space<semaphore_mem>> -> memref<!tpu.dma_semaphore, #tpu.memory_space<semaphore_mem>>
      %dma_start3A_1223 = arith.constant 0 : i32
      %dma_start3A_1224 = tpu.memref_slice %arg4[%add3A_1212, %dma_start3A_1223] : memref<819200x64xf32, #tpu.memory_space<hbm>> -> memref<128x64xf32, #tpu.memory_space<hbm>>
      %dma_start3A_1225 = arith.constant 0 : i32
      %dma_start3A_1226 = arith.constant 0 : i32
      %dma_start3A_1227 = tpu.memref_slice %arg6[%dma_start3A_1213, %dma_start3A_1225, %dma_start3A_1226] : memref<8x128x64xf32, #tpu.memory_space<vmem>> -> memref<1x128x64xf32, #tpu.memory_space<vmem>>
      %dma_start3A_1228 = tpu.memref_squeeze %dma_start3A_1227 : memref<1x128x64xf32, #tpu.memory_space<vmem>> -> memref<128x64xf32, #tpu.memory_space<vmem>>
      tpu.enqueue_dma source(%dma_start3A_1228 : memref<128x64xf32, #tpu.memory_space<vmem>>) target(%dma_start3A_1224 : memref<128x64xf32, #tpu.memory_space<hbm>>) target_semaphore(%dma_start3A_1222 : memref<!tpu.dma_semaphore, #tpu.memory_space<semaphore_mem>>)
      %sub3A = arith.constant 1 : i32
      %sub3A_1229 = arith.subi %mul3A_1064, %sub3A : i32
      %add3A_1230 = arith.constant 1 : i32
      %add3A_1231 = arith.addi %mul3A_1064, %add3A_1230 : i32
      %mul3A_1232 = arith.constant 4 : i32
      %mul3A_1233 = arith.muli %sub3A_1229, %mul3A_1232 : i32
      %add3A_1234 = arith.constant 0 : i32
      %add3A_1235 = arith.addi %mul3A_1233, %add3A_1234 : i32
      %mul3A_1236 = arith.constant 128 : i32
      %mul3A_1237 = arith.muli %add3A_1235, %mul3A_1236 : i32
      %add3A_1238 = arith.addi %mul3A_2, %mul3A_1237 : i32
      %dma_wait3A_1239 = arith.constant 4 : i32
      %dma_wait3A_1240 = arith.constant 4 : i32
      %dma_wait3A_1241 = arith.constant 0 : i32
      %dma_wait3A_1242 = arith.constant 0 : i32
      %dma_wait3A_1243 = tpu.memref_slice %arg6[%dma_wait3A_1239, %dma_wait3A_1241, %dma_wait3A_1242] : memref<8x128x64xf32, #tpu.memory_space<vmem>> -> memref<1x128x64xf32, #tpu.memory_space<vmem>>
      %dma_wait3A_1244 = tpu.memref_squeeze %dma_wait3A_1243 : memref<1x128x64xf32, #tpu.memory_space<vmem>> -> memref<128x64xf32, #tpu.memory_space<vmem>>
      %dma_wait3A_1245 = arith.constant 0 : i32
      %dma_wait3A_1246 = tpu.memref_slice %arg4[%add3A_1238, %dma_wait3A_1245] : memref<819200x64xf32, #tpu.memory_space<hbm>> -> memref<128x64xf32, #tpu.memory_space<hbm>>
      %dma_wait3A_1247 = tpu.memref_slice %arg8[%dma_wait3A_1240] : memref<8x!tpu.dma_semaphore, #tpu.memory_space<semaphore_mem>> -> memref<1x!tpu.dma_semaphore, #tpu.memory_space<semaphore_mem>>
      %dma_wait3A_1248 = tpu.memref_squeeze %dma_wait3A_1247 : memref<1x!tpu.dma_semaphore, #tpu.memory_space<semaphore_mem>> -> memref<!tpu.dma_semaphore, #tpu.memory_space<semaphore_mem>>
      %dma_wait3A_1249 = arith.constant 0 : i32
      %dma_wait3A_1250 = tpu.memref_slice %arg4[%add3A_1238, %dma_wait3A_1249] : memref<819200x64xf32, #tpu.memory_space<hbm>> -> memref<128x64xf32, #tpu.memory_space<hbm>>
      %dma_wait3A_1251 = arith.constant 0 : i32
      %dma_wait3A_1252 = arith.constant 0 : i32
      %dma_wait3A_1253 = tpu.memref_slice %arg6[%dma_wait3A_1239, %dma_wait3A_1251, %dma_wait3A_1252] : memref<8x128x64xf32, #tpu.memory_space<vmem>> -> memref<1x128x64xf32, #tpu.memory_space<vmem>>
      %dma_wait3A_1254 = tpu.memref_squeeze %dma_wait3A_1253 : memref<1x128x64xf32, #tpu.memory_space<vmem>> -> memref<128x64xf32, #tpu.memory_space<vmem>>
      tpu.wait_dma2 semaphore(%dma_wait3A_1248 : memref<!tpu.dma_semaphore, #tpu.memory_space<semaphore_mem>>) src(%dma_wait3A_1254 : memref<128x64xf32, #tpu.memory_space<vmem>>) dst(%dma_wait3A_1250 : memref<128x64xf32, #tpu.memory_space<hbm>>)
      %mul3A_1255 = arith.constant 4 : i32
      %mul3A_1256 = arith.muli %add3A_1231, %mul3A_1255 : i32
      %add3A_1257 = arith.constant 0 : i32
      %add3A_1258 = arith.addi %mul3A_1256, %add3A_1257 : i32
      %dma_start3A_1259 = arith.constant 4 : i32
      %dma_start3A_1260 = arith.constant 4 : i32
      %dma_start3A_1261 = arith.constant 0 : i32
      %dma_start3A_1262 = arith.constant 0 : i32
      %dma_start3A_1263 = tpu.memref_slice %arg6[%dma_start3A_1259, %dma_start3A_1261, %dma_start3A_1262] : memref<8x128x64xf32, #tpu.memory_space<vmem>> -> memref<1x128x64xf32, #tpu.memory_space<vmem>>
      %dma_start3A_1264 = tpu.memref_squeeze %dma_start3A_1263 : memref<1x128x64xf32, #tpu.memory_space<vmem>> -> memref<128x64xf32, #tpu.memory_space<vmem>>
      %dma_start3A_1265 = arith.constant 0 : i32
      %dma_start3A_1266 = tpu.memref_slice %arg5[%add3A_1258, %dma_start3A_1265] : memref<200x128xi32, #tpu.memory_space<vmem>> -> memref<1x128xi32, #tpu.memory_space<vmem>>
      %dma_start3A_1267 = tpu.memref_squeeze %dma_start3A_1266 : memref<1x128xi32, #tpu.memory_space<vmem>> -> memref<128xi32, #tpu.memory_space<vmem>>
      %dma_start3A_1268 = arith.constant 0 : i32
      %dma_start3A_1269 = arith.constant 0 : i32
      %dma_start3A_1270 = tpu.memref_slice %arg3[%dma_start3A_1268, %dma_start3A_1269] : memref<1000000x64xf32, #tpu.memory_space<hbm>> -> memref<1000000x64xf32, #tpu.memory_space<hbm>>
      %dma_start3A_1271 = tpu.memref_slice %arg7[%dma_start3A_1260] : memref<8x!tpu.dma_semaphore, #tpu.memory_space<semaphore_mem>> -> memref<1x!tpu.dma_semaphore, #tpu.memory_space<semaphore_mem>>
      %dma_start3A_1272 = tpu.memref_squeeze %dma_start3A_1271 : memref<1x!tpu.dma_semaphore, #tpu.memory_space<semaphore_mem>> -> memref<!tpu.dma_semaphore, #tpu.memory_space<semaphore_mem>>
      tpu.enqueue_indirect_dma source(%dma_start3A_1270 : memref<1000000x64xf32, #tpu.memory_space<hbm>>) target(%dma_start3A_1264 : memref<128x64xf32, #tpu.memory_space<vmem>>) offsets(%dma_start3A_1267 : memref<128xi32, #tpu.memory_space<vmem>>) semaphore(%dma_start3A_1272 : memref<!tpu.dma_semaphore, #tpu.memory_space<semaphore_mem>>)
      %mul3A_1273 = arith.constant 4 : i32
      %mul3A_1274 = arith.muli %sub3A_1229, %mul3A_1273 : i32
      %add3A_1275 = arith.constant 1 : i32
      %add3A_1276 = arith.addi %mul3A_1274, %add3A_1275 : i32
      %mul3A_1277 = arith.constant 128 : i32
      %mul3A_1278 = arith.muli %add3A_1276, %mul3A_1277 : i32
      %add3A_1279 = arith.addi %mul3A_2, %mul3A_1278 : i32
      %dma_wait3A_1280 = arith.constant 5 : i32
      %dma_wait3A_1281 = arith.constant 5 : i32
      %dma_wait3A_1282 = arith.constant 0 : i32
      %dma_wait3A_1283 = arith.constant 0 : i32
      %dma_wait3A_1284 = tpu.memref_slice %arg6[%dma_wait3A_1280, %dma_wait3A_1282, %dma_wait3A_1283] : memref<8x128x64xf32, #tpu.memory_space<vmem>> -> memref<1x128x64xf32, #tpu.memory_space<vmem>>
      %dma_wait3A_1285 = tpu.memref_squeeze %dma_wait3A_1284 : memref<1x128x64xf32, #tpu.memory_space<vmem>> -> memref<128x64xf32, #tpu.memory_space<vmem>>
      %dma_wait3A_1286 = arith.constant 0 : i32
      %dma_wait3A_1287 = tpu.memref_slice %arg4[%add3A_1279, %dma_wait3A_1286] : memref<819200x64xf32, #tpu.memory_space<hbm>> -> memref<128x64xf32, #tpu.memory_space<hbm>>
      %dma_wait3A_1288 = tpu.memref_slice %arg8[%dma_wait3A_1281] : memref<8x!tpu.dma_semaphore, #tpu.memory_space<semaphore_mem>> -> memref<1x!tpu.dma_semaphore, #tpu.memory_space<semaphore_mem>>
      %dma_wait3A_1289 = tpu.memref_squeeze %dma_wait3A_1288 : memref<1x!tpu.dma_semaphore, #tpu.memory_space<semaphore_mem>> -> memref<!tpu.dma_semaphore, #tpu.memory_space<semaphore_mem>>
      %dma_wait3A_1290 = arith.constant 0 : i32
      %dma_wait3A_1291 = tpu.memref_slice %arg4[%add3A_1279, %dma_wait3A_1290] : memref<819200x64xf32, #tpu.memory_space<hbm>> -> memref<128x64xf32, #tpu.memory_space<hbm>>
      %dma_wait3A_1292 = arith.constant 0 : i32
      %dma_wait3A_1293 = arith.constant 0 : i32
      %dma_wait3A_1294 = tpu.memref_slice %arg6[%dma_wait3A_1280, %dma_wait3A_1292, %dma_wait3A_1293] : memref<8x128x64xf32, #tpu.memory_space<vmem>> -> memref<1x128x64xf32, #tpu.memory_space<vmem>>
      %dma_wait3A_1295 = tpu.memref_squeeze %dma_wait3A_1294 : memref<1x128x64xf32, #tpu.memory_space<vmem>> -> memref<128x64xf32, #tpu.memory_space<vmem>>
      tpu.wait_dma2 semaphore(%dma_wait3A_1289 : memref<!tpu.dma_semaphore, #tpu.memory_space<semaphore_mem>>) src(%dma_wait3A_1295 : memref<128x64xf32, #tpu.memory_space<vmem>>) dst(%dma_wait3A_1291 : memref<128x64xf32, #tpu.memory_space<hbm>>)
      %mul3A_1296 = arith.constant 4 : i32
      %mul3A_1297 = arith.muli %add3A_1231, %mul3A_1296 : i32
      %add3A_1298 = arith.constant 1 : i32
      %add3A_1299 = arith.addi %mul3A_1297, %add3A_1298 : i32
      %dma_start3A_1300 = arith.constant 5 : i32
      %dma_start3A_1301 = arith.constant 5 : i32
      %dma_start3A_1302 = arith.constant 0 : i32
      %dma_start3A_1303 = arith.constant 0 : i32
      %dma_start3A_1304 = tpu.memref_slice %arg6[%dma_start3A_1300, %dma_start3A_1302, %dma_start3A_1303] : memref<8x128x64xf32, #tpu.memory_space<vmem>> -> memref<1x128x64xf32, #tpu.memory_space<vmem>>
      %dma_start3A_1305 = tpu.memref_squeeze %dma_start3A_1304 : memref<1x128x64xf32, #tpu.memory_space<vmem>> -> memref<128x64xf32, #tpu.memory_space<vmem>>
      %dma_start3A_1306 = arith.constant 0 : i32
      %dma_start3A_1307 = tpu.memref_slice %arg5[%add3A_1299, %dma_start3A_1306] : memref<200x128xi32, #tpu.memory_space<vmem>> -> memref<1x128xi32, #tpu.memory_space<vmem>>
      %dma_start3A_1308 = tpu.memref_squeeze %dma_start3A_1307 : memref<1x128xi32, #tpu.memory_space<vmem>> -> memref<128xi32, #tpu.memory_space<vmem>>
      %dma_start3A_1309 = arith.constant 0 : i32
      %dma_start3A_1310 = arith.constant 0 : i32
      %dma_start3A_1311 = tpu.memref_slice %arg3[%dma_start3A_1309, %dma_start3A_1310] : memref<1000000x64xf32, #tpu.memory_space<hbm>> -> memref<1000000x64xf32, #tpu.memory_space<hbm>>
      %dma_start3A_1312 = tpu.memref_slice %arg7[%dma_start3A_1301] : memref<8x!tpu.dma_semaphore, #tpu.memory_space<semaphore_mem>> -> memref<1x!tpu.dma_semaphore, #tpu.memory_space<semaphore_mem>>
      %dma_start3A_1313 = tpu.memref_squeeze %dma_start3A_1312 : memref<1x!tpu.dma_semaphore, #tpu.memory_space<semaphore_mem>> -> memref<!tpu.dma_semaphore, #tpu.memory_space<semaphore_mem>>
      tpu.enqueue_indirect_dma source(%dma_start3A_1311 : memref<1000000x64xf32, #tpu.memory_space<hbm>>) target(%dma_start3A_1305 : memref<128x64xf32, #tpu.memory_space<vmem>>) offsets(%dma_start3A_1308 : memref<128xi32, #tpu.memory_space<vmem>>) semaphore(%dma_start3A_1313 : memref<!tpu.dma_semaphore, #tpu.memory_space<semaphore_mem>>)
      %mul3A_1314 = arith.constant 4 : i32
      %mul3A_1315 = arith.muli %sub3A_1229, %mul3A_1314 : i32
      %add3A_1316 = arith.constant 2 : i32
      %add3A_1317 = arith.addi %mul3A_1315, %add3A_1316 : i32
      %mul3A_1318 = arith.constant 128 : i32
      %mul3A_1319 = arith.muli %add3A_1317, %mul3A_1318 : i32
      %add3A_1320 = arith.addi %mul3A_2, %mul3A_1319 : i32
      %dma_wait3A_1321 = arith.constant 6 : i32
      %dma_wait3A_1322 = arith.constant 6 : i32
      %dma_wait3A_1323 = arith.constant 0 : i32
      %dma_wait3A_1324 = arith.constant 0 : i32
      %dma_wait3A_1325 = tpu.memref_slice %arg6[%dma_wait3A_1321, %dma_wait3A_1323, %dma_wait3A_1324] : memref<8x128x64xf32, #tpu.memory_space<vmem>> -> memref<1x128x64xf32, #tpu.memory_space<vmem>>
      %dma_wait3A_1326 = tpu.memref_squeeze %dma_wait3A_1325 : memref<1x128x64xf32, #tpu.memory_space<vmem>> -> memref<128x64xf32, #tpu.memory_space<vmem>>
      %dma_wait3A_1327 = arith.constant 0 : i32
      %dma_wait3A_1328 = tpu.memref_slice %arg4[%add3A_1320, %dma_wait3A_1327] : memref<819200x64xf32, #tpu.memory_space<hbm>> -> memref<128x64xf32, #tpu.memory_space<hbm>>
      %dma_wait3A_1329 = tpu.memref_slice %arg8[%dma_wait3A_1322] : memref<8x!tpu.dma_semaphore, #tpu.memory_space<semaphore_mem>> -> memref<1x!tpu.dma_semaphore, #tpu.memory_space<semaphore_mem>>
      %dma_wait3A_1330 = tpu.memref_squeeze %dma_wait3A_1329 : memref<1x!tpu.dma_semaphore, #tpu.memory_space<semaphore_mem>> -> memref<!tpu.dma_semaphore, #tpu.memory_space<semaphore_mem>>
      %dma_wait3A_1331 = arith.constant 0 : i32
      %dma_wait3A_1332 = tpu.memref_slice %arg4[%add3A_1320, %dma_wait3A_1331] : memref<819200x64xf32, #tpu.memory_space<hbm>> -> memref<128x64xf32, #tpu.memory_space<hbm>>
      %dma_wait3A_1333 = arith.constant 0 : i32
      %dma_wait3A_1334 = arith.constant 0 : i32
      %dma_wait3A_1335 = tpu.memref_slice %arg6[%dma_wait3A_1321, %dma_wait3A_1333, %dma_wait3A_1334] : memref<8x128x64xf32, #tpu.memory_space<vmem>> -> memref<1x128x64xf32, #tpu.memory_space<vmem>>
      %dma_wait3A_1336 = tpu.memref_squeeze %dma_wait3A_1335 : memref<1x128x64xf32, #tpu.memory_space<vmem>> -> memref<128x64xf32, #tpu.memory_space<vmem>>
      tpu.wait_dma2 semaphore(%dma_wait3A_1330 : memref<!tpu.dma_semaphore, #tpu.memory_space<semaphore_mem>>) src(%dma_wait3A_1336 : memref<128x64xf32, #tpu.memory_space<vmem>>) dst(%dma_wait3A_1332 : memref<128x64xf32, #tpu.memory_space<hbm>>)
      %mul3A_1337 = arith.constant 4 : i32
      %mul3A_1338 = arith.muli %add3A_1231, %mul3A_1337 : i32
      %add3A_1339 = arith.constant 2 : i32
      %add3A_1340 = arith.addi %mul3A_1338, %add3A_1339 : i32
      %dma_start3A_1341 = arith.constant 6 : i32
      %dma_start3A_1342 = arith.constant 6 : i32
      %dma_start3A_1343 = arith.constant 0 : i32
      %dma_start3A_1344 = arith.constant 0 : i32
      %dma_start3A_1345 = tpu.memref_slice %arg6[%dma_start3A_1341, %dma_start3A_1343, %dma_start3A_1344] : memref<8x128x64xf32, #tpu.memory_space<vmem>> -> memref<1x128x64xf32, #tpu.memory_space<vmem>>
      %dma_start3A_1346 = tpu.memref_squeeze %dma_start3A_1345 : memref<1x128x64xf32, #tpu.memory_space<vmem>> -> memref<128x64xf32, #tpu.memory_space<vmem>>
      %dma_start3A_1347 = arith.constant 0 : i32
      %dma_start3A_1348 = tpu.memref_slice %arg5[%add3A_1340, %dma_start3A_1347] : memref<200x128xi32, #tpu.memory_space<vmem>> -> memref<1x128xi32, #tpu.memory_space<vmem>>
      %dma_start3A_1349 = tpu.memref_squeeze %dma_start3A_1348 : memref<1x128xi32, #tpu.memory_space<vmem>> -> memref<128xi32, #tpu.memory_space<vmem>>
      %dma_start3A_1350 = arith.constant 0 : i32
      %dma_start3A_1351 = arith.constant 0 : i32
      %dma_start3A_1352 = tpu.memref_slice %arg3[%dma_start3A_1350, %dma_start3A_1351] : memref<1000000x64xf32, #tpu.memory_space<hbm>> -> memref<1000000x64xf32, #tpu.memory_space<hbm>>
      %dma_start3A_1353 = tpu.memref_slice %arg7[%dma_start3A_1342] : memref<8x!tpu.dma_semaphore, #tpu.memory_space<semaphore_mem>> -> memref<1x!tpu.dma_semaphore, #tpu.memory_space<semaphore_mem>>
      %dma_start3A_1354 = tpu.memref_squeeze %dma_start3A_1353 : memref<1x!tpu.dma_semaphore, #tpu.memory_space<semaphore_mem>> -> memref<!tpu.dma_semaphore, #tpu.memory_space<semaphore_mem>>
      tpu.enqueue_indirect_dma source(%dma_start3A_1352 : memref<1000000x64xf32, #tpu.memory_space<hbm>>) target(%dma_start3A_1346 : memref<128x64xf32, #tpu.memory_space<vmem>>) offsets(%dma_start3A_1349 : memref<128xi32, #tpu.memory_space<vmem>>) semaphore(%dma_start3A_1354 : memref<!tpu.dma_semaphore, #tpu.memory_space<semaphore_mem>>)
      %mul3A_1355 = arith.constant 4 : i32
      %mul3A_1356 = arith.muli %sub3A_1229, %mul3A_1355 : i32
      %add3A_1357 = arith.constant 3 : i32
      %add3A_1358 = arith.addi %mul3A_1356, %add3A_1357 : i32
      %mul3A_1359 = arith.constant 128 : i32
      %mul3A_1360 = arith.muli %add3A_1358, %mul3A_1359 : i32
      %add3A_1361 = arith.addi %mul3A_2, %mul3A_1360 : i32
      %dma_wait3A_1362 = arith.constant 7 : i32
      %dma_wait3A_1363 = arith.constant 7 : i32
      %dma_wait3A_1364 = arith.constant 0 : i32
      %dma_wait3A_1365 = arith.constant 0 : i32
      %dma_wait3A_1366 = tpu.memref_slice %arg6[%dma_wait3A_1362, %dma_wait3A_1364, %dma_wait3A_1365] : memref<8x128x64xf32, #tpu.memory_space<vmem>> -> memref<1x128x64xf32, #tpu.memory_space<vmem>>
      %dma_wait3A_1367 = tpu.memref_squeeze %dma_wait3A_1366 : memref<1x128x64xf32, #tpu.memory_space<vmem>> -> memref<128x64xf32, #tpu.memory_space<vmem>>
      %dma_wait3A_1368 = arith.constant 0 : i32
      %dma_wait3A_1369 = tpu.memref_slice %arg4[%add3A_1361, %dma_wait3A_1368] : memref<819200x64xf32, #tpu.memory_space<hbm>> -> memref<128x64xf32, #tpu.memory_space<hbm>>
      %dma_wait3A_1370 = tpu.memref_slice %arg8[%dma_wait3A_1363] : memref<8x!tpu.dma_semaphore, #tpu.memory_space<semaphore_mem>> -> memref<1x!tpu.dma_semaphore, #tpu.memory_space<semaphore_mem>>
      %dma_wait3A_1371 = tpu.memref_squeeze %dma_wait3A_1370 : memref<1x!tpu.dma_semaphore, #tpu.memory_space<semaphore_mem>> -> memref<!tpu.dma_semaphore, #tpu.memory_space<semaphore_mem>>
      %dma_wait3A_1372 = arith.constant 0 : i32
      %dma_wait3A_1373 = tpu.memref_slice %arg4[%add3A_1361, %dma_wait3A_1372] : memref<819200x64xf32, #tpu.memory_space<hbm>> -> memref<128x64xf32, #tpu.memory_space<hbm>>
      %dma_wait3A_1374 = arith.constant 0 : i32
      %dma_wait3A_1375 = arith.constant 0 : i32
      %dma_wait3A_1376 = tpu.memref_slice %arg6[%dma_wait3A_1362, %dma_wait3A_1374, %dma_wait3A_1375] : memref<8x128x64xf32, #tpu.memory_space<vmem>> -> memref<1x128x64xf32, #tpu.memory_space<vmem>>
      %dma_wait3A_1377 = tpu.memref_squeeze %dma_wait3A_1376 : memref<1x128x64xf32, #tpu.memory_space<vmem>> -> memref<128x64xf32, #tpu.memory_space<vmem>>
      tpu.wait_dma2 semaphore(%dma_wait3A_1371 : memref<!tpu.dma_semaphore, #tpu.memory_space<semaphore_mem>>) src(%dma_wait3A_1377 : memref<128x64xf32, #tpu.memory_space<vmem>>) dst(%dma_wait3A_1373 : memref<128x64xf32, #tpu.memory_space<hbm>>)
      %mul3A_1378 = arith.constant 4 : i32
      %mul3A_1379 = arith.muli %add3A_1231, %mul3A_1378 : i32
      %add3A_1380 = arith.constant 3 : i32
      %add3A_1381 = arith.addi %mul3A_1379, %add3A_1380 : i32
      %dma_start3A_1382 = arith.constant 7 : i32
      %dma_start3A_1383 = arith.constant 7 : i32
      %dma_start3A_1384 = arith.constant 0 : i32
      %dma_start3A_1385 = arith.constant 0 : i32
      %dma_start3A_1386 = tpu.memref_slice %arg6[%dma_start3A_1382, %dma_start3A_1384, %dma_start3A_1385] : memref<8x128x64xf32, #tpu.memory_space<vmem>> -> memref<1x128x64xf32, #tpu.memory_space<vmem>>
      %dma_start3A_1387 = tpu.memref_squeeze %dma_start3A_1386 : memref<1x128x64xf32, #tpu.memory_space<vmem>> -> memref<128x64xf32, #tpu.memory_space<vmem>>
      %dma_start3A_1388 = arith.constant 0 : i32
      %dma_start3A_1389 = tpu.memref_slice %arg5[%add3A_1381, %dma_start3A_1388] : memref<200x128xi32, #tpu.memory_space<vmem>> -> memref<1x128xi32, #tpu.memory_space<vmem>>
      %dma_start3A_1390 = tpu.memref_squeeze %dma_start3A_1389 : memref<1x128xi32, #tpu.memory_space<vmem>> -> memref<128xi32, #tpu.memory_space<vmem>>
      %dma_start3A_1391 = arith.constant 0 : i32
      %dma_start3A_1392 = arith.constant 0 : i32
      %dma_start3A_1393 = tpu.memref_slice %arg3[%dma_start3A_1391, %dma_start3A_1392] : memref<1000000x64xf32, #tpu.memory_space<hbm>> -> memref<1000000x64xf32, #tpu.memory_space<hbm>>
      %dma_start3A_1394 = tpu.memref_slice %arg7[%dma_start3A_1383] : memref<8x!tpu.dma_semaphore, #tpu.memory_space<semaphore_mem>> -> memref<1x!tpu.dma_semaphore, #tpu.memory_space<semaphore_mem>>
      %dma_start3A_1395 = tpu.memref_squeeze %dma_start3A_1394 : memref<1x!tpu.dma_semaphore, #tpu.memory_space<semaphore_mem>> -> memref<!tpu.dma_semaphore, #tpu.memory_space<semaphore_mem>>
      tpu.enqueue_indirect_dma source(%dma_start3A_1393 : memref<1000000x64xf32, #tpu.memory_space<hbm>>) target(%dma_start3A_1387 : memref<128x64xf32, #tpu.memory_space<vmem>>) offsets(%dma_start3A_1390 : memref<128xi32, #tpu.memory_space<vmem>>) semaphore(%dma_start3A_1395 : memref<!tpu.dma_semaphore, #tpu.memory_space<semaphore_mem>>)
      %add3A_1396 = arith.constant 1 : i32
      %add3A_1397 = arith.addi %mul3A_1064, %add3A_1396 : i32
      %mul3A_1398 = arith.constant 4 : i32
      %mul3A_1399 = arith.muli %add3A_1397, %mul3A_1398 : i32
      %add3A_1400 = arith.constant 0 : i32
      %add3A_1401 = arith.addi %mul3A_1399, %add3A_1400 : i32
      %dma_wait3A_1402 = arith.constant 4 : i32
      %dma_wait3A_1403 = arith.constant 4 : i32
      %dma_wait3A_1404 = arith.constant 0 : i32
      %dma_wait3A_1405 = arith.constant 0 : i32
      %dma_wait3A_1406 = tpu.memref_slice %arg6[%dma_wait3A_1402, %dma_wait3A_1404, %dma_wait3A_1405] : memref<8x128x64xf32, #tpu.memory_space<vmem>> -> memref<1x128x64xf32, #tpu.memory_space<vmem>>
      %dma_wait3A_1407 = tpu.memref_squeeze %dma_wait3A_1406 : memref<1x128x64xf32, #tpu.memory_space<vmem>> -> memref<128x64xf32, #tpu.memory_space<vmem>>
      %dma_wait3A_1408 = arith.constant 0 : i32
      %dma_wait3A_1409 = tpu.memref_slice %arg5[%add3A_1401, %dma_wait3A_1408] : memref<200x128xi32, #tpu.memory_space<vmem>> -> memref<1x128xi32, #tpu.memory_space<vmem>>
      %dma_wait3A_1410 = tpu.memref_squeeze %dma_wait3A_1409 : memref<1x128xi32, #tpu.memory_space<vmem>> -> memref<128xi32, #tpu.memory_space<vmem>>
      %dma_wait3A_1411 = arith.constant 0 : i32
      %dma_wait3A_1412 = arith.constant 0 : i32
      %dma_wait3A_1413 = tpu.memref_slice %arg3[%dma_wait3A_1411, %dma_wait3A_1412] : memref<1000000x64xf32, #tpu.memory_space<hbm>> -> memref<1000000x64xf32, #tpu.memory_space<hbm>>
      %dma_wait3A_1414 = tpu.memref_slice %arg7[%dma_wait3A_1403] : memref<8x!tpu.dma_semaphore, #tpu.memory_space<semaphore_mem>> -> memref<1x!tpu.dma_semaphore, #tpu.memory_space<semaphore_mem>>
      %dma_wait3A_1415 = tpu.memref_squeeze %dma_wait3A_1414 : memref<1x!tpu.dma_semaphore, #tpu.memory_space<semaphore_mem>> -> memref<!tpu.dma_semaphore, #tpu.memory_space<semaphore_mem>>
      tpu.wait_indirect_dma semaphore(%dma_wait3A_1415 : memref<!tpu.dma_semaphore, #tpu.memory_space<semaphore_mem>>) src(%dma_wait3A_1413 : memref<1000000x64xf32, #tpu.memory_space<hbm>>) dst(%dma_wait3A_1407 : memref<128x64xf32, #tpu.memory_space<vmem>>)
      %mul3A_1416 = arith.constant 4 : i32
      %mul3A_1417 = arith.muli %add3A_1397, %mul3A_1416 : i32
      %add3A_1418 = arith.constant 0 : i32
      %add3A_1419 = arith.addi %mul3A_1417, %add3A_1418 : i32
      %mul3A_1420 = arith.constant 128 : i32
      %mul3A_1421 = arith.muli %add3A_1419, %mul3A_1420 : i32
      %add3A_1422 = arith.addi %mul3A_2, %mul3A_1421 : i32
      %dma_start3A_1423 = arith.constant 4 : i32
      %dma_start3A_1424 = arith.constant 4 : i32
      %dma_start3A_1425 = arith.constant 0 : i32
      %dma_start3A_1426 = arith.constant 0 : i32
      %dma_start3A_1427 = tpu.memref_slice %arg6[%dma_start3A_1423, %dma_start3A_1425, %dma_start3A_1426] : memref<8x128x64xf32, #tpu.memory_space<vmem>> -> memref<1x128x64xf32, #tpu.memory_space<vmem>>
      %dma_start3A_1428 = tpu.memref_squeeze %dma_start3A_1427 : memref<1x128x64xf32, #tpu.memory_space<vmem>> -> memref<128x64xf32, #tpu.memory_space<vmem>>
      %dma_start3A_1429 = arith.constant 0 : i32
      %dma_start3A_1430 = tpu.memref_slice %arg4[%add3A_1422, %dma_start3A_1429] : memref<819200x64xf32, #tpu.memory_space<hbm>> -> memref<128x64xf32, #tpu.memory_space<hbm>>
      %dma_start3A_1431 = tpu.memref_slice %arg8[%dma_start3A_1424] : memref<8x!tpu.dma_semaphore, #tpu.memory_space<semaphore_mem>> -> memref<1x!tpu.dma_semaphore, #tpu.memory_space<semaphore_mem>>
      %dma_start3A_1432 = tpu.memref_squeeze %dma_start3A_1431 : memref<1x!tpu.dma_semaphore, #tpu.memory_space<semaphore_mem>> -> memref<!tpu.dma_semaphore, #tpu.memory_space<semaphore_mem>>
      %dma_start3A_1433 = arith.constant 0 : i32
      %dma_start3A_1434 = tpu.memref_slice %arg4[%add3A_1422, %dma_start3A_1433] : memref<819200x64xf32, #tpu.memory_space<hbm>> -> memref<128x64xf32, #tpu.memory_space<hbm>>
      %dma_start3A_1435 = arith.constant 0 : i32
      %dma_start3A_1436 = arith.constant 0 : i32
      %dma_start3A_1437 = tpu.memref_slice %arg6[%dma_start3A_1423, %dma_start3A_1435, %dma_start3A_1436] : memref<8x128x64xf32, #tpu.memory_space<vmem>> -> memref<1x128x64xf32, #tpu.memory_space<vmem>>
      %dma_start3A_1438 = tpu.memref_squeeze %dma_start3A_1437 : memref<1x128x64xf32, #tpu.memory_space<vmem>> -> memref<128x64xf32, #tpu.memory_space<vmem>>
      tpu.enqueue_dma source(%dma_start3A_1438 : memref<128x64xf32, #tpu.memory_space<vmem>>) target(%dma_start3A_1434 : memref<128x64xf32, #tpu.memory_space<hbm>>) target_semaphore(%dma_start3A_1432 : memref<!tpu.dma_semaphore, #tpu.memory_space<semaphore_mem>>)
      %mul3A_1439 = arith.constant 4 : i32
      %mul3A_1440 = arith.muli %add3A_1397, %mul3A_1439 : i32
      %add3A_1441 = arith.constant 1 : i32
      %add3A_1442 = arith.addi %mul3A_1440, %add3A_1441 : i32
      %dma_wait3A_1443 = arith.constant 5 : i32
      %dma_wait3A_1444 = arith.constant 5 : i32
      %dma_wait3A_1445 = arith.constant 0 : i32
      %dma_wait3A_1446 = arith.constant 0 : i32
      %dma_wait3A_1447 = tpu.memref_slice %arg6[%dma_wait3A_1443, %dma_wait3A_1445, %dma_wait3A_1446] : memref<8x128x64xf32, #tpu.memory_space<vmem>> -> memref<1x128x64xf32, #tpu.memory_space<vmem>>
      %dma_wait3A_1448 = tpu.memref_squeeze %dma_wait3A_1447 : memref<1x128x64xf32, #tpu.memory_space<vmem>> -> memref<128x64xf32, #tpu.memory_space<vmem>>
      %dma_wait3A_1449 = arith.constant 0 : i32
      %dma_wait3A_1450 = tpu.memref_slice %arg5[%add3A_1442, %dma_wait3A_1449] : memref<200x128xi32, #tpu.memory_space<vmem>> -> memref<1x128xi32, #tpu.memory_space<vmem>>
      %dma_wait3A_1451 = tpu.memref_squeeze %dma_wait3A_1450 : memref<1x128xi32, #tpu.memory_space<vmem>> -> memref<128xi32, #tpu.memory_space<vmem>>
      %dma_wait3A_1452 = arith.constant 0 : i32
      %dma_wait3A_1453 = arith.constant 0 : i32
      %dma_wait3A_1454 = tpu.memref_slice %arg3[%dma_wait3A_1452, %dma_wait3A_1453] : memref<1000000x64xf32, #tpu.memory_space<hbm>> -> memref<1000000x64xf32, #tpu.memory_space<hbm>>
      %dma_wait3A_1455 = tpu.memref_slice %arg7[%dma_wait3A_1444] : memref<8x!tpu.dma_semaphore, #tpu.memory_space<semaphore_mem>> -> memref<1x!tpu.dma_semaphore, #tpu.memory_space<semaphore_mem>>
      %dma_wait3A_1456 = tpu.memref_squeeze %dma_wait3A_1455 : memref<1x!tpu.dma_semaphore, #tpu.memory_space<semaphore_mem>> -> memref<!tpu.dma_semaphore, #tpu.memory_space<semaphore_mem>>
      tpu.wait_indirect_dma semaphore(%dma_wait3A_1456 : memref<!tpu.dma_semaphore, #tpu.memory_space<semaphore_mem>>) src(%dma_wait3A_1454 : memref<1000000x64xf32, #tpu.memory_space<hbm>>) dst(%dma_wait3A_1448 : memref<128x64xf32, #tpu.memory_space<vmem>>)
      %mul3A_1457 = arith.constant 4 : i32
      %mul3A_1458 = arith.muli %add3A_1397, %mul3A_1457 : i32
      %add3A_1459 = arith.constant 1 : i32
      %add3A_1460 = arith.addi %mul3A_1458, %add3A_1459 : i32
      %mul3A_1461 = arith.constant 128 : i32
      %mul3A_1462 = arith.muli %add3A_1460, %mul3A_1461 : i32
      %add3A_1463 = arith.addi %mul3A_2, %mul3A_1462 : i32
      %dma_start3A_1464 = arith.constant 5 : i32
      %dma_start3A_1465 = arith.constant 5 : i32
      %dma_start3A_1466 = arith.constant 0 : i32
      %dma_start3A_1467 = arith.constant 0 : i32
      %dma_start3A_1468 = tpu.memref_slice %arg6[%dma_start3A_1464, %dma_start3A_1466, %dma_start3A_1467] : memref<8x128x64xf32, #tpu.memory_space<vmem>> -> memref<1x128x64xf32, #tpu.memory_space<vmem>>
      %dma_start3A_1469 = tpu.memref_squeeze %dma_start3A_1468 : memref<1x128x64xf32, #tpu.memory_space<vmem>> -> memref<128x64xf32, #tpu.memory_space<vmem>>
      %dma_start3A_1470 = arith.constant 0 : i32
      %dma_start3A_1471 = tpu.memref_slice %arg4[%add3A_1463, %dma_start3A_1470] : memref<819200x64xf32, #tpu.memory_space<hbm>> -> memref<128x64xf32, #tpu.memory_space<hbm>>
      %dma_start3A_1472 = tpu.memref_slice %arg8[%dma_start3A_1465] : memref<8x!tpu.dma_semaphore, #tpu.memory_space<semaphore_mem>> -> memref<1x!tpu.dma_semaphore, #tpu.memory_space<semaphore_mem>>
      %dma_start3A_1473 = tpu.memref_squeeze %dma_start3A_1472 : memref<1x!tpu.dma_semaphore, #tpu.memory_space<semaphore_mem>> -> memref<!tpu.dma_semaphore, #tpu.memory_space<semaphore_mem>>
      %dma_start3A_1474 = arith.constant 0 : i32
      %dma_start3A_1475 = tpu.memref_slice %arg4[%add3A_1463, %dma_start3A_1474] : memref<819200x64xf32, #tpu.memory_space<hbm>> -> memref<128x64xf32, #tpu.memory_space<hbm>>
      %dma_start3A_1476 = arith.constant 0 : i32
      %dma_start3A_1477 = arith.constant 0 : i32
      %dma_start3A_1478 = tpu.memref_slice %arg6[%dma_start3A_1464, %dma_start3A_1476, %dma_start3A_1477] : memref<8x128x64xf32, #tpu.memory_space<vmem>> -> memref<1x128x64xf32, #tpu.memory_space<vmem>>
      %dma_start3A_1479 = tpu.memref_squeeze %dma_start3A_1478 : memref<1x128x64xf32, #tpu.memory_space<vmem>> -> memref<128x64xf32, #tpu.memory_space<vmem>>
      tpu.enqueue_dma source(%dma_start3A_1479 : memref<128x64xf32, #tpu.memory_space<vmem>>) target(%dma_start3A_1475 : memref<128x64xf32, #tpu.memory_space<hbm>>) target_semaphore(%dma_start3A_1473 : memref<!tpu.dma_semaphore, #tpu.memory_space<semaphore_mem>>)
      %mul3A_1480 = arith.constant 4 : i32
      %mul3A_1481 = arith.muli %add3A_1397, %mul3A_1480 : i32
      %add3A_1482 = arith.constant 2 : i32
      %add3A_1483 = arith.addi %mul3A_1481, %add3A_1482 : i32
      %dma_wait3A_1484 = arith.constant 6 : i32
      %dma_wait3A_1485 = arith.constant 6 : i32
      %dma_wait3A_1486 = arith.constant 0 : i32
      %dma_wait3A_1487 = arith.constant 0 : i32
      %dma_wait3A_1488 = tpu.memref_slice %arg6[%dma_wait3A_1484, %dma_wait3A_1486, %dma_wait3A_1487] : memref<8x128x64xf32, #tpu.memory_space<vmem>> -> memref<1x128x64xf32, #tpu.memory_space<vmem>>
      %dma_wait3A_1489 = tpu.memref_squeeze %dma_wait3A_1488 : memref<1x128x64xf32, #tpu.memory_space<vmem>> -> memref<128x64xf32, #tpu.memory_space<vmem>>
      %dma_wait3A_1490 = arith.constant 0 : i32
      %dma_wait3A_1491 = tpu.memref_slice %arg5[%add3A_1483, %dma_wait3A_1490] : memref<200x128xi32, #tpu.memory_space<vmem>> -> memref<1x128xi32, #tpu.memory_space<vmem>>
      %dma_wait3A_1492 = tpu.memref_squeeze %dma_wait3A_1491 : memref<1x128xi32, #tpu.memory_space<vmem>> -> memref<128xi32, #tpu.memory_space<vmem>>
      %dma_wait3A_1493 = arith.constant 0 : i32
      %dma_wait3A_1494 = arith.constant 0 : i32
      %dma_wait3A_1495 = tpu.memref_slice %arg3[%dma_wait3A_1493, %dma_wait3A_1494] : memref<1000000x64xf32, #tpu.memory_space<hbm>> -> memref<1000000x64xf32, #tpu.memory_space<hbm>>
      %dma_wait3A_1496 = tpu.memref_slice %arg7[%dma_wait3A_1485] : memref<8x!tpu.dma_semaphore, #tpu.memory_space<semaphore_mem>> -> memref<1x!tpu.dma_semaphore, #tpu.memory_space<semaphore_mem>>
      %dma_wait3A_1497 = tpu.memref_squeeze %dma_wait3A_1496 : memref<1x!tpu.dma_semaphore, #tpu.memory_space<semaphore_mem>> -> memref<!tpu.dma_semaphore, #tpu.memory_space<semaphore_mem>>
      tpu.wait_indirect_dma semaphore(%dma_wait3A_1497 : memref<!tpu.dma_semaphore, #tpu.memory_space<semaphore_mem>>) src(%dma_wait3A_1495 : memref<1000000x64xf32, #tpu.memory_space<hbm>>) dst(%dma_wait3A_1489 : memref<128x64xf32, #tpu.memory_space<vmem>>)
      %mul3A_1498 = arith.constant 4 : i32
      %mul3A_1499 = arith.muli %add3A_1397, %mul3A_1498 : i32
      %add3A_1500 = arith.constant 2 : i32
      %add3A_1501 = arith.addi %mul3A_1499, %add3A_1500 : i32
      %mul3A_1502 = arith.constant 128 : i32
      %mul3A_1503 = arith.muli %add3A_1501, %mul3A_1502 : i32
      %add3A_1504 = arith.addi %mul3A_2, %mul3A_1503 : i32
      %dma_start3A_1505 = arith.constant 6 : i32
      %dma_start3A_1506 = arith.constant 6 : i32
      %dma_start3A_1507 = arith.constant 0 : i32
      %dma_start3A_1508 = arith.constant 0 : i32
      %dma_start3A_1509 = tpu.memref_slice %arg6[%dma_start3A_1505, %dma_start3A_1507, %dma_start3A_1508] : memref<8x128x64xf32, #tpu.memory_space<vmem>> -> memref<1x128x64xf32, #tpu.memory_space<vmem>>
      %dma_start3A_1510 = tpu.memref_squeeze %dma_start3A_1509 : memref<1x128x64xf32, #tpu.memory_space<vmem>> -> memref<128x64xf32, #tpu.memory_space<vmem>>
      %dma_start3A_1511 = arith.constant 0 : i32
      %dma_start3A_1512 = tpu.memref_slice %arg4[%add3A_1504, %dma_start3A_1511] : memref<819200x64xf32, #tpu.memory_space<hbm>> -> memref<128x64xf32, #tpu.memory_space<hbm>>
      %dma_start3A_1513 = tpu.memref_slice %arg8[%dma_start3A_1506] : memref<8x!tpu.dma_semaphore, #tpu.memory_space<semaphore_mem>> -> memref<1x!tpu.dma_semaphore, #tpu.memory_space<semaphore_mem>>
      %dma_start3A_1514 = tpu.memref_squeeze %dma_start3A_1513 : memref<1x!tpu.dma_semaphore, #tpu.memory_space<semaphore_mem>> -> memref<!tpu.dma_semaphore, #tpu.memory_space<semaphore_mem>>
      %dma_start3A_1515 = arith.constant 0 : i32
      %dma_start3A_1516 = tpu.memref_slice %arg4[%add3A_1504, %dma_start3A_1515] : memref<819200x64xf32, #tpu.memory_space<hbm>> -> memref<128x64xf32, #tpu.memory_space<hbm>>
      %dma_start3A_1517 = arith.constant 0 : i32
      %dma_start3A_1518 = arith.constant 0 : i32
      %dma_start3A_1519 = tpu.memref_slice %arg6[%dma_start3A_1505, %dma_start3A_1517, %dma_start3A_1518] : memref<8x128x64xf32, #tpu.memory_space<vmem>> -> memref<1x128x64xf32, #tpu.memory_space<vmem>>
      %dma_start3A_1520 = tpu.memref_squeeze %dma_start3A_1519 : memref<1x128x64xf32, #tpu.memory_space<vmem>> -> memref<128x64xf32, #tpu.memory_space<vmem>>
      tpu.enqueue_dma source(%dma_start3A_1520 : memref<128x64xf32, #tpu.memory_space<vmem>>) target(%dma_start3A_1516 : memref<128x64xf32, #tpu.memory_space<hbm>>) target_semaphore(%dma_start3A_1514 : memref<!tpu.dma_semaphore, #tpu.memory_space<semaphore_mem>>)
      %mul3A_1521 = arith.constant 4 : i32
      %mul3A_1522 = arith.muli %add3A_1397, %mul3A_1521 : i32
      %add3A_1523 = arith.constant 3 : i32
      %add3A_1524 = arith.addi %mul3A_1522, %add3A_1523 : i32
      %dma_wait3A_1525 = arith.constant 7 : i32
      %dma_wait3A_1526 = arith.constant 7 : i32
      %dma_wait3A_1527 = arith.constant 0 : i32
      %dma_wait3A_1528 = arith.constant 0 : i32
      %dma_wait3A_1529 = tpu.memref_slice %arg6[%dma_wait3A_1525, %dma_wait3A_1527, %dma_wait3A_1528] : memref<8x128x64xf32, #tpu.memory_space<vmem>> -> memref<1x128x64xf32, #tpu.memory_space<vmem>>
      %dma_wait3A_1530 = tpu.memref_squeeze %dma_wait3A_1529 : memref<1x128x64xf32, #tpu.memory_space<vmem>> -> memref<128x64xf32, #tpu.memory_space<vmem>>
      %dma_wait3A_1531 = arith.constant 0 : i32
      %dma_wait3A_1532 = tpu.memref_slice %arg5[%add3A_1524, %dma_wait3A_1531] : memref<200x128xi32, #tpu.memory_space<vmem>> -> memref<1x128xi32, #tpu.memory_space<vmem>>
      %dma_wait3A_1533 = tpu.memref_squeeze %dma_wait3A_1532 : memref<1x128xi32, #tpu.memory_space<vmem>> -> memref<128xi32, #tpu.memory_space<vmem>>
      %dma_wait3A_1534 = arith.constant 0 : i32
      %dma_wait3A_1535 = arith.constant 0 : i32
      %dma_wait3A_1536 = tpu.memref_slice %arg3[%dma_wait3A_1534, %dma_wait3A_1535] : memref<1000000x64xf32, #tpu.memory_space<hbm>> -> memref<1000000x64xf32, #tpu.memory_space<hbm>>
      %dma_wait3A_1537 = tpu.memref_slice %arg7[%dma_wait3A_1526] : memref<8x!tpu.dma_semaphore, #tpu.memory_space<semaphore_mem>> -> memref<1x!tpu.dma_semaphore, #tpu.memory_space<semaphore_mem>>
      %dma_wait3A_1538 = tpu.memref_squeeze %dma_wait3A_1537 : memref<1x!tpu.dma_semaphore, #tpu.memory_space<semaphore_mem>> -> memref<!tpu.dma_semaphore, #tpu.memory_space<semaphore_mem>>
      tpu.wait_indirect_dma semaphore(%dma_wait3A_1538 : memref<!tpu.dma_semaphore, #tpu.memory_space<semaphore_mem>>) src(%dma_wait3A_1536 : memref<1000000x64xf32, #tpu.memory_space<hbm>>) dst(%dma_wait3A_1530 : memref<128x64xf32, #tpu.memory_space<vmem>>)
      %mul3A_1539 = arith.constant 4 : i32
      %mul3A_1540 = arith.muli %add3A_1397, %mul3A_1539 : i32
      %add3A_1541 = arith.constant 3 : i32
      %add3A_1542 = arith.addi %mul3A_1540, %add3A_1541 : i32
      %mul3A_1543 = arith.constant 128 : i32
      %mul3A_1544 = arith.muli %add3A_1542, %mul3A_1543 : i32
      %add3A_1545 = arith.addi %mul3A_2, %mul3A_1544 : i32
      %dma_start3A_1546 = arith.constant 7 : i32
      %dma_start3A_1547 = arith.constant 7 : i32
      %dma_start3A_1548 = arith.constant 0 : i32
      %dma_start3A_1549 = arith.constant 0 : i32
      %dma_start3A_1550 = tpu.memref_slice %arg6[%dma_start3A_1546, %dma_start3A_1548, %dma_start3A_1549] : memref<8x128x64xf32, #tpu.memory_space<vmem>> -> memref<1x128x64xf32, #tpu.memory_space<vmem>>
      %dma_start3A_1551 = tpu.memref_squeeze %dma_start3A_1550 : memref<1x128x64xf32, #tpu.memory_space<vmem>> -> memref<128x64xf32, #tpu.memory_space<vmem>>
      %dma_start3A_1552 = arith.constant 0 : i32
      %dma_start3A_1553 = tpu.memref_slice %arg4[%add3A_1545, %dma_start3A_1552] : memref<819200x64xf32, #tpu.memory_space<hbm>> -> memref<128x64xf32, #tpu.memory_space<hbm>>
      %dma_start3A_1554 = tpu.memref_slice %arg8[%dma_start3A_1547] : memref<8x!tpu.dma_semaphore, #tpu.memory_space<semaphore_mem>> -> memref<1x!tpu.dma_semaphore, #tpu.memory_space<semaphore_mem>>
      %dma_start3A_1555 = tpu.memref_squeeze %dma_start3A_1554 : memref<1x!tpu.dma_semaphore, #tpu.memory_space<semaphore_mem>> -> memref<!tpu.dma_semaphore, #tpu.memory_space<semaphore_mem>>
      %dma_start3A_1556 = arith.constant 0 : i32
      %dma_start3A_1557 = tpu.memref_slice %arg4[%add3A_1545, %dma_start3A_1556] : memref<819200x64xf32, #tpu.memory_space<hbm>> -> memref<128x64xf32, #tpu.memory_space<hbm>>
      %dma_start3A_1558 = arith.constant 0 : i32
      %dma_start3A_1559 = arith.constant 0 : i32
      %dma_start3A_1560 = tpu.memref_slice %arg6[%dma_start3A_1546, %dma_start3A_1558, %dma_start3A_1559] : memref<8x128x64xf32, #tpu.memory_space<vmem>> -> memref<1x128x64xf32, #tpu.memory_space<vmem>>
      %dma_start3A_1561 = tpu.memref_squeeze %dma_start3A_1560 : memref<1x128x64xf32, #tpu.memory_space<vmem>> -> memref<128x64xf32, #tpu.memory_space<vmem>>
      tpu.enqueue_dma source(%dma_start3A_1561 : memref<128x64xf32, #tpu.memory_space<vmem>>) target(%dma_start3A_1557 : memref<128x64xf32, #tpu.memory_space<hbm>>) target_semaphore(%dma_start3A_1555 : memref<!tpu.dma_semaphore, #tpu.memory_space<semaphore_mem>>)
      %add3A_1562 = arith.constant 2 : i32
      %add3A_1563 = arith.addi %mul3A_1064, %add3A_1562 : i32
      %mul3A_1564 = arith.constant 4 : i32
      %mul3A_1565 = arith.muli %mul3A_1064, %mul3A_1564 : i32
      %add3A_1566 = arith.constant 0 : i32
      %add3A_1567 = arith.addi %mul3A_1565, %add3A_1566 : i32
      %mul3A_1568 = arith.constant 128 : i32
      %mul3A_1569 = arith.muli %add3A_1567, %mul3A_1568 : i32
      %add3A_1570 = arith.addi %mul3A_2, %mul3A_1569 : i32
      %dma_wait3A_1571 = arith.constant 0 : i32
      %dma_wait3A_1572 = arith.constant 0 : i32
      %dma_wait3A_1573 = arith.constant 0 : i32
      %dma_wait3A_1574 = arith.constant 0 : i32
      %dma_wait3A_1575 = tpu.memref_slice %arg6[%dma_wait3A_1571, %dma_wait3A_1573, %dma_wait3A_1574] : memref<8x128x64xf32, #tpu.memory_space<vmem>> -> memref<1x128x64xf32, #tpu.memory_space<vmem>>
      %dma_wait3A_1576 = tpu.memref_squeeze %dma_wait3A_1575 : memref<1x128x64xf32, #tpu.memory_space<vmem>> -> memref<128x64xf32, #tpu.memory_space<vmem>>
      %dma_wait3A_1577 = arith.constant 0 : i32
      %dma_wait3A_1578 = tpu.memref_slice %arg4[%add3A_1570, %dma_wait3A_1577] : memref<819200x64xf32, #tpu.memory_space<hbm>> -> memref<128x64xf32, #tpu.memory_space<hbm>>
      %dma_wait3A_1579 = tpu.memref_slice %arg8[%dma_wait3A_1572] : memref<8x!tpu.dma_semaphore, #tpu.memory_space<semaphore_mem>> -> memref<1x!tpu.dma_semaphore, #tpu.memory_space<semaphore_mem>>
      %dma_wait3A_1580 = tpu.memref_squeeze %dma_wait3A_1579 : memref<1x!tpu.dma_semaphore, #tpu.memory_space<semaphore_mem>> -> memref<!tpu.dma_semaphore, #tpu.memory_space<semaphore_mem>>
      %dma_wait3A_1581 = arith.constant 0 : i32
      %dma_wait3A_1582 = tpu.memref_slice %arg4[%add3A_1570, %dma_wait3A_1581] : memref<819200x64xf32, #tpu.memory_space<hbm>> -> memref<128x64xf32, #tpu.memory_space<hbm>>
      %dma_wait3A_1583 = arith.constant 0 : i32
      %dma_wait3A_1584 = arith.constant 0 : i32
      %dma_wait3A_1585 = tpu.memref_slice %arg6[%dma_wait3A_1571, %dma_wait3A_1583, %dma_wait3A_1584] : memref<8x128x64xf32, #tpu.memory_space<vmem>> -> memref<1x128x64xf32, #tpu.memory_space<vmem>>
      %dma_wait3A_1586 = tpu.memref_squeeze %dma_wait3A_1585 : memref<1x128x64xf32, #tpu.memory_space<vmem>> -> memref<128x64xf32, #tpu.memory_space<vmem>>
      tpu.wait_dma2 semaphore(%dma_wait3A_1580 : memref<!tpu.dma_semaphore, #tpu.memory_space<semaphore_mem>>) src(%dma_wait3A_1586 : memref<128x64xf32, #tpu.memory_space<vmem>>) dst(%dma_wait3A_1582 : memref<128x64xf32, #tpu.memory_space<hbm>>)
      %mul3A_1587 = arith.constant 4 : i32
      %mul3A_1588 = arith.muli %add3A_1563, %mul3A_1587 : i32
      %add3A_1589 = arith.constant 0 : i32
      %add3A_1590 = arith.addi %mul3A_1588, %add3A_1589 : i32
      %dma_start3A_1591 = arith.constant 0 : i32
      %dma_start3A_1592 = arith.constant 0 : i32
      %dma_start3A_1593 = arith.constant 0 : i32
      %dma_start3A_1594 = arith.constant 0 : i32
      %dma_start3A_1595 = tpu.memref_slice %arg6[%dma_start3A_1591, %dma_start3A_1593, %dma_start3A_1594] : memref<8x128x64xf32, #tpu.memory_space<vmem>> -> memref<1x128x64xf32, #tpu.memory_space<vmem>>
      %dma_start3A_1596 = tpu.memref_squeeze %dma_start3A_1595 : memref<1x128x64xf32, #tpu.memory_space<vmem>> -> memref<128x64xf32, #tpu.memory_space<vmem>>
      %dma_start3A_1597 = arith.constant 0 : i32
      %dma_start3A_1598 = tpu.memref_slice %arg5[%add3A_1590, %dma_start3A_1597] : memref<200x128xi32, #tpu.memory_space<vmem>> -> memref<1x128xi32, #tpu.memory_space<vmem>>
      %dma_start3A_1599 = tpu.memref_squeeze %dma_start3A_1598 : memref<1x128xi32, #tpu.memory_space<vmem>> -> memref<128xi32, #tpu.memory_space<vmem>>
      %dma_start3A_1600 = arith.constant 0 : i32
      %dma_start3A_1601 = arith.constant 0 : i32
      %dma_start3A_1602 = tpu.memref_slice %arg3[%dma_start3A_1600, %dma_start3A_1601] : memref<1000000x64xf32, #tpu.memory_space<hbm>> -> memref<1000000x64xf32, #tpu.memory_space<hbm>>
      %dma_start3A_1603 = tpu.memref_slice %arg7[%dma_start3A_1592] : memref<8x!tpu.dma_semaphore, #tpu.memory_space<semaphore_mem>> -> memref<1x!tpu.dma_semaphore, #tpu.memory_space<semaphore_mem>>
      %dma_start3A_1604 = tpu.memref_squeeze %dma_start3A_1603 : memref<1x!tpu.dma_semaphore, #tpu.memory_space<semaphore_mem>> -> memref<!tpu.dma_semaphore, #tpu.memory_space<semaphore_mem>>
      tpu.enqueue_indirect_dma source(%dma_start3A_1602 : memref<1000000x64xf32, #tpu.memory_space<hbm>>) target(%dma_start3A_1596 : memref<128x64xf32, #tpu.memory_space<vmem>>) offsets(%dma_start3A_1599 : memref<128xi32, #tpu.memory_space<vmem>>) semaphore(%dma_start3A_1604 : memref<!tpu.dma_semaphore, #tpu.memory_space<semaphore_mem>>)
      %mul3A_1605 = arith.constant 4 : i32
      %mul3A_1606 = arith.muli %mul3A_1064, %mul3A_1605 : i32
      %add3A_1607 = arith.constant 1 : i32
      %add3A_1608 = arith.addi %mul3A_1606, %add3A_1607 : i32
      %mul3A_1609 = arith.constant 128 : i32
      %mul3A_1610 = arith.muli %add3A_1608, %mul3A_1609 : i32
      %add3A_1611 = arith.addi %mul3A_2, %mul3A_1610 : i32
      %dma_wait3A_1612 = arith.constant 1 : i32
      %dma_wait3A_1613 = arith.constant 1 : i32
      %dma_wait3A_1614 = arith.constant 0 : i32
      %dma_wait3A_1615 = arith.constant 0 : i32
      %dma_wait3A_1616 = tpu.memref_slice %arg6[%dma_wait3A_1612, %dma_wait3A_1614, %dma_wait3A_1615] : memref<8x128x64xf32, #tpu.memory_space<vmem>> -> memref<1x128x64xf32, #tpu.memory_space<vmem>>
      %dma_wait3A_1617 = tpu.memref_squeeze %dma_wait3A_1616 : memref<1x128x64xf32, #tpu.memory_space<vmem>> -> memref<128x64xf32, #tpu.memory_space<vmem>>
      %dma_wait3A_1618 = arith.constant 0 : i32
      %dma_wait3A_1619 = tpu.memref_slice %arg4[%add3A_1611, %dma_wait3A_1618] : memref<819200x64xf32, #tpu.memory_space<hbm>> -> memref<128x64xf32, #tpu.memory_space<hbm>>
      %dma_wait3A_1620 = tpu.memref_slice %arg8[%dma_wait3A_1613] : memref<8x!tpu.dma_semaphore, #tpu.memory_space<semaphore_mem>> -> memref<1x!tpu.dma_semaphore, #tpu.memory_space<semaphore_mem>>
      %dma_wait3A_1621 = tpu.memref_squeeze %dma_wait3A_1620 : memref<1x!tpu.dma_semaphore, #tpu.memory_space<semaphore_mem>> -> memref<!tpu.dma_semaphore, #tpu.memory_space<semaphore_mem>>
      %dma_wait3A_1622 = arith.constant 0 : i32
      %dma_wait3A_1623 = tpu.memref_slice %arg4[%add3A_1611, %dma_wait3A_1622] : memref<819200x64xf32, #tpu.memory_space<hbm>> -> memref<128x64xf32, #tpu.memory_space<hbm>>
      %dma_wait3A_1624 = arith.constant 0 : i32
      %dma_wait3A_1625 = arith.constant 0 : i32
      %dma_wait3A_1626 = tpu.memref_slice %arg6[%dma_wait3A_1612, %dma_wait3A_1624, %dma_wait3A_1625] : memref<8x128x64xf32, #tpu.memory_space<vmem>> -> memref<1x128x64xf32, #tpu.memory_space<vmem>>
      %dma_wait3A_1627 = tpu.memref_squeeze %dma_wait3A_1626 : memref<1x128x64xf32, #tpu.memory_space<vmem>> -> memref<128x64xf32, #tpu.memory_space<vmem>>
      tpu.wait_dma2 semaphore(%dma_wait3A_1621 : memref<!tpu.dma_semaphore, #tpu.memory_space<semaphore_mem>>) src(%dma_wait3A_1627 : memref<128x64xf32, #tpu.memory_space<vmem>>) dst(%dma_wait3A_1623 : memref<128x64xf32, #tpu.memory_space<hbm>>)
      %mul3A_1628 = arith.constant 4 : i32
      %mul3A_1629 = arith.muli %add3A_1563, %mul3A_1628 : i32
      %add3A_1630 = arith.constant 1 : i32
      %add3A_1631 = arith.addi %mul3A_1629, %add3A_1630 : i32
      %dma_start3A_1632 = arith.constant 1 : i32
      %dma_start3A_1633 = arith.constant 1 : i32
      %dma_start3A_1634 = arith.constant 0 : i32
      %dma_start3A_1635 = arith.constant 0 : i32
      %dma_start3A_1636 = tpu.memref_slice %arg6[%dma_start3A_1632, %dma_start3A_1634, %dma_start3A_1635] : memref<8x128x64xf32, #tpu.memory_space<vmem>> -> memref<1x128x64xf32, #tpu.memory_space<vmem>>
      %dma_start3A_1637 = tpu.memref_squeeze %dma_start3A_1636 : memref<1x128x64xf32, #tpu.memory_space<vmem>> -> memref<128x64xf32, #tpu.memory_space<vmem>>
      %dma_start3A_1638 = arith.constant 0 : i32
      %dma_start3A_1639 = tpu.memref_slice %arg5[%add3A_1631, %dma_start3A_1638] : memref<200x128xi32, #tpu.memory_space<vmem>> -> memref<1x128xi32, #tpu.memory_space<vmem>>
      %dma_start3A_1640 = tpu.memref_squeeze %dma_start3A_1639 : memref<1x128xi32, #tpu.memory_space<vmem>> -> memref<128xi32, #tpu.memory_space<vmem>>
      %dma_start3A_1641 = arith.constant 0 : i32
      %dma_start3A_1642 = arith.constant 0 : i32
      %dma_start3A_1643 = tpu.memref_slice %arg3[%dma_start3A_1641, %dma_start3A_1642] : memref<1000000x64xf32, #tpu.memory_space<hbm>> -> memref<1000000x64xf32, #tpu.memory_space<hbm>>
      %dma_start3A_1644 = tpu.memref_slice %arg7[%dma_start3A_1633] : memref<8x!tpu.dma_semaphore, #tpu.memory_space<semaphore_mem>> -> memref<1x!tpu.dma_semaphore, #tpu.memory_space<semaphore_mem>>
      %dma_start3A_1645 = tpu.memref_squeeze %dma_start3A_1644 : memref<1x!tpu.dma_semaphore, #tpu.memory_space<semaphore_mem>> -> memref<!tpu.dma_semaphore, #tpu.memory_space<semaphore_mem>>
      tpu.enqueue_indirect_dma source(%dma_start3A_1643 : memref<1000000x64xf32, #tpu.memory_space<hbm>>) target(%dma_start3A_1637 : memref<128x64xf32, #tpu.memory_space<vmem>>) offsets(%dma_start3A_1640 : memref<128xi32, #tpu.memory_space<vmem>>) semaphore(%dma_start3A_1645 : memref<!tpu.dma_semaphore, #tpu.memory_space<semaphore_mem>>)
      %mul3A_1646 = arith.constant 4 : i32
      %mul3A_1647 = arith.muli %mul3A_1064, %mul3A_1646 : i32
      %add3A_1648 = arith.constant 2 : i32
      %add3A_1649 = arith.addi %mul3A_1647, %add3A_1648 : i32
      %mul3A_1650 = arith.constant 128 : i32
      %mul3A_1651 = arith.muli %add3A_1649, %mul3A_1650 : i32
      %add3A_1652 = arith.addi %mul3A_2, %mul3A_1651 : i32
      %dma_wait3A_1653 = arith.constant 2 : i32
      %dma_wait3A_1654 = arith.constant 2 : i32
      %dma_wait3A_1655 = arith.constant 0 : i32
      %dma_wait3A_1656 = arith.constant 0 : i32
      %dma_wait3A_1657 = tpu.memref_slice %arg6[%dma_wait3A_1653, %dma_wait3A_1655, %dma_wait3A_1656] : memref<8x128x64xf32, #tpu.memory_space<vmem>> -> memref<1x128x64xf32, #tpu.memory_space<vmem>>
      %dma_wait3A_1658 = tpu.memref_squeeze %dma_wait3A_1657 : memref<1x128x64xf32, #tpu.memory_space<vmem>> -> memref<128x64xf32, #tpu.memory_space<vmem>>
      %dma_wait3A_1659 = arith.constant 0 : i32
      %dma_wait3A_1660 = tpu.memref_slice %arg4[%add3A_1652, %dma_wait3A_1659] : memref<819200x64xf32, #tpu.memory_space<hbm>> -> memref<128x64xf32, #tpu.memory_space<hbm>>
      %dma_wait3A_1661 = tpu.memref_slice %arg8[%dma_wait3A_1654] : memref<8x!tpu.dma_semaphore, #tpu.memory_space<semaphore_mem>> -> memref<1x!tpu.dma_semaphore, #tpu.memory_space<semaphore_mem>>
      %dma_wait3A_1662 = tpu.memref_squeeze %dma_wait3A_1661 : memref<1x!tpu.dma_semaphore, #tpu.memory_space<semaphore_mem>> -> memref<!tpu.dma_semaphore, #tpu.memory_space<semaphore_mem>>
      %dma_wait3A_1663 = arith.constant 0 : i32
      %dma_wait3A_1664 = tpu.memref_slice %arg4[%add3A_1652, %dma_wait3A_1663] : memref<819200x64xf32, #tpu.memory_space<hbm>> -> memref<128x64xf32, #tpu.memory_space<hbm>>
      %dma_wait3A_1665 = arith.constant 0 : i32
      %dma_wait3A_1666 = arith.constant 0 : i32
      %dma_wait3A_1667 = tpu.memref_slice %arg6[%dma_wait3A_1653, %dma_wait3A_1665, %dma_wait3A_1666] : memref<8x128x64xf32, #tpu.memory_space<vmem>> -> memref<1x128x64xf32, #tpu.memory_space<vmem>>
      %dma_wait3A_1668 = tpu.memref_squeeze %dma_wait3A_1667 : memref<1x128x64xf32, #tpu.memory_space<vmem>> -> memref<128x64xf32, #tpu.memory_space<vmem>>
      tpu.wait_dma2 semaphore(%dma_wait3A_1662 : memref<!tpu.dma_semaphore, #tpu.memory_space<semaphore_mem>>) src(%dma_wait3A_1668 : memref<128x64xf32, #tpu.memory_space<vmem>>) dst(%dma_wait3A_1664 : memref<128x64xf32, #tpu.memory_space<hbm>>)
      %mul3A_1669 = arith.constant 4 : i32
      %mul3A_1670 = arith.muli %add3A_1563, %mul3A_1669 : i32
      %add3A_1671 = arith.constant 2 : i32
      %add3A_1672 = arith.addi %mul3A_1670, %add3A_1671 : i32
      %dma_start3A_1673 = arith.constant 2 : i32
      %dma_start3A_1674 = arith.constant 2 : i32
      %dma_start3A_1675 = arith.constant 0 : i32
      %dma_start3A_1676 = arith.constant 0 : i32
      %dma_start3A_1677 = tpu.memref_slice %arg6[%dma_start3A_1673, %dma_start3A_1675, %dma_start3A_1676] : memref<8x128x64xf32, #tpu.memory_space<vmem>> -> memref<1x128x64xf32, #tpu.memory_space<vmem>>
      %dma_start3A_1678 = tpu.memref_squeeze %dma_start3A_1677 : memref<1x128x64xf32, #tpu.memory_space<vmem>> -> memref<128x64xf32, #tpu.memory_space<vmem>>
      %dma_start3A_1679 = arith.constant 0 : i32
      %dma_start3A_1680 = tpu.memref_slice %arg5[%add3A_1672, %dma_start3A_1679] : memref<200x128xi32, #tpu.memory_space<vmem>> -> memref<1x128xi32, #tpu.memory_space<vmem>>
      %dma_start3A_1681 = tpu.memref_squeeze %dma_start3A_1680 : memref<1x128xi32, #tpu.memory_space<vmem>> -> memref<128xi32, #tpu.memory_space<vmem>>
      %dma_start3A_1682 = arith.constant 0 : i32
      %dma_start3A_1683 = arith.constant 0 : i32
      %dma_start3A_1684 = tpu.memref_slice %arg3[%dma_start3A_1682, %dma_start3A_1683] : memref<1000000x64xf32, #tpu.memory_space<hbm>> -> memref<1000000x64xf32, #tpu.memory_space<hbm>>
      %dma_start3A_1685 = tpu.memref_slice %arg7[%dma_start3A_1674] : memref<8x!tpu.dma_semaphore, #tpu.memory_space<semaphore_mem>> -> memref<1x!tpu.dma_semaphore, #tpu.memory_space<semaphore_mem>>
      %dma_start3A_1686 = tpu.memref_squeeze %dma_start3A_1685 : memref<1x!tpu.dma_semaphore, #tpu.memory_space<semaphore_mem>> -> memref<!tpu.dma_semaphore, #tpu.memory_space<semaphore_mem>>
      tpu.enqueue_indirect_dma source(%dma_start3A_1684 : memref<1000000x64xf32, #tpu.memory_space<hbm>>) target(%dma_start3A_1678 : memref<128x64xf32, #tpu.memory_space<vmem>>) offsets(%dma_start3A_1681 : memref<128xi32, #tpu.memory_space<vmem>>) semaphore(%dma_start3A_1686 : memref<!tpu.dma_semaphore, #tpu.memory_space<semaphore_mem>>)
      %mul3A_1687 = arith.constant 4 : i32
      %mul3A_1688 = arith.muli %mul3A_1064, %mul3A_1687 : i32
      %add3A_1689 = arith.constant 3 : i32
      %add3A_1690 = arith.addi %mul3A_1688, %add3A_1689 : i32
      %mul3A_1691 = arith.constant 128 : i32
      %mul3A_1692 = arith.muli %add3A_1690, %mul3A_1691 : i32
      %add3A_1693 = arith.addi %mul3A_2, %mul3A_1692 : i32
      %dma_wait3A_1694 = arith.constant 3 : i32
      %dma_wait3A_1695 = arith.constant 3 : i32
      %dma_wait3A_1696 = arith.constant 0 : i32
      %dma_wait3A_1697 = arith.constant 0 : i32
      %dma_wait3A_1698 = tpu.memref_slice %arg6[%dma_wait3A_1694, %dma_wait3A_1696, %dma_wait3A_1697] : memref<8x128x64xf32, #tpu.memory_space<vmem>> -> memref<1x128x64xf32, #tpu.memory_space<vmem>>
      %dma_wait3A_1699 = tpu.memref_squeeze %dma_wait3A_1698 : memref<1x128x64xf32, #tpu.memory_space<vmem>> -> memref<128x64xf32, #tpu.memory_space<vmem>>
      %dma_wait3A_1700 = arith.constant 0 : i32
      %dma_wait3A_1701 = tpu.memref_slice %arg4[%add3A_1693, %dma_wait3A_1700] : memref<819200x64xf32, #tpu.memory_space<hbm>> -> memref<128x64xf32, #tpu.memory_space<hbm>>
      %dma_wait3A_1702 = tpu.memref_slice %arg8[%dma_wait3A_1695] : memref<8x!tpu.dma_semaphore, #tpu.memory_space<semaphore_mem>> -> memref<1x!tpu.dma_semaphore, #tpu.memory_space<semaphore_mem>>
      %dma_wait3A_1703 = tpu.memref_squeeze %dma_wait3A_1702 : memref<1x!tpu.dma_semaphore, #tpu.memory_space<semaphore_mem>> -> memref<!tpu.dma_semaphore, #tpu.memory_space<semaphore_mem>>
      %dma_wait3A_1704 = arith.constant 0 : i32
      %dma_wait3A_1705 = tpu.memref_slice %arg4[%add3A_1693, %dma_wait3A_1704] : memref<819200x64xf32, #tpu.memory_space<hbm>> -> memref<128x64xf32, #tpu.memory_space<hbm>>
      %dma_wait3A_1706 = arith.constant 0 : i32
      %dma_wait3A_1707 = arith.constant 0 : i32
      %dma_wait3A_1708 = tpu.memref_slice %arg6[%dma_wait3A_1694, %dma_wait3A_1706, %dma_wait3A_1707] : memref<8x128x64xf32, #tpu.memory_space<vmem>> -> memref<1x128x64xf32, #tpu.memory_space<vmem>>
      %dma_wait3A_1709 = tpu.memref_squeeze %dma_wait3A_1708 : memref<1x128x64xf32, #tpu.memory_space<vmem>> -> memref<128x64xf32, #tpu.memory_space<vmem>>
      tpu.wait_dma2 semaphore(%dma_wait3A_1703 : memref<!tpu.dma_semaphore, #tpu.memory_space<semaphore_mem>>) src(%dma_wait3A_1709 : memref<128x64xf32, #tpu.memory_space<vmem>>) dst(%dma_wait3A_1705 : memref<128x64xf32, #tpu.memory_space<hbm>>)
      %mul3A_1710 = arith.constant 4 : i32
      %mul3A_1711 = arith.muli %add3A_1563, %mul3A_1710 : i32
      %add3A_1712 = arith.constant 3 : i32
      %add3A_1713 = arith.addi %mul3A_1711, %add3A_1712 : i32
      %dma_start3A_1714 = arith.constant 3 : i32
      %dma_start3A_1715 = arith.constant 3 : i32
      %dma_start3A_1716 = arith.constant 0 : i32
      %dma_start3A_1717 = arith.constant 0 : i32
      %dma_start3A_1718 = tpu.memref_slice %arg6[%dma_start3A_1714, %dma_start3A_1716, %dma_start3A_1717] : memref<8x128x64xf32, #tpu.memory_space<vmem>> -> memref<1x128x64xf32, #tpu.memory_space<vmem>>
      %dma_start3A_1719 = tpu.memref_squeeze %dma_start3A_1718 : memref<1x128x64xf32, #tpu.memory_space<vmem>> -> memref<128x64xf32, #tpu.memory_space<vmem>>
      %dma_start3A_1720 = arith.constant 0 : i32
      %dma_start3A_1721 = tpu.memref_slice %arg5[%add3A_1713, %dma_start3A_1720] : memref<200x128xi32, #tpu.memory_space<vmem>> -> memref<1x128xi32, #tpu.memory_space<vmem>>
      %dma_start3A_1722 = tpu.memref_squeeze %dma_start3A_1721 : memref<1x128xi32, #tpu.memory_space<vmem>> -> memref<128xi32, #tpu.memory_space<vmem>>
      %dma_start3A_1723 = arith.constant 0 : i32
      %dma_start3A_1724 = arith.constant 0 : i32
      %dma_start3A_1725 = tpu.memref_slice %arg3[%dma_start3A_1723, %dma_start3A_1724] : memref<1000000x64xf32, #tpu.memory_space<hbm>> -> memref<1000000x64xf32, #tpu.memory_space<hbm>>
      %dma_start3A_1726 = tpu.memref_slice %arg7[%dma_start3A_1715] : memref<8x!tpu.dma_semaphore, #tpu.memory_space<semaphore_mem>> -> memref<1x!tpu.dma_semaphore, #tpu.memory_space<semaphore_mem>>
      %dma_start3A_1727 = tpu.memref_squeeze %dma_start3A_1726 : memref<1x!tpu.dma_semaphore, #tpu.memory_space<semaphore_mem>> -> memref<!tpu.dma_semaphore, #tpu.memory_space<semaphore_mem>>
      tpu.enqueue_indirect_dma source(%dma_start3A_1725 : memref<1000000x64xf32, #tpu.memory_space<hbm>>) target(%dma_start3A_1719 : memref<128x64xf32, #tpu.memory_space<vmem>>) offsets(%dma_start3A_1722 : memref<128xi32, #tpu.memory_space<vmem>>) semaphore(%dma_start3A_1727 : memref<!tpu.dma_semaphore, #tpu.memory_space<semaphore_mem>>)
    }
    %scan3A_521 = arith.constant 23 : i32
    %dma_wait3A_522 = arith.constant 192 : i32
    %dma_wait3A_523 = arith.constant 0 : i32
    %dma_wait3A_524 = arith.constant 0 : i32
    %dma_wait3A_525 = arith.constant 0 : i32
    %dma_wait3A_526 = arith.constant 0 : i32
    %dma_wait3A_527 = tpu.memref_slice %arg6[%dma_wait3A_523, %dma_wait3A_525, %dma_wait3A_526] : memref<8x128x64xf32, #tpu.memory_space<vmem>> -> memref<1x128x64xf32, #tpu.memory_space<vmem>>
    %dma_wait3A_528 = tpu.memref_squeeze %dma_wait3A_527 : memref<1x128x64xf32, #tpu.memory_space<vmem>> -> memref<128x64xf32, #tpu.memory_space<vmem>>
    %dma_wait3A_529 = arith.constant 0 : i32
    %dma_wait3A_530 = tpu.memref_slice %arg5[%dma_wait3A_522, %dma_wait3A_529] : memref<200x128xi32, #tpu.memory_space<vmem>> -> memref<1x128xi32, #tpu.memory_space<vmem>>
    %dma_wait3A_531 = tpu.memref_squeeze %dma_wait3A_530 : memref<1x128xi32, #tpu.memory_space<vmem>> -> memref<128xi32, #tpu.memory_space<vmem>>
    %dma_wait3A_532 = arith.constant 0 : i32
    %dma_wait3A_533 = arith.constant 0 : i32
    %dma_wait3A_534 = tpu.memref_slice %arg3[%dma_wait3A_532, %dma_wait3A_533] : memref<1000000x64xf32, #tpu.memory_space<hbm>> -> memref<1000000x64xf32, #tpu.memory_space<hbm>>
    %dma_wait3A_535 = tpu.memref_slice %arg7[%dma_wait3A_524] : memref<8x!tpu.dma_semaphore, #tpu.memory_space<semaphore_mem>> -> memref<1x!tpu.dma_semaphore, #tpu.memory_space<semaphore_mem>>
    %dma_wait3A_536 = tpu.memref_squeeze %dma_wait3A_535 : memref<1x!tpu.dma_semaphore, #tpu.memory_space<semaphore_mem>> -> memref<!tpu.dma_semaphore, #tpu.memory_space<semaphore_mem>>
    tpu.wait_indirect_dma semaphore(%dma_wait3A_536 : memref<!tpu.dma_semaphore, #tpu.memory_space<semaphore_mem>>) src(%dma_wait3A_534 : memref<1000000x64xf32, #tpu.memory_space<hbm>>) dst(%dma_wait3A_528 : memref<128x64xf32, #tpu.memory_space<vmem>>)
    %add3A_537 = arith.constant 24576 : i32
    %add3A_538 = arith.addi %mul3A_2, %add3A_537 : i32
    %dma_start3A_539 = arith.constant 0 : i32
    %dma_start3A_540 = arith.constant 0 : i32
    %dma_start3A_541 = arith.constant 0 : i32
    %dma_start3A_542 = arith.constant 0 : i32
    %dma_start3A_543 = tpu.memref_slice %arg6[%dma_start3A_539, %dma_start3A_541, %dma_start3A_542] : memref<8x128x64xf32, #tpu.memory_space<vmem>> -> memref<1x128x64xf32, #tpu.memory_space<vmem>>
    %dma_start3A_544 = tpu.memref_squeeze %dma_start3A_543 : memref<1x128x64xf32, #tpu.memory_space<vmem>> -> memref<128x64xf32, #tpu.memory_space<vmem>>
    %dma_start3A_545 = arith.constant 0 : i32
    %dma_start3A_546 = tpu.memref_slice %arg4[%add3A_538, %dma_start3A_545] : memref<819200x64xf32, #tpu.memory_space<hbm>> -> memref<128x64xf32, #tpu.memory_space<hbm>>
    %dma_start3A_547 = tpu.memref_slice %arg8[%dma_start3A_540] : memref<8x!tpu.dma_semaphore, #tpu.memory_space<semaphore_mem>> -> memref<1x!tpu.dma_semaphore, #tpu.memory_space<semaphore_mem>>
    %dma_start3A_548 = tpu.memref_squeeze %dma_start3A_547 : memref<1x!tpu.dma_semaphore, #tpu.memory_space<semaphore_mem>> -> memref<!tpu.dma_semaphore, #tpu.memory_space<semaphore_mem>>
    %dma_start3A_549 = arith.constant 0 : i32
    %dma_start3A_550 = tpu.memref_slice %arg4[%add3A_538, %dma_start3A_549] : memref<819200x64xf32, #tpu.memory_space<hbm>> -> memref<128x64xf32, #tpu.memory_space<hbm>>
    %dma_start3A_551 = arith.constant 0 : i32
    %dma_start3A_552 = arith.constant 0 : i32
    %dma_start3A_553 = tpu.memref_slice %arg6[%dma_start3A_539, %dma_start3A_551, %dma_start3A_552] : memref<8x128x64xf32, #tpu.memory_space<vmem>> -> memref<1x128x64xf32, #tpu.memory_space<vmem>>
    %dma_start3A_554 = tpu.memref_squeeze %dma_start3A_553 : memref<1x128x64xf32, #tpu.memory_space<vmem>> -> memref<128x64xf32, #tpu.memory_space<vmem>>
    tpu.enqueue_dma source(%dma_start3A_554 : memref<128x64xf32, #tpu.memory_space<vmem>>) target(%dma_start3A_550 : memref<128x64xf32, #tpu.memory_space<hbm>>) target_semaphore(%dma_start3A_548 : memref<!tpu.dma_semaphore, #tpu.memory_space<semaphore_mem>>)
    %dma_wait3A_555 = arith.constant 193 : i32
    %dma_wait3A_556 = arith.constant 1 : i32
    %dma_wait3A_557 = arith.constant 1 : i32
    %dma_wait3A_558 = arith.constant 0 : i32
    %dma_wait3A_559 = arith.constant 0 : i32
    %dma_wait3A_560 = tpu.memref_slice %arg6[%dma_wait3A_556, %dma_wait3A_558, %dma_wait3A_559] : memref<8x128x64xf32, #tpu.memory_space<vmem>> -> memref<1x128x64xf32, #tpu.memory_space<vmem>>
    %dma_wait3A_561 = tpu.memref_squeeze %dma_wait3A_560 : memref<1x128x64xf32, #tpu.memory_space<vmem>> -> memref<128x64xf32, #tpu.memory_space<vmem>>
    %dma_wait3A_562 = arith.constant 0 : i32
    %dma_wait3A_563 = tpu.memref_slice %arg5[%dma_wait3A_555, %dma_wait3A_562] : memref<200x128xi32, #tpu.memory_space<vmem>> -> memref<1x128xi32, #tpu.memory_space<vmem>>
    %dma_wait3A_564 = tpu.memref_squeeze %dma_wait3A_563 : memref<1x128xi32, #tpu.memory_space<vmem>> -> memref<128xi32, #tpu.memory_space<vmem>>
    %dma_wait3A_565 = arith.constant 0 : i32
    %dma_wait3A_566 = arith.constant 0 : i32
    %dma_wait3A_567 = tpu.memref_slice %arg3[%dma_wait3A_565, %dma_wait3A_566] : memref<1000000x64xf32, #tpu.memory_space<hbm>> -> memref<1000000x64xf32, #tpu.memory_space<hbm>>
    %dma_wait3A_568 = tpu.memref_slice %arg7[%dma_wait3A_557] : memref<8x!tpu.dma_semaphore, #tpu.memory_space<semaphore_mem>> -> memref<1x!tpu.dma_semaphore, #tpu.memory_space<semaphore_mem>>
    %dma_wait3A_569 = tpu.memref_squeeze %dma_wait3A_568 : memref<1x!tpu.dma_semaphore, #tpu.memory_space<semaphore_mem>> -> memref<!tpu.dma_semaphore, #tpu.memory_space<semaphore_mem>>
    tpu.wait_indirect_dma semaphore(%dma_wait3A_569 : memref<!tpu.dma_semaphore, #tpu.memory_space<semaphore_mem>>) src(%dma_wait3A_567 : memref<1000000x64xf32, #tpu.memory_space<hbm>>) dst(%dma_wait3A_561 : memref<128x64xf32, #tpu.memory_space<vmem>>)
    %add3A_570 = arith.constant 24704 : i32
    %add3A_571 = arith.addi %mul3A_2, %add3A_570 : i32
    %dma_start3A_572 = arith.constant 1 : i32
    %dma_start3A_573 = arith.constant 1 : i32
    %dma_start3A_574 = arith.constant 0 : i32
    %dma_start3A_575 = arith.constant 0 : i32
    %dma_start3A_576 = tpu.memref_slice %arg6[%dma_start3A_572, %dma_start3A_574, %dma_start3A_575] : memref<8x128x64xf32, #tpu.memory_space<vmem>> -> memref<1x128x64xf32, #tpu.memory_space<vmem>>
    %dma_start3A_577 = tpu.memref_squeeze %dma_start3A_576 : memref<1x128x64xf32, #tpu.memory_space<vmem>> -> memref<128x64xf32, #tpu.memory_space<vmem>>
    %dma_start3A_578 = arith.constant 0 : i32
    %dma_start3A_579 = tpu.memref_slice %arg4[%add3A_571, %dma_start3A_578] : memref<819200x64xf32, #tpu.memory_space<hbm>> -> memref<128x64xf32, #tpu.memory_space<hbm>>
    %dma_start3A_580 = tpu.memref_slice %arg8[%dma_start3A_573] : memref<8x!tpu.dma_semaphore, #tpu.memory_space<semaphore_mem>> -> memref<1x!tpu.dma_semaphore, #tpu.memory_space<semaphore_mem>>
    %dma_start3A_581 = tpu.memref_squeeze %dma_start3A_580 : memref<1x!tpu.dma_semaphore, #tpu.memory_space<semaphore_mem>> -> memref<!tpu.dma_semaphore, #tpu.memory_space<semaphore_mem>>
    %dma_start3A_582 = arith.constant 0 : i32
    %dma_start3A_583 = tpu.memref_slice %arg4[%add3A_571, %dma_start3A_582] : memref<819200x64xf32, #tpu.memory_space<hbm>> -> memref<128x64xf32, #tpu.memory_space<hbm>>
    %dma_start3A_584 = arith.constant 0 : i32
    %dma_start3A_585 = arith.constant 0 : i32
    %dma_start3A_586 = tpu.memref_slice %arg6[%dma_start3A_572, %dma_start3A_584, %dma_start3A_585] : memref<8x128x64xf32, #tpu.memory_space<vmem>> -> memref<1x128x64xf32, #tpu.memory_space<vmem>>
    %dma_start3A_587 = tpu.memref_squeeze %dma_start3A_586 : memref<1x128x64xf32, #tpu.memory_space<vmem>> -> memref<128x64xf32, #tpu.memory_space<vmem>>
    tpu.enqueue_dma source(%dma_start3A_587 : memref<128x64xf32, #tpu.memory_space<vmem>>) target(%dma_start3A_583 : memref<128x64xf32, #tpu.memory_space<hbm>>) target_semaphore(%dma_start3A_581 : memref<!tpu.dma_semaphore, #tpu.memory_space<semaphore_mem>>)
    %dma_wait3A_588 = arith.constant 194 : i32
    %dma_wait3A_589 = arith.constant 2 : i32
    %dma_wait3A_590 = arith.constant 2 : i32
    %dma_wait3A_591 = arith.constant 0 : i32
    %dma_wait3A_592 = arith.constant 0 : i32
    %dma_wait3A_593 = tpu.memref_slice %arg6[%dma_wait3A_589, %dma_wait3A_591, %dma_wait3A_592] : memref<8x128x64xf32, #tpu.memory_space<vmem>> -> memref<1x128x64xf32, #tpu.memory_space<vmem>>
    %dma_wait3A_594 = tpu.memref_squeeze %dma_wait3A_593 : memref<1x128x64xf32, #tpu.memory_space<vmem>> -> memref<128x64xf32, #tpu.memory_space<vmem>>
    %dma_wait3A_595 = arith.constant 0 : i32
    %dma_wait3A_596 = tpu.memref_slice %arg5[%dma_wait3A_588, %dma_wait3A_595] : memref<200x128xi32, #tpu.memory_space<vmem>> -> memref<1x128xi32, #tpu.memory_space<vmem>>
    %dma_wait3A_597 = tpu.memref_squeeze %dma_wait3A_596 : memref<1x128xi32, #tpu.memory_space<vmem>> -> memref<128xi32, #tpu.memory_space<vmem>>
    %dma_wait3A_598 = arith.constant 0 : i32
    %dma_wait3A_599 = arith.constant 0 : i32
    %dma_wait3A_600 = tpu.memref_slice %arg3[%dma_wait3A_598, %dma_wait3A_599] : memref<1000000x64xf32, #tpu.memory_space<hbm>> -> memref<1000000x64xf32, #tpu.memory_space<hbm>>
    %dma_wait3A_601 = tpu.memref_slice %arg7[%dma_wait3A_590] : memref<8x!tpu.dma_semaphore, #tpu.memory_space<semaphore_mem>> -> memref<1x!tpu.dma_semaphore, #tpu.memory_space<semaphore_mem>>
    %dma_wait3A_602 = tpu.memref_squeeze %dma_wait3A_601 : memref<1x!tpu.dma_semaphore, #tpu.memory_space<semaphore_mem>> -> memref<!tpu.dma_semaphore, #tpu.memory_space<semaphore_mem>>
    tpu.wait_indirect_dma semaphore(%dma_wait3A_602 : memref<!tpu.dma_semaphore, #tpu.memory_space<semaphore_mem>>) src(%dma_wait3A_600 : memref<1000000x64xf32, #tpu.memory_space<hbm>>) dst(%dma_wait3A_594 : memref<128x64xf32, #tpu.memory_space<vmem>>)
    %add3A_603 = arith.constant 24832 : i32
    %add3A_604 = arith.addi %mul3A_2, %add3A_603 : i32
    %dma_start3A_605 = arith.constant 2 : i32
    %dma_start3A_606 = arith.constant 2 : i32
    %dma_start3A_607 = arith.constant 0 : i32
    %dma_start3A_608 = arith.constant 0 : i32
    %dma_start3A_609 = tpu.memref_slice %arg6[%dma_start3A_605, %dma_start3A_607, %dma_start3A_608] : memref<8x128x64xf32, #tpu.memory_space<vmem>> -> memref<1x128x64xf32, #tpu.memory_space<vmem>>
    %dma_start3A_610 = tpu.memref_squeeze %dma_start3A_609 : memref<1x128x64xf32, #tpu.memory_space<vmem>> -> memref<128x64xf32, #tpu.memory_space<vmem>>
    %dma_start3A_611 = arith.constant 0 : i32
    %dma_start3A_612 = tpu.memref_slice %arg4[%add3A_604, %dma_start3A_611] : memref<819200x64xf32, #tpu.memory_space<hbm>> -> memref<128x64xf32, #tpu.memory_space<hbm>>
    %dma_start3A_613 = tpu.memref_slice %arg8[%dma_start3A_606] : memref<8x!tpu.dma_semaphore, #tpu.memory_space<semaphore_mem>> -> memref<1x!tpu.dma_semaphore, #tpu.memory_space<semaphore_mem>>
    %dma_start3A_614 = tpu.memref_squeeze %dma_start3A_613 : memref<1x!tpu.dma_semaphore, #tpu.memory_space<semaphore_mem>> -> memref<!tpu.dma_semaphore, #tpu.memory_space<semaphore_mem>>
    %dma_start3A_615 = arith.constant 0 : i32
    %dma_start3A_616 = tpu.memref_slice %arg4[%add3A_604, %dma_start3A_615] : memref<819200x64xf32, #tpu.memory_space<hbm>> -> memref<128x64xf32, #tpu.memory_space<hbm>>
    %dma_start3A_617 = arith.constant 0 : i32
    %dma_start3A_618 = arith.constant 0 : i32
    %dma_start3A_619 = tpu.memref_slice %arg6[%dma_start3A_605, %dma_start3A_617, %dma_start3A_618] : memref<8x128x64xf32, #tpu.memory_space<vmem>> -> memref<1x128x64xf32, #tpu.memory_space<vmem>>
    %dma_start3A_620 = tpu.memref_squeeze %dma_start3A_619 : memref<1x128x64xf32, #tpu.memory_space<vmem>> -> memref<128x64xf32, #tpu.memory_space<vmem>>
    tpu.enqueue_dma source(%dma_start3A_620 : memref<128x64xf32, #tpu.memory_space<vmem>>) target(%dma_start3A_616 : memref<128x64xf32, #tpu.memory_space<hbm>>) target_semaphore(%dma_start3A_614 : memref<!tpu.dma_semaphore, #tpu.memory_space<semaphore_mem>>)
    %dma_wait3A_621 = arith.constant 195 : i32
    %dma_wait3A_622 = arith.constant 3 : i32
    %dma_wait3A_623 = arith.constant 3 : i32
    %dma_wait3A_624 = arith.constant 0 : i32
    %dma_wait3A_625 = arith.constant 0 : i32
    %dma_wait3A_626 = tpu.memref_slice %arg6[%dma_wait3A_622, %dma_wait3A_624, %dma_wait3A_625] : memref<8x128x64xf32, #tpu.memory_space<vmem>> -> memref<1x128x64xf32, #tpu.memory_space<vmem>>
    %dma_wait3A_627 = tpu.memref_squeeze %dma_wait3A_626 : memref<1x128x64xf32, #tpu.memory_space<vmem>> -> memref<128x64xf32, #tpu.memory_space<vmem>>
    %dma_wait3A_628 = arith.constant 0 : i32
    %dma_wait3A_629 = tpu.memref_slice %arg5[%dma_wait3A_621, %dma_wait3A_628] : memref<200x128xi32, #tpu.memory_space<vmem>> -> memref<1x128xi32, #tpu.memory_space<vmem>>
    %dma_wait3A_630 = tpu.memref_squeeze %dma_wait3A_629 : memref<1x128xi32, #tpu.memory_space<vmem>> -> memref<128xi32, #tpu.memory_space<vmem>>
    %dma_wait3A_631 = arith.constant 0 : i32
    %dma_wait3A_632 = arith.constant 0 : i32
    %dma_wait3A_633 = tpu.memref_slice %arg3[%dma_wait3A_631, %dma_wait3A_632] : memref<1000000x64xf32, #tpu.memory_space<hbm>> -> memref<1000000x64xf32, #tpu.memory_space<hbm>>
    %dma_wait3A_634 = tpu.memref_slice %arg7[%dma_wait3A_623] : memref<8x!tpu.dma_semaphore, #tpu.memory_space<semaphore_mem>> -> memref<1x!tpu.dma_semaphore, #tpu.memory_space<semaphore_mem>>
    %dma_wait3A_635 = tpu.memref_squeeze %dma_wait3A_634 : memref<1x!tpu.dma_semaphore, #tpu.memory_space<semaphore_mem>> -> memref<!tpu.dma_semaphore, #tpu.memory_space<semaphore_mem>>
    tpu.wait_indirect_dma semaphore(%dma_wait3A_635 : memref<!tpu.dma_semaphore, #tpu.memory_space<semaphore_mem>>) src(%dma_wait3A_633 : memref<1000000x64xf32, #tpu.memory_space<hbm>>) dst(%dma_wait3A_627 : memref<128x64xf32, #tpu.memory_space<vmem>>)
    %add3A_636 = arith.constant 24960 : i32
    %add3A_637 = arith.addi %mul3A_2, %add3A_636 : i32
    %dma_start3A_638 = arith.constant 3 : i32
    %dma_start3A_639 = arith.constant 3 : i32
    %dma_start3A_640 = arith.constant 0 : i32
    %dma_start3A_641 = arith.constant 0 : i32
    %dma_start3A_642 = tpu.memref_slice %arg6[%dma_start3A_638, %dma_start3A_640, %dma_start3A_641] : memref<8x128x64xf32, #tpu.memory_space<vmem>> -> memref<1x128x64xf32, #tpu.memory_space<vmem>>
    %dma_start3A_643 = tpu.memref_squeeze %dma_start3A_642 : memref<1x128x64xf32, #tpu.memory_space<vmem>> -> memref<128x64xf32, #tpu.memory_space<vmem>>
    %dma_start3A_644 = arith.constant 0 : i32
    %dma_start3A_645 = tpu.memref_slice %arg4[%add3A_637, %dma_start3A_644] : memref<819200x64xf32, #tpu.memory_space<hbm>> -> memref<128x64xf32, #tpu.memory_space<hbm>>
    %dma_start3A_646 = tpu.memref_slice %arg8[%dma_start3A_639] : memref<8x!tpu.dma_semaphore, #tpu.memory_space<semaphore_mem>> -> memref<1x!tpu.dma_semaphore, #tpu.memory_space<semaphore_mem>>
    %dma_start3A_647 = tpu.memref_squeeze %dma_start3A_646 : memref<1x!tpu.dma_semaphore, #tpu.memory_space<semaphore_mem>> -> memref<!tpu.dma_semaphore, #tpu.memory_space<semaphore_mem>>
    %dma_start3A_648 = arith.constant 0 : i32
    %dma_start3A_649 = tpu.memref_slice %arg4[%add3A_637, %dma_start3A_648] : memref<819200x64xf32, #tpu.memory_space<hbm>> -> memref<128x64xf32, #tpu.memory_space<hbm>>
    %dma_start3A_650 = arith.constant 0 : i32
    %dma_start3A_651 = arith.constant 0 : i32
    %dma_start3A_652 = tpu.memref_slice %arg6[%dma_start3A_638, %dma_start3A_650, %dma_start3A_651] : memref<8x128x64xf32, #tpu.memory_space<vmem>> -> memref<1x128x64xf32, #tpu.memory_space<vmem>>
    %dma_start3A_653 = tpu.memref_squeeze %dma_start3A_652 : memref<1x128x64xf32, #tpu.memory_space<vmem>> -> memref<128x64xf32, #tpu.memory_space<vmem>>
    tpu.enqueue_dma source(%dma_start3A_653 : memref<128x64xf32, #tpu.memory_space<vmem>>) target(%dma_start3A_649 : memref<128x64xf32, #tpu.memory_space<hbm>>) target_semaphore(%dma_start3A_647 : memref<!tpu.dma_semaphore, #tpu.memory_space<semaphore_mem>>)
    %add3A_654 = arith.constant 24064 : i32
    %add3A_655 = arith.addi %mul3A_2, %add3A_654 : i32
    %dma_wait3A_656 = arith.constant 4 : i32
    %dma_wait3A_657 = arith.constant 4 : i32
    %dma_wait3A_658 = arith.constant 0 : i32
    %dma_wait3A_659 = arith.constant 0 : i32
    %dma_wait3A_660 = tpu.memref_slice %arg6[%dma_wait3A_656, %dma_wait3A_658, %dma_wait3A_659] : memref<8x128x64xf32, #tpu.memory_space<vmem>> -> memref<1x128x64xf32, #tpu.memory_space<vmem>>
    %dma_wait3A_661 = tpu.memref_squeeze %dma_wait3A_660 : memref<1x128x64xf32, #tpu.memory_space<vmem>> -> memref<128x64xf32, #tpu.memory_space<vmem>>
    %dma_wait3A_662 = arith.constant 0 : i32
    %dma_wait3A_663 = tpu.memref_slice %arg4[%add3A_655, %dma_wait3A_662] : memref<819200x64xf32, #tpu.memory_space<hbm>> -> memref<128x64xf32, #tpu.memory_space<hbm>>
    %dma_wait3A_664 = tpu.memref_slice %arg8[%dma_wait3A_657] : memref<8x!tpu.dma_semaphore, #tpu.memory_space<semaphore_mem>> -> memref<1x!tpu.dma_semaphore, #tpu.memory_space<semaphore_mem>>
    %dma_wait3A_665 = tpu.memref_squeeze %dma_wait3A_664 : memref<1x!tpu.dma_semaphore, #tpu.memory_space<semaphore_mem>> -> memref<!tpu.dma_semaphore, #tpu.memory_space<semaphore_mem>>
    %dma_wait3A_666 = arith.constant 0 : i32
    %dma_wait3A_667 = tpu.memref_slice %arg4[%add3A_655, %dma_wait3A_666] : memref<819200x64xf32, #tpu.memory_space<hbm>> -> memref<128x64xf32, #tpu.memory_space<hbm>>
    %dma_wait3A_668 = arith.constant 0 : i32
    %dma_wait3A_669 = arith.constant 0 : i32
    %dma_wait3A_670 = tpu.memref_slice %arg6[%dma_wait3A_656, %dma_wait3A_668, %dma_wait3A_669] : memref<8x128x64xf32, #tpu.memory_space<vmem>> -> memref<1x128x64xf32, #tpu.memory_space<vmem>>
    %dma_wait3A_671 = tpu.memref_squeeze %dma_wait3A_670 : memref<1x128x64xf32, #tpu.memory_space<vmem>> -> memref<128x64xf32, #tpu.memory_space<vmem>>
    tpu.wait_dma2 semaphore(%dma_wait3A_665 : memref<!tpu.dma_semaphore, #tpu.memory_space<semaphore_mem>>) src(%dma_wait3A_671 : memref<128x64xf32, #tpu.memory_space<vmem>>) dst(%dma_wait3A_667 : memref<128x64xf32, #tpu.memory_space<hbm>>)
    %dma_start3A_672 = arith.constant 196 : i32
    %dma_start3A_673 = arith.constant 4 : i32
    %dma_start3A_674 = arith.constant 4 : i32
    %dma_start3A_675 = arith.constant 0 : i32
    %dma_start3A_676 = arith.constant 0 : i32
    %dma_start3A_677 = tpu.memref_slice %arg6[%dma_start3A_673, %dma_start3A_675, %dma_start3A_676] : memref<8x128x64xf32, #tpu.memory_space<vmem>> -> memref<1x128x64xf32, #tpu.memory_space<vmem>>
    %dma_start3A_678 = tpu.memref_squeeze %dma_start3A_677 : memref<1x128x64xf32, #tpu.memory_space<vmem>> -> memref<128x64xf32, #tpu.memory_space<vmem>>
    %dma_start3A_679 = arith.constant 0 : i32
    %dma_start3A_680 = tpu.memref_slice %arg5[%dma_start3A_672, %dma_start3A_679] : memref<200x128xi32, #tpu.memory_space<vmem>> -> memref<1x128xi32, #tpu.memory_space<vmem>>
    %dma_start3A_681 = tpu.memref_squeeze %dma_start3A_680 : memref<1x128xi32, #tpu.memory_space<vmem>> -> memref<128xi32, #tpu.memory_space<vmem>>
    %dma_start3A_682 = arith.constant 0 : i32
    %dma_start3A_683 = arith.constant 0 : i32
    %dma_start3A_684 = tpu.memref_slice %arg3[%dma_start3A_682, %dma_start3A_683] : memref<1000000x64xf32, #tpu.memory_space<hbm>> -> memref<1000000x64xf32, #tpu.memory_space<hbm>>
    %dma_start3A_685 = tpu.memref_slice %arg7[%dma_start3A_674] : memref<8x!tpu.dma_semaphore, #tpu.memory_space<semaphore_mem>> -> memref<1x!tpu.dma_semaphore, #tpu.memory_space<semaphore_mem>>
    %dma_start3A_686 = tpu.memref_squeeze %dma_start3A_685 : memref<1x!tpu.dma_semaphore, #tpu.memory_space<semaphore_mem>> -> memref<!tpu.dma_semaphore, #tpu.memory_space<semaphore_mem>>
    tpu.enqueue_indirect_dma source(%dma_start3A_684 : memref<1000000x64xf32, #tpu.memory_space<hbm>>) target(%dma_start3A_678 : memref<128x64xf32, #tpu.memory_space<vmem>>) offsets(%dma_start3A_681 : memref<128xi32, #tpu.memory_space<vmem>>) semaphore(%dma_start3A_686 : memref<!tpu.dma_semaphore, #tpu.memory_space<semaphore_mem>>)
    %add3A_687 = arith.constant 24192 : i32
    %add3A_688 = arith.addi %mul3A_2, %add3A_687 : i32
    %dma_wait3A_689 = arith.constant 5 : i32
    %dma_wait3A_690 = arith.constant 5 : i32
    %dma_wait3A_691 = arith.constant 0 : i32
    %dma_wait3A_692 = arith.constant 0 : i32
    %dma_wait3A_693 = tpu.memref_slice %arg6[%dma_wait3A_689, %dma_wait3A_691, %dma_wait3A_692] : memref<8x128x64xf32, #tpu.memory_space<vmem>> -> memref<1x128x64xf32, #tpu.memory_space<vmem>>
    %dma_wait3A_694 = tpu.memref_squeeze %dma_wait3A_693 : memref<1x128x64xf32, #tpu.memory_space<vmem>> -> memref<128x64xf32, #tpu.memory_space<vmem>>
    %dma_wait3A_695 = arith.constant 0 : i32
    %dma_wait3A_696 = tpu.memref_slice %arg4[%add3A_688, %dma_wait3A_695] : memref<819200x64xf32, #tpu.memory_space<hbm>> -> memref<128x64xf32, #tpu.memory_space<hbm>>
    %dma_wait3A_697 = tpu.memref_slice %arg8[%dma_wait3A_690] : memref<8x!tpu.dma_semaphore, #tpu.memory_space<semaphore_mem>> -> memref<1x!tpu.dma_semaphore, #tpu.memory_space<semaphore_mem>>
    %dma_wait3A_698 = tpu.memref_squeeze %dma_wait3A_697 : memref<1x!tpu.dma_semaphore, #tpu.memory_space<semaphore_mem>> -> memref<!tpu.dma_semaphore, #tpu.memory_space<semaphore_mem>>
    %dma_wait3A_699 = arith.constant 0 : i32
    %dma_wait3A_700 = tpu.memref_slice %arg4[%add3A_688, %dma_wait3A_699] : memref<819200x64xf32, #tpu.memory_space<hbm>> -> memref<128x64xf32, #tpu.memory_space<hbm>>
    %dma_wait3A_701 = arith.constant 0 : i32
    %dma_wait3A_702 = arith.constant 0 : i32
    %dma_wait3A_703 = tpu.memref_slice %arg6[%dma_wait3A_689, %dma_wait3A_701, %dma_wait3A_702] : memref<8x128x64xf32, #tpu.memory_space<vmem>> -> memref<1x128x64xf32, #tpu.memory_space<vmem>>
    %dma_wait3A_704 = tpu.memref_squeeze %dma_wait3A_703 : memref<1x128x64xf32, #tpu.memory_space<vmem>> -> memref<128x64xf32, #tpu.memory_space<vmem>>
    tpu.wait_dma2 semaphore(%dma_wait3A_698 : memref<!tpu.dma_semaphore, #tpu.memory_space<semaphore_mem>>) src(%dma_wait3A_704 : memref<128x64xf32, #tpu.memory_space<vmem>>) dst(%dma_wait3A_700 : memref<128x64xf32, #tpu.memory_space<hbm>>)
    %dma_start3A_705 = arith.constant 197 : i32
    %dma_start3A_706 = arith.constant 5 : i32
    %dma_start3A_707 = arith.constant 5 : i32
    %dma_start3A_708 = arith.constant 0 : i32
    %dma_start3A_709 = arith.constant 0 : i32
    %dma_start3A_710 = tpu.memref_slice %arg6[%dma_start3A_706, %dma_start3A_708, %dma_start3A_709] : memref<8x128x64xf32, #tpu.memory_space<vmem>> -> memref<1x128x64xf32, #tpu.memory_space<vmem>>
    %dma_start3A_711 = tpu.memref_squeeze %dma_start3A_710 : memref<1x128x64xf32, #tpu.memory_space<vmem>> -> memref<128x64xf32, #tpu.memory_space<vmem>>
    %dma_start3A_712 = arith.constant 0 : i32
    %dma_start3A_713 = tpu.memref_slice %arg5[%dma_start3A_705, %dma_start3A_712] : memref<200x128xi32, #tpu.memory_space<vmem>> -> memref<1x128xi32, #tpu.memory_space<vmem>>
    %dma_start3A_714 = tpu.memref_squeeze %dma_start3A_713 : memref<1x128xi32, #tpu.memory_space<vmem>> -> memref<128xi32, #tpu.memory_space<vmem>>
    %dma_start3A_715 = arith.constant 0 : i32
    %dma_start3A_716 = arith.constant 0 : i32
    %dma_start3A_717 = tpu.memref_slice %arg3[%dma_start3A_715, %dma_start3A_716] : memref<1000000x64xf32, #tpu.memory_space<hbm>> -> memref<1000000x64xf32, #tpu.memory_space<hbm>>
    %dma_start3A_718 = tpu.memref_slice %arg7[%dma_start3A_707] : memref<8x!tpu.dma_semaphore, #tpu.memory_space<semaphore_mem>> -> memref<1x!tpu.dma_semaphore, #tpu.memory_space<semaphore_mem>>
    %dma_start3A_719 = tpu.memref_squeeze %dma_start3A_718 : memref<1x!tpu.dma_semaphore, #tpu.memory_space<semaphore_mem>> -> memref<!tpu.dma_semaphore, #tpu.memory_space<semaphore_mem>>
    tpu.enqueue_indirect_dma source(%dma_start3A_717 : memref<1000000x64xf32, #tpu.memory_space<hbm>>) target(%dma_start3A_711 : memref<128x64xf32, #tpu.memory_space<vmem>>) offsets(%dma_start3A_714 : memref<128xi32, #tpu.memory_space<vmem>>) semaphore(%dma_start3A_719 : memref<!tpu.dma_semaphore, #tpu.memory_space<semaphore_mem>>)
    %add3A_720 = arith.constant 24320 : i32
    %add3A_721 = arith.addi %mul3A_2, %add3A_720 : i32
    %dma_wait3A_722 = arith.constant 6 : i32
    %dma_wait3A_723 = arith.constant 6 : i32
    %dma_wait3A_724 = arith.constant 0 : i32
    %dma_wait3A_725 = arith.constant 0 : i32
    %dma_wait3A_726 = tpu.memref_slice %arg6[%dma_wait3A_722, %dma_wait3A_724, %dma_wait3A_725] : memref<8x128x64xf32, #tpu.memory_space<vmem>> -> memref<1x128x64xf32, #tpu.memory_space<vmem>>
    %dma_wait3A_727 = tpu.memref_squeeze %dma_wait3A_726 : memref<1x128x64xf32, #tpu.memory_space<vmem>> -> memref<128x64xf32, #tpu.memory_space<vmem>>
    %dma_wait3A_728 = arith.constant 0 : i32
    %dma_wait3A_729 = tpu.memref_slice %arg4[%add3A_721, %dma_wait3A_728] : memref<819200x64xf32, #tpu.memory_space<hbm>> -> memref<128x64xf32, #tpu.memory_space<hbm>>
    %dma_wait3A_730 = tpu.memref_slice %arg8[%dma_wait3A_723] : memref<8x!tpu.dma_semaphore, #tpu.memory_space<semaphore_mem>> -> memref<1x!tpu.dma_semaphore, #tpu.memory_space<semaphore_mem>>
    %dma_wait3A_731 = tpu.memref_squeeze %dma_wait3A_730 : memref<1x!tpu.dma_semaphore, #tpu.memory_space<semaphore_mem>> -> memref<!tpu.dma_semaphore, #tpu.memory_space<semaphore_mem>>
    %dma_wait3A_732 = arith.constant 0 : i32
    %dma_wait3A_733 = tpu.memref_slice %arg4[%add3A_721, %dma_wait3A_732] : memref<819200x64xf32, #tpu.memory_space<hbm>> -> memref<128x64xf32, #tpu.memory_space<hbm>>
    %dma_wait3A_734 = arith.constant 0 : i32
    %dma_wait3A_735 = arith.constant 0 : i32
    %dma_wait3A_736 = tpu.memref_slice %arg6[%dma_wait3A_722, %dma_wait3A_734, %dma_wait3A_735] : memref<8x128x64xf32, #tpu.memory_space<vmem>> -> memref<1x128x64xf32, #tpu.memory_space<vmem>>
    %dma_wait3A_737 = tpu.memref_squeeze %dma_wait3A_736 : memref<1x128x64xf32, #tpu.memory_space<vmem>> -> memref<128x64xf32, #tpu.memory_space<vmem>>
    tpu.wait_dma2 semaphore(%dma_wait3A_731 : memref<!tpu.dma_semaphore, #tpu.memory_space<semaphore_mem>>) src(%dma_wait3A_737 : memref<128x64xf32, #tpu.memory_space<vmem>>) dst(%dma_wait3A_733 : memref<128x64xf32, #tpu.memory_space<hbm>>)
    %dma_start3A_738 = arith.constant 198 : i32
    %dma_start3A_739 = arith.constant 6 : i32
    %dma_start3A_740 = arith.constant 6 : i32
    %dma_start3A_741 = arith.constant 0 : i32
    %dma_start3A_742 = arith.constant 0 : i32
    %dma_start3A_743 = tpu.memref_slice %arg6[%dma_start3A_739, %dma_start3A_741, %dma_start3A_742] : memref<8x128x64xf32, #tpu.memory_space<vmem>> -> memref<1x128x64xf32, #tpu.memory_space<vmem>>
    %dma_start3A_744 = tpu.memref_squeeze %dma_start3A_743 : memref<1x128x64xf32, #tpu.memory_space<vmem>> -> memref<128x64xf32, #tpu.memory_space<vmem>>
    %dma_start3A_745 = arith.constant 0 : i32
    %dma_start3A_746 = tpu.memref_slice %arg5[%dma_start3A_738, %dma_start3A_745] : memref<200x128xi32, #tpu.memory_space<vmem>> -> memref<1x128xi32, #tpu.memory_space<vmem>>
    %dma_start3A_747 = tpu.memref_squeeze %dma_start3A_746 : memref<1x128xi32, #tpu.memory_space<vmem>> -> memref<128xi32, #tpu.memory_space<vmem>>
    %dma_start3A_748 = arith.constant 0 : i32
    %dma_start3A_749 = arith.constant 0 : i32
    %dma_start3A_750 = tpu.memref_slice %arg3[%dma_start3A_748, %dma_start3A_749] : memref<1000000x64xf32, #tpu.memory_space<hbm>> -> memref<1000000x64xf32, #tpu.memory_space<hbm>>
    %dma_start3A_751 = tpu.memref_slice %arg7[%dma_start3A_740] : memref<8x!tpu.dma_semaphore, #tpu.memory_space<semaphore_mem>> -> memref<1x!tpu.dma_semaphore, #tpu.memory_space<semaphore_mem>>
    %dma_start3A_752 = tpu.memref_squeeze %dma_start3A_751 : memref<1x!tpu.dma_semaphore, #tpu.memory_space<semaphore_mem>> -> memref<!tpu.dma_semaphore, #tpu.memory_space<semaphore_mem>>
    tpu.enqueue_indirect_dma source(%dma_start3A_750 : memref<1000000x64xf32, #tpu.memory_space<hbm>>) target(%dma_start3A_744 : memref<128x64xf32, #tpu.memory_space<vmem>>) offsets(%dma_start3A_747 : memref<128xi32, #tpu.memory_space<vmem>>) semaphore(%dma_start3A_752 : memref<!tpu.dma_semaphore, #tpu.memory_space<semaphore_mem>>)
    %add3A_753 = arith.constant 24448 : i32
    %add3A_754 = arith.addi %mul3A_2, %add3A_753 : i32
    %dma_wait3A_755 = arith.constant 7 : i32
    %dma_wait3A_756 = arith.constant 7 : i32
    %dma_wait3A_757 = arith.constant 0 : i32
    %dma_wait3A_758 = arith.constant 0 : i32
    %dma_wait3A_759 = tpu.memref_slice %arg6[%dma_wait3A_755, %dma_wait3A_757, %dma_wait3A_758] : memref<8x128x64xf32, #tpu.memory_space<vmem>> -> memref<1x128x64xf32, #tpu.memory_space<vmem>>
    %dma_wait3A_760 = tpu.memref_squeeze %dma_wait3A_759 : memref<1x128x64xf32, #tpu.memory_space<vmem>> -> memref<128x64xf32, #tpu.memory_space<vmem>>
    %dma_wait3A_761 = arith.constant 0 : i32
    %dma_wait3A_762 = tpu.memref_slice %arg4[%add3A_754, %dma_wait3A_761] : memref<819200x64xf32, #tpu.memory_space<hbm>> -> memref<128x64xf32, #tpu.memory_space<hbm>>
    %dma_wait3A_763 = tpu.memref_slice %arg8[%dma_wait3A_756] : memref<8x!tpu.dma_semaphore, #tpu.memory_space<semaphore_mem>> -> memref<1x!tpu.dma_semaphore, #tpu.memory_space<semaphore_mem>>
    %dma_wait3A_764 = tpu.memref_squeeze %dma_wait3A_763 : memref<1x!tpu.dma_semaphore, #tpu.memory_space<semaphore_mem>> -> memref<!tpu.dma_semaphore, #tpu.memory_space<semaphore_mem>>
    %dma_wait3A_765 = arith.constant 0 : i32
    %dma_wait3A_766 = tpu.memref_slice %arg4[%add3A_754, %dma_wait3A_765] : memref<819200x64xf32, #tpu.memory_space<hbm>> -> memref<128x64xf32, #tpu.memory_space<hbm>>
    %dma_wait3A_767 = arith.constant 0 : i32
    %dma_wait3A_768 = arith.constant 0 : i32
    %dma_wait3A_769 = tpu.memref_slice %arg6[%dma_wait3A_755, %dma_wait3A_767, %dma_wait3A_768] : memref<8x128x64xf32, #tpu.memory_space<vmem>> -> memref<1x128x64xf32, #tpu.memory_space<vmem>>
    %dma_wait3A_770 = tpu.memref_squeeze %dma_wait3A_769 : memref<1x128x64xf32, #tpu.memory_space<vmem>> -> memref<128x64xf32, #tpu.memory_space<vmem>>
    tpu.wait_dma2 semaphore(%dma_wait3A_764 : memref<!tpu.dma_semaphore, #tpu.memory_space<semaphore_mem>>) src(%dma_wait3A_770 : memref<128x64xf32, #tpu.memory_space<vmem>>) dst(%dma_wait3A_766 : memref<128x64xf32, #tpu.memory_space<hbm>>)
    %dma_start3A_771 = arith.constant 199 : i32
    %dma_start3A_772 = arith.constant 7 : i32
    %dma_start3A_773 = arith.constant 7 : i32
    %dma_start3A_774 = arith.constant 0 : i32
    %dma_start3A_775 = arith.constant 0 : i32
    %dma_start3A_776 = tpu.memref_slice %arg6[%dma_start3A_772, %dma_start3A_774, %dma_start3A_775] : memref<8x128x64xf32, #tpu.memory_space<vmem>> -> memref<1x128x64xf32, #tpu.memory_space<vmem>>
    %dma_start3A_777 = tpu.memref_squeeze %dma_start3A_776 : memref<1x128x64xf32, #tpu.memory_space<vmem>> -> memref<128x64xf32, #tpu.memory_space<vmem>>
    %dma_start3A_778 = arith.constant 0 : i32
    %dma_start3A_779 = tpu.memref_slice %arg5[%dma_start3A_771, %dma_start3A_778] : memref<200x128xi32, #tpu.memory_space<vmem>> -> memref<1x128xi32, #tpu.memory_space<vmem>>
    %dma_start3A_780 = tpu.memref_squeeze %dma_start3A_779 : memref<1x128xi32, #tpu.memory_space<vmem>> -> memref<128xi32, #tpu.memory_space<vmem>>
    %dma_start3A_781 = arith.constant 0 : i32
    %dma_start3A_782 = arith.constant 0 : i32
    %dma_start3A_783 = tpu.memref_slice %arg3[%dma_start3A_781, %dma_start3A_782] : memref<1000000x64xf32, #tpu.memory_space<hbm>> -> memref<1000000x64xf32, #tpu.memory_space<hbm>>
    %dma_start3A_784 = tpu.memref_slice %arg7[%dma_start3A_773] : memref<8x!tpu.dma_semaphore, #tpu.memory_space<semaphore_mem>> -> memref<1x!tpu.dma_semaphore, #tpu.memory_space<semaphore_mem>>
    %dma_start3A_785 = tpu.memref_squeeze %dma_start3A_784 : memref<1x!tpu.dma_semaphore, #tpu.memory_space<semaphore_mem>> -> memref<!tpu.dma_semaphore, #tpu.memory_space<semaphore_mem>>
    tpu.enqueue_indirect_dma source(%dma_start3A_783 : memref<1000000x64xf32, #tpu.memory_space<hbm>>) target(%dma_start3A_777 : memref<128x64xf32, #tpu.memory_space<vmem>>) offsets(%dma_start3A_780 : memref<128xi32, #tpu.memory_space<vmem>>) semaphore(%dma_start3A_785 : memref<!tpu.dma_semaphore, #tpu.memory_space<semaphore_mem>>)
    %dma_wait3A_786 = arith.constant 196 : i32
    %dma_wait3A_787 = arith.constant 4 : i32
    %dma_wait3A_788 = arith.constant 4 : i32
    %dma_wait3A_789 = arith.constant 0 : i32
    %dma_wait3A_790 = arith.constant 0 : i32
    %dma_wait3A_791 = tpu.memref_slice %arg6[%dma_wait3A_787, %dma_wait3A_789, %dma_wait3A_790] : memref<8x128x64xf32, #tpu.memory_space<vmem>> -> memref<1x128x64xf32, #tpu.memory_space<vmem>>
    %dma_wait3A_792 = tpu.memref_squeeze %dma_wait3A_791 : memref<1x128x64xf32, #tpu.memory_space<vmem>> -> memref<128x64xf32, #tpu.memory_space<vmem>>
    %dma_wait3A_793 = arith.constant 0 : i32
    %dma_wait3A_794 = tpu.memref_slice %arg5[%dma_wait3A_786, %dma_wait3A_793] : memref<200x128xi32, #tpu.memory_space<vmem>> -> memref<1x128xi32, #tpu.memory_space<vmem>>
    %dma_wait3A_795 = tpu.memref_squeeze %dma_wait3A_794 : memref<1x128xi32, #tpu.memory_space<vmem>> -> memref<128xi32, #tpu.memory_space<vmem>>
    %dma_wait3A_796 = arith.constant 0 : i32
    %dma_wait3A_797 = arith.constant 0 : i32
    %dma_wait3A_798 = tpu.memref_slice %arg3[%dma_wait3A_796, %dma_wait3A_797] : memref<1000000x64xf32, #tpu.memory_space<hbm>> -> memref<1000000x64xf32, #tpu.memory_space<hbm>>
    %dma_wait3A_799 = tpu.memref_slice %arg7[%dma_wait3A_788] : memref<8x!tpu.dma_semaphore, #tpu.memory_space<semaphore_mem>> -> memref<1x!tpu.dma_semaphore, #tpu.memory_space<semaphore_mem>>
    %dma_wait3A_800 = tpu.memref_squeeze %dma_wait3A_799 : memref<1x!tpu.dma_semaphore, #tpu.memory_space<semaphore_mem>> -> memref<!tpu.dma_semaphore, #tpu.memory_space<semaphore_mem>>
    tpu.wait_indirect_dma semaphore(%dma_wait3A_800 : memref<!tpu.dma_semaphore, #tpu.memory_space<semaphore_mem>>) src(%dma_wait3A_798 : memref<1000000x64xf32, #tpu.memory_space<hbm>>) dst(%dma_wait3A_792 : memref<128x64xf32, #tpu.memory_space<vmem>>)
    %add3A_801 = arith.constant 25088 : i32
    %add3A_802 = arith.addi %mul3A_2, %add3A_801 : i32
    %dma_start3A_803 = arith.constant 4 : i32
    %dma_start3A_804 = arith.constant 4 : i32
    %dma_start3A_805 = arith.constant 0 : i32
    %dma_start3A_806 = arith.constant 0 : i32
    %dma_start3A_807 = tpu.memref_slice %arg6[%dma_start3A_803, %dma_start3A_805, %dma_start3A_806] : memref<8x128x64xf32, #tpu.memory_space<vmem>> -> memref<1x128x64xf32, #tpu.memory_space<vmem>>
    %dma_start3A_808 = tpu.memref_squeeze %dma_start3A_807 : memref<1x128x64xf32, #tpu.memory_space<vmem>> -> memref<128x64xf32, #tpu.memory_space<vmem>>
    %dma_start3A_809 = arith.constant 0 : i32
    %dma_start3A_810 = tpu.memref_slice %arg4[%add3A_802, %dma_start3A_809] : memref<819200x64xf32, #tpu.memory_space<hbm>> -> memref<128x64xf32, #tpu.memory_space<hbm>>
    %dma_start3A_811 = tpu.memref_slice %arg8[%dma_start3A_804] : memref<8x!tpu.dma_semaphore, #tpu.memory_space<semaphore_mem>> -> memref<1x!tpu.dma_semaphore, #tpu.memory_space<semaphore_mem>>
    %dma_start3A_812 = tpu.memref_squeeze %dma_start3A_811 : memref<1x!tpu.dma_semaphore, #tpu.memory_space<semaphore_mem>> -> memref<!tpu.dma_semaphore, #tpu.memory_space<semaphore_mem>>
    %dma_start3A_813 = arith.constant 0 : i32
    %dma_start3A_814 = tpu.memref_slice %arg4[%add3A_802, %dma_start3A_813] : memref<819200x64xf32, #tpu.memory_space<hbm>> -> memref<128x64xf32, #tpu.memory_space<hbm>>
    %dma_start3A_815 = arith.constant 0 : i32
    %dma_start3A_816 = arith.constant 0 : i32
    %dma_start3A_817 = tpu.memref_slice %arg6[%dma_start3A_803, %dma_start3A_815, %dma_start3A_816] : memref<8x128x64xf32, #tpu.memory_space<vmem>> -> memref<1x128x64xf32, #tpu.memory_space<vmem>>
    %dma_start3A_818 = tpu.memref_squeeze %dma_start3A_817 : memref<1x128x64xf32, #tpu.memory_space<vmem>> -> memref<128x64xf32, #tpu.memory_space<vmem>>
    tpu.enqueue_dma source(%dma_start3A_818 : memref<128x64xf32, #tpu.memory_space<vmem>>) target(%dma_start3A_814 : memref<128x64xf32, #tpu.memory_space<hbm>>) target_semaphore(%dma_start3A_812 : memref<!tpu.dma_semaphore, #tpu.memory_space<semaphore_mem>>)
    %dma_wait3A_819 = arith.constant 197 : i32
    %dma_wait3A_820 = arith.constant 5 : i32
    %dma_wait3A_821 = arith.constant 5 : i32
    %dma_wait3A_822 = arith.constant 0 : i32
    %dma_wait3A_823 = arith.constant 0 : i32
    %dma_wait3A_824 = tpu.memref_slice %arg6[%dma_wait3A_820, %dma_wait3A_822, %dma_wait3A_823] : memref<8x128x64xf32, #tpu.memory_space<vmem>> -> memref<1x128x64xf32, #tpu.memory_space<vmem>>
    %dma_wait3A_825 = tpu.memref_squeeze %dma_wait3A_824 : memref<1x128x64xf32, #tpu.memory_space<vmem>> -> memref<128x64xf32, #tpu.memory_space<vmem>>
    %dma_wait3A_826 = arith.constant 0 : i32
    %dma_wait3A_827 = tpu.memref_slice %arg5[%dma_wait3A_819, %dma_wait3A_826] : memref<200x128xi32, #tpu.memory_space<vmem>> -> memref<1x128xi32, #tpu.memory_space<vmem>>
    %dma_wait3A_828 = tpu.memref_squeeze %dma_wait3A_827 : memref<1x128xi32, #tpu.memory_space<vmem>> -> memref<128xi32, #tpu.memory_space<vmem>>
    %dma_wait3A_829 = arith.constant 0 : i32
    %dma_wait3A_830 = arith.constant 0 : i32
    %dma_wait3A_831 = tpu.memref_slice %arg3[%dma_wait3A_829, %dma_wait3A_830] : memref<1000000x64xf32, #tpu.memory_space<hbm>> -> memref<1000000x64xf32, #tpu.memory_space<hbm>>
    %dma_wait3A_832 = tpu.memref_slice %arg7[%dma_wait3A_821] : memref<8x!tpu.dma_semaphore, #tpu.memory_space<semaphore_mem>> -> memref<1x!tpu.dma_semaphore, #tpu.memory_space<semaphore_mem>>
    %dma_wait3A_833 = tpu.memref_squeeze %dma_wait3A_832 : memref<1x!tpu.dma_semaphore, #tpu.memory_space<semaphore_mem>> -> memref<!tpu.dma_semaphore, #tpu.memory_space<semaphore_mem>>
    tpu.wait_indirect_dma semaphore(%dma_wait3A_833 : memref<!tpu.dma_semaphore, #tpu.memory_space<semaphore_mem>>) src(%dma_wait3A_831 : memref<1000000x64xf32, #tpu.memory_space<hbm>>) dst(%dma_wait3A_825 : memref<128x64xf32, #tpu.memory_space<vmem>>)
    %add3A_834 = arith.constant 25216 : i32
    %add3A_835 = arith.addi %mul3A_2, %add3A_834 : i32
    %dma_start3A_836 = arith.constant 5 : i32
    %dma_start3A_837 = arith.constant 5 : i32
    %dma_start3A_838 = arith.constant 0 : i32
    %dma_start3A_839 = arith.constant 0 : i32
    %dma_start3A_840 = tpu.memref_slice %arg6[%dma_start3A_836, %dma_start3A_838, %dma_start3A_839] : memref<8x128x64xf32, #tpu.memory_space<vmem>> -> memref<1x128x64xf32, #tpu.memory_space<vmem>>
    %dma_start3A_841 = tpu.memref_squeeze %dma_start3A_840 : memref<1x128x64xf32, #tpu.memory_space<vmem>> -> memref<128x64xf32, #tpu.memory_space<vmem>>
    %dma_start3A_842 = arith.constant 0 : i32
    %dma_start3A_843 = tpu.memref_slice %arg4[%add3A_835, %dma_start3A_842] : memref<819200x64xf32, #tpu.memory_space<hbm>> -> memref<128x64xf32, #tpu.memory_space<hbm>>
    %dma_start3A_844 = tpu.memref_slice %arg8[%dma_start3A_837] : memref<8x!tpu.dma_semaphore, #tpu.memory_space<semaphore_mem>> -> memref<1x!tpu.dma_semaphore, #tpu.memory_space<semaphore_mem>>
    %dma_start3A_845 = tpu.memref_squeeze %dma_start3A_844 : memref<1x!tpu.dma_semaphore, #tpu.memory_space<semaphore_mem>> -> memref<!tpu.dma_semaphore, #tpu.memory_space<semaphore_mem>>
    %dma_start3A_846 = arith.constant 0 : i32
    %dma_start3A_847 = tpu.memref_slice %arg4[%add3A_835, %dma_start3A_846] : memref<819200x64xf32, #tpu.memory_space<hbm>> -> memref<128x64xf32, #tpu.memory_space<hbm>>
    %dma_start3A_848 = arith.constant 0 : i32
    %dma_start3A_849 = arith.constant 0 : i32
    %dma_start3A_850 = tpu.memref_slice %arg6[%dma_start3A_836, %dma_start3A_848, %dma_start3A_849] : memref<8x128x64xf32, #tpu.memory_space<vmem>> -> memref<1x128x64xf32, #tpu.memory_space<vmem>>
    %dma_start3A_851 = tpu.memref_squeeze %dma_start3A_850 : memref<1x128x64xf32, #tpu.memory_space<vmem>> -> memref<128x64xf32, #tpu.memory_space<vmem>>
    tpu.enqueue_dma source(%dma_start3A_851 : memref<128x64xf32, #tpu.memory_space<vmem>>) target(%dma_start3A_847 : memref<128x64xf32, #tpu.memory_space<hbm>>) target_semaphore(%dma_start3A_845 : memref<!tpu.dma_semaphore, #tpu.memory_space<semaphore_mem>>)
    %dma_wait3A_852 = arith.constant 198 : i32
    %dma_wait3A_853 = arith.constant 6 : i32
    %dma_wait3A_854 = arith.constant 6 : i32
    %dma_wait3A_855 = arith.constant 0 : i32
    %dma_wait3A_856 = arith.constant 0 : i32
    %dma_wait3A_857 = tpu.memref_slice %arg6[%dma_wait3A_853, %dma_wait3A_855, %dma_wait3A_856] : memref<8x128x64xf32, #tpu.memory_space<vmem>> -> memref<1x128x64xf32, #tpu.memory_space<vmem>>
    %dma_wait3A_858 = tpu.memref_squeeze %dma_wait3A_857 : memref<1x128x64xf32, #tpu.memory_space<vmem>> -> memref<128x64xf32, #tpu.memory_space<vmem>>
    %dma_wait3A_859 = arith.constant 0 : i32
    %dma_wait3A_860 = tpu.memref_slice %arg5[%dma_wait3A_852, %dma_wait3A_859] : memref<200x128xi32, #tpu.memory_space<vmem>> -> memref<1x128xi32, #tpu.memory_space<vmem>>
    %dma_wait3A_861 = tpu.memref_squeeze %dma_wait3A_860 : memref<1x128xi32, #tpu.memory_space<vmem>> -> memref<128xi32, #tpu.memory_space<vmem>>
    %dma_wait3A_862 = arith.constant 0 : i32
    %dma_wait3A_863 = arith.constant 0 : i32
    %dma_wait3A_864 = tpu.memref_slice %arg3[%dma_wait3A_862, %dma_wait3A_863] : memref<1000000x64xf32, #tpu.memory_space<hbm>> -> memref<1000000x64xf32, #tpu.memory_space<hbm>>
    %dma_wait3A_865 = tpu.memref_slice %arg7[%dma_wait3A_854] : memref<8x!tpu.dma_semaphore, #tpu.memory_space<semaphore_mem>> -> memref<1x!tpu.dma_semaphore, #tpu.memory_space<semaphore_mem>>
    %dma_wait3A_866 = tpu.memref_squeeze %dma_wait3A_865 : memref<1x!tpu.dma_semaphore, #tpu.memory_space<semaphore_mem>> -> memref<!tpu.dma_semaphore, #tpu.memory_space<semaphore_mem>>
    tpu.wait_indirect_dma semaphore(%dma_wait3A_866 : memref<!tpu.dma_semaphore, #tpu.memory_space<semaphore_mem>>) src(%dma_wait3A_864 : memref<1000000x64xf32, #tpu.memory_space<hbm>>) dst(%dma_wait3A_858 : memref<128x64xf32, #tpu.memory_space<vmem>>)
    %add3A_867 = arith.constant 25344 : i32
    %add3A_868 = arith.addi %mul3A_2, %add3A_867 : i32
    %dma_start3A_869 = arith.constant 6 : i32
    %dma_start3A_870 = arith.constant 6 : i32
    %dma_start3A_871 = arith.constant 0 : i32
    %dma_start3A_872 = arith.constant 0 : i32
    %dma_start3A_873 = tpu.memref_slice %arg6[%dma_start3A_869, %dma_start3A_871, %dma_start3A_872] : memref<8x128x64xf32, #tpu.memory_space<vmem>> -> memref<1x128x64xf32, #tpu.memory_space<vmem>>
    %dma_start3A_874 = tpu.memref_squeeze %dma_start3A_873 : memref<1x128x64xf32, #tpu.memory_space<vmem>> -> memref<128x64xf32, #tpu.memory_space<vmem>>
    %dma_start3A_875 = arith.constant 0 : i32
    %dma_start3A_876 = tpu.memref_slice %arg4[%add3A_868, %dma_start3A_875] : memref<819200x64xf32, #tpu.memory_space<hbm>> -> memref<128x64xf32, #tpu.memory_space<hbm>>
    %dma_start3A_877 = tpu.memref_slice %arg8[%dma_start3A_870] : memref<8x!tpu.dma_semaphore, #tpu.memory_space<semaphore_mem>> -> memref<1x!tpu.dma_semaphore, #tpu.memory_space<semaphore_mem>>
    %dma_start3A_878 = tpu.memref_squeeze %dma_start3A_877 : memref<1x!tpu.dma_semaphore, #tpu.memory_space<semaphore_mem>> -> memref<!tpu.dma_semaphore, #tpu.memory_space<semaphore_mem>>
    %dma_start3A_879 = arith.constant 0 : i32
    %dma_start3A_880 = tpu.memref_slice %arg4[%add3A_868, %dma_start3A_879] : memref<819200x64xf32, #tpu.memory_space<hbm>> -> memref<128x64xf32, #tpu.memory_space<hbm>>
    %dma_start3A_881 = arith.constant 0 : i32
    %dma_start3A_882 = arith.constant 0 : i32
    %dma_start3A_883 = tpu.memref_slice %arg6[%dma_start3A_869, %dma_start3A_881, %dma_start3A_882] : memref<8x128x64xf32, #tpu.memory_space<vmem>> -> memref<1x128x64xf32, #tpu.memory_space<vmem>>
    %dma_start3A_884 = tpu.memref_squeeze %dma_start3A_883 : memref<1x128x64xf32, #tpu.memory_space<vmem>> -> memref<128x64xf32, #tpu.memory_space<vmem>>
    tpu.enqueue_dma source(%dma_start3A_884 : memref<128x64xf32, #tpu.memory_space<vmem>>) target(%dma_start3A_880 : memref<128x64xf32, #tpu.memory_space<hbm>>) target_semaphore(%dma_start3A_878 : memref<!tpu.dma_semaphore, #tpu.memory_space<semaphore_mem>>)
    %dma_wait3A_885 = arith.constant 199 : i32
    %dma_wait3A_886 = arith.constant 7 : i32
    %dma_wait3A_887 = arith.constant 7 : i32
    %dma_wait3A_888 = arith.constant 0 : i32
    %dma_wait3A_889 = arith.constant 0 : i32
    %dma_wait3A_890 = tpu.memref_slice %arg6[%dma_wait3A_886, %dma_wait3A_888, %dma_wait3A_889] : memref<8x128x64xf32, #tpu.memory_space<vmem>> -> memref<1x128x64xf32, #tpu.memory_space<vmem>>
    %dma_wait3A_891 = tpu.memref_squeeze %dma_wait3A_890 : memref<1x128x64xf32, #tpu.memory_space<vmem>> -> memref<128x64xf32, #tpu.memory_space<vmem>>
    %dma_wait3A_892 = arith.constant 0 : i32
    %dma_wait3A_893 = tpu.memref_slice %arg5[%dma_wait3A_885, %dma_wait3A_892] : memref<200x128xi32, #tpu.memory_space<vmem>> -> memref<1x128xi32, #tpu.memory_space<vmem>>
    %dma_wait3A_894 = tpu.memref_squeeze %dma_wait3A_893 : memref<1x128xi32, #tpu.memory_space<vmem>> -> memref<128xi32, #tpu.memory_space<vmem>>
    %dma_wait3A_895 = arith.constant 0 : i32
    %dma_wait3A_896 = arith.constant 0 : i32
    %dma_wait3A_897 = tpu.memref_slice %arg3[%dma_wait3A_895, %dma_wait3A_896] : memref<1000000x64xf32, #tpu.memory_space<hbm>> -> memref<1000000x64xf32, #tpu.memory_space<hbm>>
    %dma_wait3A_898 = tpu.memref_slice %arg7[%dma_wait3A_887] : memref<8x!tpu.dma_semaphore, #tpu.memory_space<semaphore_mem>> -> memref<1x!tpu.dma_semaphore, #tpu.memory_space<semaphore_mem>>
    %dma_wait3A_899 = tpu.memref_squeeze %dma_wait3A_898 : memref<1x!tpu.dma_semaphore, #tpu.memory_space<semaphore_mem>> -> memref<!tpu.dma_semaphore, #tpu.memory_space<semaphore_mem>>
    tpu.wait_indirect_dma semaphore(%dma_wait3A_899 : memref<!tpu.dma_semaphore, #tpu.memory_space<semaphore_mem>>) src(%dma_wait3A_897 : memref<1000000x64xf32, #tpu.memory_space<hbm>>) dst(%dma_wait3A_891 : memref<128x64xf32, #tpu.memory_space<vmem>>)
    %add3A_900 = arith.constant 25472 : i32
    %add3A_901 = arith.addi %mul3A_2, %add3A_900 : i32
    %dma_start3A_902 = arith.constant 7 : i32
    %dma_start3A_903 = arith.constant 7 : i32
    %dma_start3A_904 = arith.constant 0 : i32
    %dma_start3A_905 = arith.constant 0 : i32
    %dma_start3A_906 = tpu.memref_slice %arg6[%dma_start3A_902, %dma_start3A_904, %dma_start3A_905] : memref<8x128x64xf32, #tpu.memory_space<vmem>> -> memref<1x128x64xf32, #tpu.memory_space<vmem>>
    %dma_start3A_907 = tpu.memref_squeeze %dma_start3A_906 : memref<1x128x64xf32, #tpu.memory_space<vmem>> -> memref<128x64xf32, #tpu.memory_space<vmem>>
    %dma_start3A_908 = arith.constant 0 : i32
    %dma_start3A_909 = tpu.memref_slice %arg4[%add3A_901, %dma_start3A_908] : memref<819200x64xf32, #tpu.memory_space<hbm>> -> memref<128x64xf32, #tpu.memory_space<hbm>>
    %dma_start3A_910 = tpu.memref_slice %arg8[%dma_start3A_903] : memref<8x!tpu.dma_semaphore, #tpu.memory_space<semaphore_mem>> -> memref<1x!tpu.dma_semaphore, #tpu.memory_space<semaphore_mem>>
    %dma_start3A_911 = tpu.memref_squeeze %dma_start3A_910 : memref<1x!tpu.dma_semaphore, #tpu.memory_space<semaphore_mem>> -> memref<!tpu.dma_semaphore, #tpu.memory_space<semaphore_mem>>
    %dma_start3A_912 = arith.constant 0 : i32
    %dma_start3A_913 = tpu.memref_slice %arg4[%add3A_901, %dma_start3A_912] : memref<819200x64xf32, #tpu.memory_space<hbm>> -> memref<128x64xf32, #tpu.memory_space<hbm>>
    %dma_start3A_914 = arith.constant 0 : i32
    %dma_start3A_915 = arith.constant 0 : i32
    %dma_start3A_916 = tpu.memref_slice %arg6[%dma_start3A_902, %dma_start3A_914, %dma_start3A_915] : memref<8x128x64xf32, #tpu.memory_space<vmem>> -> memref<1x128x64xf32, #tpu.memory_space<vmem>>
    %dma_start3A_917 = tpu.memref_squeeze %dma_start3A_916 : memref<1x128x64xf32, #tpu.memory_space<vmem>> -> memref<128x64xf32, #tpu.memory_space<vmem>>
    tpu.enqueue_dma source(%dma_start3A_917 : memref<128x64xf32, #tpu.memory_space<vmem>>) target(%dma_start3A_913 : memref<128x64xf32, #tpu.memory_space<hbm>>) target_semaphore(%dma_start3A_911 : memref<!tpu.dma_semaphore, #tpu.memory_space<semaphore_mem>>)
    %add3A_918 = arith.constant 24576 : i32
    %add3A_919 = arith.addi %mul3A_2, %add3A_918 : i32
    %dma_wait3A_920 = arith.constant 0 : i32
    %dma_wait3A_921 = arith.constant 0 : i32
    %dma_wait3A_922 = arith.constant 0 : i32
    %dma_wait3A_923 = arith.constant 0 : i32
    %dma_wait3A_924 = tpu.memref_slice %arg6[%dma_wait3A_920, %dma_wait3A_922, %dma_wait3A_923] : memref<8x128x64xf32, #tpu.memory_space<vmem>> -> memref<1x128x64xf32, #tpu.memory_space<vmem>>
    %dma_wait3A_925 = tpu.memref_squeeze %dma_wait3A_924 : memref<1x128x64xf32, #tpu.memory_space<vmem>> -> memref<128x64xf32, #tpu.memory_space<vmem>>
    %dma_wait3A_926 = arith.constant 0 : i32
    %dma_wait3A_927 = tpu.memref_slice %arg4[%add3A_919, %dma_wait3A_926] : memref<819200x64xf32, #tpu.memory_space<hbm>> -> memref<128x64xf32, #tpu.memory_space<hbm>>
    %dma_wait3A_928 = tpu.memref_slice %arg8[%dma_wait3A_921] : memref<8x!tpu.dma_semaphore, #tpu.memory_space<semaphore_mem>> -> memref<1x!tpu.dma_semaphore, #tpu.memory_space<semaphore_mem>>
    %dma_wait3A_929 = tpu.memref_squeeze %dma_wait3A_928 : memref<1x!tpu.dma_semaphore, #tpu.memory_space<semaphore_mem>> -> memref<!tpu.dma_semaphore, #tpu.memory_space<semaphore_mem>>
    %dma_wait3A_930 = arith.constant 0 : i32
    %dma_wait3A_931 = tpu.memref_slice %arg4[%add3A_919, %dma_wait3A_930] : memref<819200x64xf32, #tpu.memory_space<hbm>> -> memref<128x64xf32, #tpu.memory_space<hbm>>
    %dma_wait3A_932 = arith.constant 0 : i32
    %dma_wait3A_933 = arith.constant 0 : i32
    %dma_wait3A_934 = tpu.memref_slice %arg6[%dma_wait3A_920, %dma_wait3A_932, %dma_wait3A_933] : memref<8x128x64xf32, #tpu.memory_space<vmem>> -> memref<1x128x64xf32, #tpu.memory_space<vmem>>
    %dma_wait3A_935 = tpu.memref_squeeze %dma_wait3A_934 : memref<1x128x64xf32, #tpu.memory_space<vmem>> -> memref<128x64xf32, #tpu.memory_space<vmem>>
    tpu.wait_dma2 semaphore(%dma_wait3A_929 : memref<!tpu.dma_semaphore, #tpu.memory_space<semaphore_mem>>) src(%dma_wait3A_935 : memref<128x64xf32, #tpu.memory_space<vmem>>) dst(%dma_wait3A_931 : memref<128x64xf32, #tpu.memory_space<hbm>>)
    %add3A_936 = arith.constant 24704 : i32
    %add3A_937 = arith.addi %mul3A_2, %add3A_936 : i32
    %dma_wait3A_938 = arith.constant 1 : i32
    %dma_wait3A_939 = arith.constant 1 : i32
    %dma_wait3A_940 = arith.constant 0 : i32
    %dma_wait3A_941 = arith.constant 0 : i32
    %dma_wait3A_942 = tpu.memref_slice %arg6[%dma_wait3A_938, %dma_wait3A_940, %dma_wait3A_941] : memref<8x128x64xf32, #tpu.memory_space<vmem>> -> memref<1x128x64xf32, #tpu.memory_space<vmem>>
    %dma_wait3A_943 = tpu.memref_squeeze %dma_wait3A_942 : memref<1x128x64xf32, #tpu.memory_space<vmem>> -> memref<128x64xf32, #tpu.memory_space<vmem>>
    %dma_wait3A_944 = arith.constant 0 : i32
    %dma_wait3A_945 = tpu.memref_slice %arg4[%add3A_937, %dma_wait3A_944] : memref<819200x64xf32, #tpu.memory_space<hbm>> -> memref<128x64xf32, #tpu.memory_space<hbm>>
    %dma_wait3A_946 = tpu.memref_slice %arg8[%dma_wait3A_939] : memref<8x!tpu.dma_semaphore, #tpu.memory_space<semaphore_mem>> -> memref<1x!tpu.dma_semaphore, #tpu.memory_space<semaphore_mem>>
    %dma_wait3A_947 = tpu.memref_squeeze %dma_wait3A_946 : memref<1x!tpu.dma_semaphore, #tpu.memory_space<semaphore_mem>> -> memref<!tpu.dma_semaphore, #tpu.memory_space<semaphore_mem>>
    %dma_wait3A_948 = arith.constant 0 : i32
    %dma_wait3A_949 = tpu.memref_slice %arg4[%add3A_937, %dma_wait3A_948] : memref<819200x64xf32, #tpu.memory_space<hbm>> -> memref<128x64xf32, #tpu.memory_space<hbm>>
    %dma_wait3A_950 = arith.constant 0 : i32
    %dma_wait3A_951 = arith.constant 0 : i32
    %dma_wait3A_952 = tpu.memref_slice %arg6[%dma_wait3A_938, %dma_wait3A_950, %dma_wait3A_951] : memref<8x128x64xf32, #tpu.memory_space<vmem>> -> memref<1x128x64xf32, #tpu.memory_space<vmem>>
    %dma_wait3A_953 = tpu.memref_squeeze %dma_wait3A_952 : memref<1x128x64xf32, #tpu.memory_space<vmem>> -> memref<128x64xf32, #tpu.memory_space<vmem>>
    tpu.wait_dma2 semaphore(%dma_wait3A_947 : memref<!tpu.dma_semaphore, #tpu.memory_space<semaphore_mem>>) src(%dma_wait3A_953 : memref<128x64xf32, #tpu.memory_space<vmem>>) dst(%dma_wait3A_949 : memref<128x64xf32, #tpu.memory_space<hbm>>)
    %add3A_954 = arith.constant 24832 : i32
    %add3A_955 = arith.addi %mul3A_2, %add3A_954 : i32
    %dma_wait3A_956 = arith.constant 2 : i32
    %dma_wait3A_957 = arith.constant 2 : i32
    %dma_wait3A_958 = arith.constant 0 : i32
    %dma_wait3A_959 = arith.constant 0 : i32
    %dma_wait3A_960 = tpu.memref_slice %arg6[%dma_wait3A_956, %dma_wait3A_958, %dma_wait3A_959] : memref<8x128x64xf32, #tpu.memory_space<vmem>> -> memref<1x128x64xf32, #tpu.memory_space<vmem>>
    %dma_wait3A_961 = tpu.memref_squeeze %dma_wait3A_960 : memref<1x128x64xf32, #tpu.memory_space<vmem>> -> memref<128x64xf32, #tpu.memory_space<vmem>>
    %dma_wait3A_962 = arith.constant 0 : i32
    %dma_wait3A_963 = tpu.memref_slice %arg4[%add3A_955, %dma_wait3A_962] : memref<819200x64xf32, #tpu.memory_space<hbm>> -> memref<128x64xf32, #tpu.memory_space<hbm>>
    %dma_wait3A_964 = tpu.memref_slice %arg8[%dma_wait3A_957] : memref<8x!tpu.dma_semaphore, #tpu.memory_space<semaphore_mem>> -> memref<1x!tpu.dma_semaphore, #tpu.memory_space<semaphore_mem>>
    %dma_wait3A_965 = tpu.memref_squeeze %dma_wait3A_964 : memref<1x!tpu.dma_semaphore, #tpu.memory_space<semaphore_mem>> -> memref<!tpu.dma_semaphore, #tpu.memory_space<semaphore_mem>>
    %dma_wait3A_966 = arith.constant 0 : i32
    %dma_wait3A_967 = tpu.memref_slice %arg4[%add3A_955, %dma_wait3A_966] : memref<819200x64xf32, #tpu.memory_space<hbm>> -> memref<128x64xf32, #tpu.memory_space<hbm>>
    %dma_wait3A_968 = arith.constant 0 : i32
    %dma_wait3A_969 = arith.constant 0 : i32
    %dma_wait3A_970 = tpu.memref_slice %arg6[%dma_wait3A_956, %dma_wait3A_968, %dma_wait3A_969] : memref<8x128x64xf32, #tpu.memory_space<vmem>> -> memref<1x128x64xf32, #tpu.memory_space<vmem>>
    %dma_wait3A_971 = tpu.memref_squeeze %dma_wait3A_970 : memref<1x128x64xf32, #tpu.memory_space<vmem>> -> memref<128x64xf32, #tpu.memory_space<vmem>>
    tpu.wait_dma2 semaphore(%dma_wait3A_965 : memref<!tpu.dma_semaphore, #tpu.memory_space<semaphore_mem>>) src(%dma_wait3A_971 : memref<128x64xf32, #tpu.memory_space<vmem>>) dst(%dma_wait3A_967 : memref<128x64xf32, #tpu.memory_space<hbm>>)
    %add3A_972 = arith.constant 24960 : i32
    %add3A_973 = arith.addi %mul3A_2, %add3A_972 : i32
    %dma_wait3A_974 = arith.constant 3 : i32
    %dma_wait3A_975 = arith.constant 3 : i32
    %dma_wait3A_976 = arith.constant 0 : i32
    %dma_wait3A_977 = arith.constant 0 : i32
    %dma_wait3A_978 = tpu.memref_slice %arg6[%dma_wait3A_974, %dma_wait3A_976, %dma_wait3A_977] : memref<8x128x64xf32, #tpu.memory_space<vmem>> -> memref<1x128x64xf32, #tpu.memory_space<vmem>>
    %dma_wait3A_979 = tpu.memref_squeeze %dma_wait3A_978 : memref<1x128x64xf32, #tpu.memory_space<vmem>> -> memref<128x64xf32, #tpu.memory_space<vmem>>
    %dma_wait3A_980 = arith.constant 0 : i32
    %dma_wait3A_981 = tpu.memref_slice %arg4[%add3A_973, %dma_wait3A_980] : memref<819200x64xf32, #tpu.memory_space<hbm>> -> memref<128x64xf32, #tpu.memory_space<hbm>>
    %dma_wait3A_982 = tpu.memref_slice %arg8[%dma_wait3A_975] : memref<8x!tpu.dma_semaphore, #tpu.memory_space<semaphore_mem>> -> memref<1x!tpu.dma_semaphore, #tpu.memory_space<semaphore_mem>>
    %dma_wait3A_983 = tpu.memref_squeeze %dma_wait3A_982 : memref<1x!tpu.dma_semaphore, #tpu.memory_space<semaphore_mem>> -> memref<!tpu.dma_semaphore, #tpu.memory_space<semaphore_mem>>
    %dma_wait3A_984 = arith.constant 0 : i32
    %dma_wait3A_985 = tpu.memref_slice %arg4[%add3A_973, %dma_wait3A_984] : memref<819200x64xf32, #tpu.memory_space<hbm>> -> memref<128x64xf32, #tpu.memory_space<hbm>>
    %dma_wait3A_986 = arith.constant 0 : i32
    %dma_wait3A_987 = arith.constant 0 : i32
    %dma_wait3A_988 = tpu.memref_slice %arg6[%dma_wait3A_974, %dma_wait3A_986, %dma_wait3A_987] : memref<8x128x64xf32, #tpu.memory_space<vmem>> -> memref<1x128x64xf32, #tpu.memory_space<vmem>>
    %dma_wait3A_989 = tpu.memref_squeeze %dma_wait3A_988 : memref<1x128x64xf32, #tpu.memory_space<vmem>> -> memref<128x64xf32, #tpu.memory_space<vmem>>
    tpu.wait_dma2 semaphore(%dma_wait3A_983 : memref<!tpu.dma_semaphore, #tpu.memory_space<semaphore_mem>>) src(%dma_wait3A_989 : memref<128x64xf32, #tpu.memory_space<vmem>>) dst(%dma_wait3A_985 : memref<128x64xf32, #tpu.memory_space<hbm>>)
    %add3A_990 = arith.constant 25088 : i32
    %add3A_991 = arith.addi %mul3A_2, %add3A_990 : i32
    %dma_wait3A_992 = arith.constant 4 : i32
    %dma_wait3A_993 = arith.constant 4 : i32
    %dma_wait3A_994 = arith.constant 0 : i32
    %dma_wait3A_995 = arith.constant 0 : i32
    %dma_wait3A_996 = tpu.memref_slice %arg6[%dma_wait3A_992, %dma_wait3A_994, %dma_wait3A_995] : memref<8x128x64xf32, #tpu.memory_space<vmem>> -> memref<1x128x64xf32, #tpu.memory_space<vmem>>
    %dma_wait3A_997 = tpu.memref_squeeze %dma_wait3A_996 : memref<1x128x64xf32, #tpu.memory_space<vmem>> -> memref<128x64xf32, #tpu.memory_space<vmem>>
    %dma_wait3A_998 = arith.constant 0 : i32
    %dma_wait3A_999 = tpu.memref_slice %arg4[%add3A_991, %dma_wait3A_998] : memref<819200x64xf32, #tpu.memory_space<hbm>> -> memref<128x64xf32, #tpu.memory_space<hbm>>
    %dma_wait3A_1000 = tpu.memref_slice %arg8[%dma_wait3A_993] : memref<8x!tpu.dma_semaphore, #tpu.memory_space<semaphore_mem>> -> memref<1x!tpu.dma_semaphore, #tpu.memory_space<semaphore_mem>>
    %dma_wait3A_1001 = tpu.memref_squeeze %dma_wait3A_1000 : memref<1x!tpu.dma_semaphore, #tpu.memory_space<semaphore_mem>> -> memref<!tpu.dma_semaphore, #tpu.memory_space<semaphore_mem>>
    %dma_wait3A_1002 = arith.constant 0 : i32
    %dma_wait3A_1003 = tpu.memref_slice %arg4[%add3A_991, %dma_wait3A_1002] : memref<819200x64xf32, #tpu.memory_space<hbm>> -> memref<128x64xf32, #tpu.memory_space<hbm>>
    %dma_wait3A_1004 = arith.constant 0 : i32
    %dma_wait3A_1005 = arith.constant 0 : i32
    %dma_wait3A_1006 = tpu.memref_slice %arg6[%dma_wait3A_992, %dma_wait3A_1004, %dma_wait3A_1005] : memref<8x128x64xf32, #tpu.memory_space<vmem>> -> memref<1x128x64xf32, #tpu.memory_space<vmem>>
    %dma_wait3A_1007 = tpu.memref_squeeze %dma_wait3A_1006 : memref<1x128x64xf32, #tpu.memory_space<vmem>> -> memref<128x64xf32, #tpu.memory_space<vmem>>
    tpu.wait_dma2 semaphore(%dma_wait3A_1001 : memref<!tpu.dma_semaphore, #tpu.memory_space<semaphore_mem>>) src(%dma_wait3A_1007 : memref<128x64xf32, #tpu.memory_space<vmem>>) dst(%dma_wait3A_1003 : memref<128x64xf32, #tpu.memory_space<hbm>>)
    %add3A_1008 = arith.constant 25216 : i32
    %add3A_1009 = arith.addi %mul3A_2, %add3A_1008 : i32
    %dma_wait3A_1010 = arith.constant 5 : i32
    %dma_wait3A_1011 = arith.constant 5 : i32
    %dma_wait3A_1012 = arith.constant 0 : i32
    %dma_wait3A_1013 = arith.constant 0 : i32
    %dma_wait3A_1014 = tpu.memref_slice %arg6[%dma_wait3A_1010, %dma_wait3A_1012, %dma_wait3A_1013] : memref<8x128x64xf32, #tpu.memory_space<vmem>> -> memref<1x128x64xf32, #tpu.memory_space<vmem>>
    %dma_wait3A_1015 = tpu.memref_squeeze %dma_wait3A_1014 : memref<1x128x64xf32, #tpu.memory_space<vmem>> -> memref<128x64xf32, #tpu.memory_space<vmem>>
    %dma_wait3A_1016 = arith.constant 0 : i32
    %dma_wait3A_1017 = tpu.memref_slice %arg4[%add3A_1009, %dma_wait3A_1016] : memref<819200x64xf32, #tpu.memory_space<hbm>> -> memref<128x64xf32, #tpu.memory_space<hbm>>
    %dma_wait3A_1018 = tpu.memref_slice %arg8[%dma_wait3A_1011] : memref<8x!tpu.dma_semaphore, #tpu.memory_space<semaphore_mem>> -> memref<1x!tpu.dma_semaphore, #tpu.memory_space<semaphore_mem>>
    %dma_wait3A_1019 = tpu.memref_squeeze %dma_wait3A_1018 : memref<1x!tpu.dma_semaphore, #tpu.memory_space<semaphore_mem>> -> memref<!tpu.dma_semaphore, #tpu.memory_space<semaphore_mem>>
    %dma_wait3A_1020 = arith.constant 0 : i32
    %dma_wait3A_1021 = tpu.memref_slice %arg4[%add3A_1009, %dma_wait3A_1020] : memref<819200x64xf32, #tpu.memory_space<hbm>> -> memref<128x64xf32, #tpu.memory_space<hbm>>
    %dma_wait3A_1022 = arith.constant 0 : i32
    %dma_wait3A_1023 = arith.constant 0 : i32
    %dma_wait3A_1024 = tpu.memref_slice %arg6[%dma_wait3A_1010, %dma_wait3A_1022, %dma_wait3A_1023] : memref<8x128x64xf32, #tpu.memory_space<vmem>> -> memref<1x128x64xf32, #tpu.memory_space<vmem>>
    %dma_wait3A_1025 = tpu.memref_squeeze %dma_wait3A_1024 : memref<1x128x64xf32, #tpu.memory_space<vmem>> -> memref<128x64xf32, #tpu.memory_space<vmem>>
    tpu.wait_dma2 semaphore(%dma_wait3A_1019 : memref<!tpu.dma_semaphore, #tpu.memory_space<semaphore_mem>>) src(%dma_wait3A_1025 : memref<128x64xf32, #tpu.memory_space<vmem>>) dst(%dma_wait3A_1021 : memref<128x64xf32, #tpu.memory_space<hbm>>)
    %add3A_1026 = arith.constant 25344 : i32
    %add3A_1027 = arith.addi %mul3A_2, %add3A_1026 : i32
    %dma_wait3A_1028 = arith.constant 6 : i32
    %dma_wait3A_1029 = arith.constant 6 : i32
    %dma_wait3A_1030 = arith.constant 0 : i32
    %dma_wait3A_1031 = arith.constant 0 : i32
    %dma_wait3A_1032 = tpu.memref_slice %arg6[%dma_wait3A_1028, %dma_wait3A_1030, %dma_wait3A_1031] : memref<8x128x64xf32, #tpu.memory_space<vmem>> -> memref<1x128x64xf32, #tpu.memory_space<vmem>>
    %dma_wait3A_1033 = tpu.memref_squeeze %dma_wait3A_1032 : memref<1x128x64xf32, #tpu.memory_space<vmem>> -> memref<128x64xf32, #tpu.memory_space<vmem>>
    %dma_wait3A_1034 = arith.constant 0 : i32
    %dma_wait3A_1035 = tpu.memref_slice %arg4[%add3A_1027, %dma_wait3A_1034] : memref<819200x64xf32, #tpu.memory_space<hbm>> -> memref<128x64xf32, #tpu.memory_space<hbm>>
    %dma_wait3A_1036 = tpu.memref_slice %arg8[%dma_wait3A_1029] : memref<8x!tpu.dma_semaphore, #tpu.memory_space<semaphore_mem>> -> memref<1x!tpu.dma_semaphore, #tpu.memory_space<semaphore_mem>>
    %dma_wait3A_1037 = tpu.memref_squeeze %dma_wait3A_1036 : memref<1x!tpu.dma_semaphore, #tpu.memory_space<semaphore_mem>> -> memref<!tpu.dma_semaphore, #tpu.memory_space<semaphore_mem>>
    %dma_wait3A_1038 = arith.constant 0 : i32
    %dma_wait3A_1039 = tpu.memref_slice %arg4[%add3A_1027, %dma_wait3A_1038] : memref<819200x64xf32, #tpu.memory_space<hbm>> -> memref<128x64xf32, #tpu.memory_space<hbm>>
    %dma_wait3A_1040 = arith.constant 0 : i32
    %dma_wait3A_1041 = arith.constant 0 : i32
    %dma_wait3A_1042 = tpu.memref_slice %arg6[%dma_wait3A_1028, %dma_wait3A_1040, %dma_wait3A_1041] : memref<8x128x64xf32, #tpu.memory_space<vmem>> -> memref<1x128x64xf32, #tpu.memory_space<vmem>>
    %dma_wait3A_1043 = tpu.memref_squeeze %dma_wait3A_1042 : memref<1x128x64xf32, #tpu.memory_space<vmem>> -> memref<128x64xf32, #tpu.memory_space<vmem>>
    tpu.wait_dma2 semaphore(%dma_wait3A_1037 : memref<!tpu.dma_semaphore, #tpu.memory_space<semaphore_mem>>) src(%dma_wait3A_1043 : memref<128x64xf32, #tpu.memory_space<vmem>>) dst(%dma_wait3A_1039 : memref<128x64xf32, #tpu.memory_space<hbm>>)
    %add3A_1044 = arith.constant 25472 : i32
    %add3A_1045 = arith.addi %mul3A_2, %add3A_1044 : i32
    %dma_wait3A_1046 = arith.constant 7 : i32
    %dma_wait3A_1047 = arith.constant 7 : i32
    %dma_wait3A_1048 = arith.constant 0 : i32
    %dma_wait3A_1049 = arith.constant 0 : i32
    %dma_wait3A_1050 = tpu.memref_slice %arg6[%dma_wait3A_1046, %dma_wait3A_1048, %dma_wait3A_1049] : memref<8x128x64xf32, #tpu.memory_space<vmem>> -> memref<1x128x64xf32, #tpu.memory_space<vmem>>
    %dma_wait3A_1051 = tpu.memref_squeeze %dma_wait3A_1050 : memref<1x128x64xf32, #tpu.memory_space<vmem>> -> memref<128x64xf32, #tpu.memory_space<vmem>>
    %dma_wait3A_1052 = arith.constant 0 : i32
    %dma_wait3A_1053 = tpu.memref_slice %arg4[%add3A_1045, %dma_wait3A_1052] : memref<819200x64xf32, #tpu.memory_space<hbm>> -> memref<128x64xf32, #tpu.memory_space<hbm>>
    %dma_wait3A_1054 = tpu.memref_slice %arg8[%dma_wait3A_1047] : memref<8x!tpu.dma_semaphore, #tpu.memory_space<semaphore_mem>> -> memref<1x!tpu.dma_semaphore, #tpu.memory_space<semaphore_mem>>
    %dma_wait3A_1055 = tpu.memref_squeeze %dma_wait3A_1054 : memref<1x!tpu.dma_semaphore, #tpu.memory_space<semaphore_mem>> -> memref<!tpu.dma_semaphore, #tpu.memory_space<semaphore_mem>>
    %dma_wait3A_1056 = arith.constant 0 : i32
    %dma_wait3A_1057 = tpu.memref_slice %arg4[%add3A_1045, %dma_wait3A_1056] : memref<819200x64xf32, #tpu.memory_space<hbm>> -> memref<128x64xf32, #tpu.memory_space<hbm>>
    %dma_wait3A_1058 = arith.constant 0 : i32
    %dma_wait3A_1059 = arith.constant 0 : i32
    %dma_wait3A_1060 = tpu.memref_slice %arg6[%dma_wait3A_1046, %dma_wait3A_1058, %dma_wait3A_1059] : memref<8x128x64xf32, #tpu.memory_space<vmem>> -> memref<1x128x64xf32, #tpu.memory_space<vmem>>
    %dma_wait3A_1061 = tpu.memref_squeeze %dma_wait3A_1060 : memref<1x128x64xf32, #tpu.memory_space<vmem>> -> memref<128x64xf32, #tpu.memory_space<vmem>>
    tpu.wait_dma2 semaphore(%dma_wait3A_1055 : memref<!tpu.dma_semaphore, #tpu.memory_space<semaphore_mem>>) src(%dma_wait3A_1061 : memref<128x64xf32, #tpu.memory_space<vmem>>) dst(%dma_wait3A_1057 : memref<128x64xf32, #tpu.memory_space<hbm>>)
    return
  }
}

</mosaic_0001>

<sc_bundles>
// kernel: _embedding_gather.3.cloned.1.call-start
scs
__scs_entry_jumppad:
0x0: {  	(pc) =	sbr.rel $0x88, $3  }
0x1: {  	(tag) =	ssettag $0x0;
	lr =	simm.s32 $0x1  }
0x2: {  	[smem:$0x3F9F] =	sst lr;
	_ =	strace $0xD0000000  }
0x3: {  	_ = 	snop  }
0x4: {  	_ = 	snop  }
0x5: {  	_ = 	snop  }
0x6: {  	_ = 	snop  }
0x7: {  	_ = 	snop  }
__scs_overlays_trampoline_lowered:
0x8: {  	[smem:$0x3FAE] =	sst s0  }
0x9: {  	[smem:$0x3FAF] =	sst s1  }
0xa: {  	[smem:$0x3FB0] =	sst s2  }
0xb: {  	[smem:$0x3FB1] =	sst s3  }
0xc: {  	[smem:$0x3FB2] =	sst s4  }
0xd: {  	[smem:$0x3FB3] =	sst s5  }
0xe: {  	[smem:$0x3FB4] =	sst s6  }
0xf: {  	[smem:$0x3FB5] =	sst s7  }
0x10: {  	[smem:$0x3FB6] =	sst s8  }
0x11: {  	[smem:$0x3FB7] =	sst s9;
	s0 =	simm.s32 @!p0 $0x0  }
0x12: {  	s1 =	sld [smem:$0x3F9D];
	s0 =	simm.s32 @p0 $0x1  }
0x13: {  	[smem:$0x3FB8] =	sst s0;
	s0 =	simm.s32 @!p1 $0x0  }
0x14: {  	s2 =	sld [smem:$0x3F9C];
	s0 =	simm.s32 @p1 $0x1  }
0x15: {  	[smem:$0x3FB9] =	sst s0;
	s0 =	simm.s32 @!p2 $0x0  }
0x16: {  	s3 =	sld [smem:$0x3FDB];
	s0 =	simm.s32 @p2 $0x1  }
0x17: {  	s4 =	simm.s32 $0x1BF5;
	[smem:$0x3FBB] =	sst s0  }
0x18: {  	s0 =	sld [smem:$0x3F9E];
	_ =	swait.ge [sflag:s4], $0x0  }
0x19: {  	s7 =	sld [smem:$0x3F9F]  }
0x1a: {  	s8 =	sadd.s32 $0xFFFFE003, lr  }
0x1b: {  	s9 =	sadd.s32 $0xFFFFFEF7, lr;
	s5 =	simm.s32 $0xFFFFFFFF;
	p2 =	slt.u32 s8, $0xFFFFF086  }
0x1c: {  	p1 =	slt.u32 s9, $0xF7A;
	s5 =	simm.s32 @!p2 $0x0  }
0x1d: {  	s5 =	simm.s32 @p1 $0x1;
	p0 =	seq.s32 s7, s2  }
0x1e: {  	s7 =	smul.u32 @!p0 $0xF7A, s2;
	p2 =	seq.s32 @!p0 s5, $0x0  }
0x1f: {  	s9 =	smul.u32 $0xF7A, s1;
	s8 =	simm.s32 @!p0 $0x1BF5;
	p2 =	por !p2, p0  }
0x20: {  	[sflag:s8] =	ssyncset.s32 @!p0 $0xFFFFF086;
	s6 =	sadd.s32 @!p0 s3, s7;
	s7 =	simm.s32 @!p0 $0x108  }
0x21: {  	s3 =	sadd.s32 s3, s9;
	s6 =	sadd.s32 @!p0 $0x88, s6;
	s7 =	simm.s32 @p2 $0x1082  }
0x22: {  	[simem:s7], [sflag:s8] =	dma.local @!p0 [hbm:s6], $0xF7A  }
0x23: {  	s9 =	sor.u32 $0xD0000000, s2;
	s6 =	simm.s32 $0x108;
	_ =	swait.ge @!p0 [sflag:s8], $0x0  }
0x24: {  	s3 =	sadd.s32 $0x88, s3;
	s6 =	simm.s32 @!p1 $0x1082;
	[sflag:s4] =	ssyncset.s32 $0xFFFFF086  }
0x25: {  	[simem:s6], [sflag:s4] =	dma.local [hbm:s3], $0xF7A  }
0x26: {  	[smem:$0x3F9F] =	sst s1;
	(tag) =	ssettag s2;
	_ =	strace s9  }
0x27: {  	s1 =	sld [smem:$0x3FAF]  }
0x28: {  	s2 =	sld [smem:$0x3FB0]  }
0x29: {  	s4 =	sld [smem:$0x3FB2]  }
0x2a: {  	p0 =	seq.s32 s5, $0x0;
	s5 =	sld [smem:$0x3FB3]  }
0x2b: {  	s6 =	sld [smem:$0x3FB4]  }
0x2c: {  	s7 =	sld [smem:$0x3FB5]  }
0x2d: {  	s3 =	simm.s32 $0x108;
	s8 =	sld [smem:$0x3FB6]  }
0x2e: {  	s3 =	simm.s32 @!p0 $0x1082;
	s9 =	sld [smem:$0x3FB7]  }
0x2f: {  	lr =	sadd.s32 s0, s3;
	s0 =	sld [smem:$0x3FAE]  }
0x30: {  	s3 =	sld [smem:$0x3FB1]  }
0x31: {  	[smem:$0x3FBA] =	sst s10  }
0x32: {  	s10 =	sld [smem:$0x3FB8];
	_ =	sdelay $0x3  }
0x33: {  	p0 =	seq.s32 s10, $0x1;
	s10 =	sld [smem:$0x3FBA];
	_ =	sdelay $0x3  }
0x34: {  	[smem:$0x3FBA] =	sst s10  }
0x35: {  	s10 =	sld [smem:$0x3FB9];
	_ =	sdelay $0x3  }
0x36: {  	p1 =	seq.s32 s10, $0x1;
	s10 =	sld [smem:$0x3FBA];
	_ =	sdelay $0x3  }
0x37: {  	[smem:$0x3FBA] =	sst s10  }
0x38: {  	s10 =	sld [smem:$0x3FBB]  }
0x39: {  	_ = 	snop;
	(pc) =	sbr.ind lr, $3  }
0x3a: {  	_ = 	snop  }
0x3b: {  	_ = 	snop  }
0x3c: {  	p2 =	seq.s32 s10, $0x1;
	s10 =	sld [smem:$0x3FBA]  }
0x3d: {  	_ =	shalt  }
0x3e: {  	_ =	shalt  }
0x3f: {  	_ =	shalt  }
0x40: {  	_ =	shalt  }
0x41: {  	_ =	shalt  }
0x42: {  	_ =	shalt  }
0x43: {  	_ =	shalt  }
0x44: {  	_ =	shalt  }
0x45: {  	_ =	shalt  }
0x46: {  	_ =	shalt  }
0x47: {  	_ =	shalt  }
0x48: {  	_ =	shalt  }
0x49: {  	_ =	shalt  }
0x4a: {  	_ =	shalt  }
0x4b: {  	_ =	shalt  }
0x4c: {  	_ =	shalt  }
0x4d: {  	_ =	shalt  }
0x4e: {  	_ =	shalt  }
0x4f: {  	_ =	shalt  }
0x50: {  	_ =	shalt  }
0x51: {  	_ =	shalt  }
0x52: {  	_ =	shalt  }
0x53: {  	_ =	shalt  }
0x54: {  	_ =	shalt  }
0x55: {  	_ =	shalt  }
0x56: {  	_ =	shalt  }
0x57: {  	_ =	shalt  }
0x58: {  	_ =	shalt  }
0x59: {  	_ =	shalt  }
0x5a: {  	_ =	shalt  }
0x5b: {  	_ =	shalt  }
0x5c: {  	_ =	shalt  }
0x5d: {  	_ =	shalt  }
0x5e: {  	_ =	shalt  }
0x5f: {  	_ =	shalt  }
0x60: {  	_ =	shalt  }
0x61: {  	_ =	shalt  }
0x62: {  	_ =	shalt  }
0x63: {  	_ =	shalt  }
0x64: {  	_ =	shalt  }
0x65: {  	_ =	shalt  }
0x66: {  	_ =	shalt  }
0x67: {  	_ =	shalt  }
0x68: {  	_ =	shalt  }
0x69: {  	_ =	shalt  }
0x6a: {  	_ =	shalt  }
0x6b: {  	_ =	shalt  }
0x6c: {  	_ =	shalt  }
0x6d: {  	_ =	shalt  }
0x6e: {  	_ =	shalt  }
0x6f: {  	_ =	shalt  }
0x70: {  	_ =	shalt  }
0x71: {  	_ =	shalt  }
0x72: {  	_ =	shalt  }
0x73: {  	_ =	shalt  }
0x74: {  	_ =	shalt  }
0x75: {  	_ =	shalt  }
0x76: {  	_ =	shalt  }
0x77: {  	_ =	shalt  }
0x78: {  	_ =	shalt  }
0x79: {  	_ =	shalt  }
0x7a: {  	_ =	shalt  }
0x7b: {  	_ =	shalt  }
0x7c: {  	_ =	shalt  }
0x7d: {  	_ =	shalt  }
0x7e: {  	_ =	shalt  }
0x7f: {  	_ =	shalt  }
0x80: {  	_ =	shalt  }
0x81: {  	_ =	shalt  }
0x82: {  	_ =	shalt  }
0x83: {  	_ =	shalt  }
0x84: {  	_ =	shalt  }
0x85: {  	_ =	shalt  }
0x86: {  	_ =	shalt  }
0x87: {  	_ =	shalt  }
.Lfunc_end0:
.L_simem_size_0:
called_computation.1_lowered:
.L_overlay_start_0:
0x88: {  	s2 =	sld [smem:$0x3FD9]  }
0x89: {  	s3 =	sld [smem:$0x3FFE];
	_ =	sdelay $0x1  }
0x8a: {  	s1 =	srdreg.scid  }
0x8b: {  	s0 =	sand.u32 $0x1, s1  }
0x8c: {  	s17 =	sshll.u32 s0, $0xA;
	s2 =	sadd.s32 s3, s2  }
0x8d: {  	s2 =	sadd.s32 s2, s17  }
0x8e: {  	[smem:$0x3FC6] =	sst s2  }
0x8f: {  	_ = 	snop  }
0x90: {  	s2 =	sld [smem:$0x3FC9]  }
0x91: {  	s18 =	sld [smem:$0x3FD0];
	(tm) =	ssettm $0x1  }
0x92: {  	s4 =	sld [smem:$0x3FFB];
	_ =	sdelay $0x3  }
0x93: {  	_ =	strace s4  }
0x94: {  	s4 =	sld [smem:$0x3FFC];
	_ =	sdelay $0x3  }
0x95: {  	_ =	strace s4  }
0x96: {  	s4 =	sld [smem:$0x3FFD];
	_ =	sdelay $0x3  }
0x97: {  	_ =	strace s4  }
0x98: {  	_ =	strace $0x8FFFFFFF  }
0x99: {  	s19 =	sld [smem:$0x3FDB];
	_ =	sdelay $0x1  }
0x9a: {  	s5 =	simm.s32 $_scs_section_size  }
0x9b: {  	s6 =	simm.s32 $_size__tile_overlayer_lowered;
	s7 =	simm.s32 $_tile_overlayer_lowered  }
0x9c: {  	s22 =	simm.s32 $0x1BFF;
	s21 =	sshll.u32 s7, $0x1;
	s4 =	sadd.s32 s5, s19  }
0x9d: {  	s8 =	simm.s32 $0x0;
	s20 =	sshll.u32 s6, $0x1;
	s6 =	sadd.s32 s21, s4  }
0x9e: {  	[timem:s8], [sflag:s22] =	dma.local [hbm:s6], s20  }
0x9f: {  	_ =	swait.ge [sflag:s22], s20  }
0xa0: {  	s5 =	ssub.s32 $0x0, s20;
	[sflag:s22] =	ssyncset.done $0x0  }
0xa1: {  	[sflag:s22] =	ssyncadd.s32 s5;
	_ =	sdelay $0x1  }
0xa2: {  	s23 =	simm.s32 $0x1B8B  }
0xa3: {  	_ =	swait.ge [sflag:s23], $0x1  }
0xa4: {  	[sflag:s23] =	ssyncset.done $0x0  }
0xa5: {  	s25 =	simm.s32 $0x1B8E;
	s24 =	sld [smem:$0x3FFE];
	[sflag:s23] =	ssyncadd.s32 $0xFFFFFFFF  }
0xa6: {  	s26 =	simm.s32 $execute0_lowered;
	[smem:$0x3FD2] =	sst s25  }
0xa7: {  	s6 =	sshll.u32 s26, $0x1;
	_ =	strace $0x80000046;
	[dreg:$0x1] =	wrdreg $0xFFFFFFFF  }
0xa8: {  	s28 =	simm.s32 $_size_execute0_lowered;
	s4 =	sadd.s32 s4, s6;
	[dreg:$0x0] =	wrdreg $0x0  }
0xa9: {  	s6 =	sshll.u32 s28, $0x1;
	[dreg:$0x2] =	wrdreg s4  }
0xaa: {  	[dreg:$0x3] =	wrdreg s6  }
0xab: {  	[dreg:$0x4] =	wrdreg $0xC0  }
0xac: {  	_ =	task [dreg:s8], $0x5FFFF  }
0xad: {  	[dreg:$0x1] =	wrdreg $0xFFFFFFFF  }
0xae: {  	[dreg:$0x0] =	wrdreg $0x60  }
0xaf: {  	[dreg:$0x2] =	wrdreg s2  }
0xb0: {  	[dreg:$0x3] =	wrdreg s24  }
0xb1: {  	[dreg:$0x4] =	wrdreg s18  }
0xb2: {  	[dreg:$0x5] =	wrdreg $0x9  }
0xb3: {  	_ =	task.clear_ibuf [dreg:s8], $0x6FFFF;
	_ =	strace $0x90000046  }
0xb4: {  	s29 =	simm.s32 $0x9;
	_ =	strace $0x80000048  }
0xb5: {  	_ =	swait.ge [sflag:s29], $0x1  }
0xb6: {  	[sflag:s29] =	ssyncadd.s32 $0xFFFFFFFF  }
0xb7: {  	_ =	strace $0x90000048  }
0xb8: {  	_ =	sfence  }
0xb9: {  	s30 =	sld [smem:$0x0];
	_ =	sdelay $0x2  }
0xba: {  	s31 =	sshll.u32 s1, $0xD;
	s1 =	sshrl.u32 s1, $0x2  }
0xbb: {  	s3 =	sand.u32 $0x4000, s31;
	s1 =	sadd.s32 s1, s30  }
0xbc: {  	s0 =	sor.u32 s3, s0;
	s1 =	sshll.u32 s1, $0x11  }
0xbd: {  	s0 =	sor.u32 s1, s0  }
0xbe: {  	s0 =	sadd.s32 $0x8F2B, s0  }
0xbf: {  	[sflag:s0] =	ssyncadd.remote.s32 $0x1  }
0xc0: {  	_ =	sfence.sel $0xFFFF  }
0xc1: {  	[dreg:$0x0] =	wrdreg $0xFFFFFFFF;
	(pc) =	sbr.abs _section_cstart, $3  }
0xc2: {  	[dreg:$0x1] =	wrdreg $0xFFFFFFFF  }
0xc3: {  	_ =	task.clear_ibuf [dreg:s8], $0x2FFFF;
	_ =	strace $0x9FFFFFFF  }
0xc4: {  	(tm) =	ssettm $0x7FFFFFFF  }
0xc5: {  	_ =	shalt  }
tec
execute0_lowered:
.L_overlay_start_1:
0x0: {  	(tag) =	ssettag $0x1  }
0x1: {  	s0 =	rddreg [dreg:$0x0]  }
0x2: {  	s1 =	srdreg.scid;
	s9 =	stileid.u32  }
0x3: {  	s2 =	rddreg [dreg:$0x1];
	s1 =	sand.u32 $0x1, s1;
	s3 =	sshll.u32 s9, $0x1  }
0x4: {  	s28 =	rddreg [dreg:$0x2];
	s4 =	sadd.s32 $0xF42C00, s2;
	s5 =	sor.u32 s1, s3  }
0x5: {  	s3 =	simm.s32 $0x0;
	s7 =	ssub.s32 $0x2, s1;
	s8 =	smul.u32 $0x32000, s5  }
0x6: {  	s6 =	smul.u32 $0x6400, s5;
	[smem:$0x7FF] =	sst s3;
	s22 =	sshrl.u32 s7, $0x1  }
0x7: {  	_ =	strace $0x80000047;
	s2 =	ssub.s32 s7, s22;
	s23 =	sadd.s32 s28, s8  }
0x8: {  	s6 =	sshrl.u32 s6, $0x3;
	s2 =	smax.u32 s2, $0x1;
	[dreg:$0xb] =	wrdreg s23  }
0x9: {  	s0 =	sadd.s32 s0, s6;
	[dreg:$0x1c] =	wrdreg s2  }
0xa: {  	s24 =	sadd.s32 $0x400, s23;
	[dreg:$0xc] =	wrdreg s0  }
0xb: {  	s10 =	smul.u32 $0xC800, s9;
	s26 =	sadd.s32 $0x800, s23;
	[dreg:$0xd] =	wrdreg s24  }
0xc: {  	s16 =	smul.u32 $0x320000, s9;
	s30 =	sadd.s32 $0xC00, s23;
	[dreg:$0xe] =	wrdreg s26  }
0xd: {  	s12 =	smul.u32 $0x6400, s1;
	s6 =	sadd.s32 $0x1000, s23;
	[dreg:$0xf] =	wrdreg s30  }
0xe: {  	s25 =	smul.u32 $0x190000, s5;
	s8 =	sadd.s32 $0x1400, s23;
	[dreg:$0x10] =	wrdreg s6  }
0xf: {  	s5 =	sadd.s32 s12, s10;
	s11 =	sadd.s32 $0x1800, s23;
	[dreg:$0x11] =	wrdreg s8  }
0x10: {  	s5 =	sshll.u32 s5, $0x3;
	s7 =	sadd.s32 $0x1C00, s23;
	[dreg:$0x12] =	wrdreg s11  }
0x11: {  	s1 =	smul.u32 $0x190000, s1;
	s20 =	sadd.s32 $0x2C00, s5;
	[dreg:$0x13] =	wrdreg s7  }
0x12: {  	s21 =	sadd.s32 $0x2800, s5;
	[dreg:$0x4] =	wrdreg s20  }
0x13: {  	s1 =	sadd.s32 s1, s16;
	s22 =	sadd.s32 $0x2400, s5;
	[dreg:$0x5] =	wrdreg s21  }
0x14: {  	s0 =	sshrl.u32 s25, $0x3;
	[dreg:$0x6] =	wrdreg s22;
	s25 =	sadd.s32 $0x3800, s5  }
0x15: {  	s7 =	sadd.s32 $0x18000, s1;
	s1 =	sadd.s32 $0x10000, s1;
	[dreg:$0x8] =	wrdreg s25  }
0x16: {  	s26 =	sadd.s32 $0x3400, s5;
	[dreg:$0x1d] =	wrdreg s1  }
0x17: {  	s29 =	simm.s32 $0x2;
	s30 =	sadd.s32 $0x3C00, s5;
	[dreg:$0x9] =	wrdreg s26  }
0x18: {  	s0 =	sadd.s32 s28, s0;
	s24 =	sshrl.u32 s7, $0x3;
	[dreg:$0xa] =	wrdreg s30  }
0x19: {  	s31 =	simm.s32 $0x3;
	s13 =	sadd.s32 $0x30000, s0;
	[dreg:$0x7] =	wrdreg s24  }
0x1a: {  	s12 =	simm.s32 $0x6;
	s14 =	sadd.s32 $0x30400, s0;
	[dreg:$0x14] =	wrdreg s13  }
0x1b: {  	s16 =	simm.s32 $0xA;
	s15 =	sadd.s32 $0x30800, s0;
	[dreg:$0x15] =	wrdreg s14  }
0x1c: {  	s6 =	simm.s32 $0x4;
	s17 =	sadd.s32 $0x30C00, s0;
	[dreg:$0x16] =	wrdreg s15  }
0x1d: {  	s11 =	simm.s32 $0x5;
	s18 =	sadd.s32 $0x31000, s0;
	[dreg:$0x17] =	wrdreg s17  }
0x1e: {  	s20 =	simm.s32 $0xE;
	s19 =	sadd.s32 $0x31400, s0;
	[dreg:$0x18] =	wrdreg s18  }
0x1f: {  	s21 =	simm.s32 $0xF;
	s23 =	sadd.s32 $0x31800, s0;
	[dreg:$0x19] =	wrdreg s19  }
0x20: {  	s22 =	simm.s32 $0x10;
	s0 =	sadd.s32 $0x31C00, s0;
	[dreg:$0x1a] =	wrdreg s23  }
0x21: {  	s25 =	simm.s32 $0x80;
	[dreg:$0x1b] =	wrdreg s0;
	s13 =	simm.s32 $0x7  }
0x22: {  	s14 =	simm.s32 $0x8;
	s15 =	simm.s32 $0x9;
	s17 =	simm.s32 $0xB  }
0x23: {  	s18 =	simm.s32 $0xC;
	s19 =	simm.s32 $0xD;
	s0 =	simm.s32 $0x0  }
.LBB2_1:
0x24: {  	[dreg:$0x1e] =	wrdreg s0  }
0x25: {  	s2 =	rddreg [dreg:$0xc];
	s8 =	simm.s32 $0x11  }
0x26: {  	[tilespmem:s3], [sflag:$0x11] =	stream.linear.gather [hbm4b:s2+s3], $0x6400, $0x38;
	[tilespmem:$0x16400] =	vst v63  }
0x27: {  	_ =	swait.ge [sflag:s8], $0x6400  }
0x28: {  	[sflag:s8] =	ssyncset.done $0x0  }
0x29: {  	s23 =	simm.s32 $0x6400;
	[sflag:s8] =	ssyncadd.s32 $0xFFFF9C00  }
0x2a: {  	[tilespmem:s23], [sflag:$0x1] =	stream.indirect.gather [hbm4b:s4+s25], $0x40, s3, s25, $0xb8;
	[tilespmem:$0x16400] =	vst v63  }
0x2b: {  	s1 =	simm.s32 $0x8400  }
0x2c: {  	[tilespmem:s1], [sflag:$0x2] =	stream.indirect.gather [hbm4b:s4+s25], $0x40, s25, s25, $0xb8;
	[tilespmem:$0x16400] =	vst v63  }
0x2d: {  	s9 =	simm.s32 $0x100;
	s7 =	simm.s32 $0xA400  }
0x2e: {  	[tilespmem:s7], [sflag:$0x3] =	stream.indirect.gather [hbm4b:s4+s25], $0x40, s9, s25, $0xb8;
	[tilespmem:$0x16400] =	vst v63  }
0x2f: {  	s10 =	simm.s32 $0x180;
	s0 =	simm.s32 $0x1;
	s8 =	simm.s32 $0xC400  }
0x30: {  	[tilespmem:s8], [sflag:$0x4] =	stream.indirect.gather [hbm4b:s4+s25], $0x40, s10, s25, $0xb8;
	[tilespmem:$0x16400] =	vst v63  }
0x31: {  	_ =	swait.ge [sflag:s0], $0x2000  }
0x32: {  	[sflag:s0] =	ssyncset.done $0x0  }
0x33: {  	s24 =	rddreg [dreg:$0xb];
	[sflag:s0] =	ssyncadd.s32 $0xFFFFE000  }
0x34: {  	[hbm4b:s24+s3] =	stream.linear.scatter [tilespmem:s23], [sflag:$0x9], $0x2000, $0x38;
	[tilespmem:$0x16400] =	vst v63  }
0x35: {  	_ =	swait.ge [sflag:s29], $0x2000  }
0x36: {  	[sflag:s29] =	ssyncset.done $0x0  }
0x37: {  	s26 =	rddreg [dreg:$0xd];
	[sflag:s29] =	ssyncadd.s32 $0xFFFFE000  }
0x38: {  	[hbm4b:s26+s3] =	stream.linear.scatter [tilespmem:s1], [sflag:$0xA], $0x2000, $0x38;
	[tilespmem:$0x16400] =	vst v63  }
0x39: {  	_ =	swait.ge [sflag:s31], $0x2000  }
0x3a: {  	[sflag:s31] =	ssyncset.done $0x0  }
0x3b: {  	s30 =	rddreg [dreg:$0xe];
	[sflag:s31] =	ssyncadd.s32 $0xFFFFE000  }
0x3c: {  	[hbm4b:s30+s3] =	stream.linear.scatter [tilespmem:s7], [sflag:$0xB], $0x2000, $0x38;
	[tilespmem:$0x16400] =	vst v63  }
0x3d: {  	_ =	swait.ge [sflag:s6], $0x2000  }
0x3e: {  	[sflag:s6] =	ssyncset.done $0x0  }
0x3f: {  	s5 =	rddreg [dreg:$0xf];
	[sflag:s6] =	ssyncadd.s32 $0xFFFFE000  }
0x40: {  	[hbm4b:s5+s3] =	stream.linear.scatter [tilespmem:s8], [sflag:$0xC], $0x2000, $0x38;
	[tilespmem:$0x16400] =	vst v63  }
0x41: {  	s9 =	simm.s32 $0x200;
	s24 =	simm.s32 $0xE400  }
0x42: {  	[tilespmem:s24], [sflag:$0x5] =	stream.indirect.gather [hbm4b:s4+s25], $0x40, s9, s25, $0xb8;
	[tilespmem:$0x16400] =	vst v63  }
0x43: {  	s10 =	simm.s32 $0x280;
	s26 =	simm.s32 $0x10400  }
0x44: {  	[tilespmem:s26], [sflag:$0x6] =	stream.indirect.gather [hbm4b:s4+s25], $0x40, s10, s25, $0xb8;
	[tilespmem:$0x16400] =	vst v63  }
0x45: {  	s30 =	simm.s32 $0x300;
	s9 =	simm.s32 $0x12400  }
0x46: {  	[tilespmem:s9], [sflag:$0x7] =	stream.indirect.gather [hbm4b:s4+s25], $0x40, s30, s25, $0xb8;
	[tilespmem:$0x16400] =	vst v63  }
0x47: {  	s5 =	simm.s32 $0x380;
	s10 =	simm.s32 $0x14400  }
0x48: {  	[tilespmem:s10], [sflag:$0x8] =	stream.indirect.gather [hbm4b:s4+s25], $0x40, s5, s25, $0xb8;
	[tilespmem:$0x16400] =	vst v63  }
0x49: {  	_ =	swait.ge [sflag:s11], $0x2000  }
0x4a: {  	[sflag:s11] =	ssyncset.done $0x0  }
0x4b: {  	s30 =	rddreg [dreg:$0x10];
	[sflag:s11] =	ssyncadd.s32 $0xFFFFE000  }
0x4c: {  	[hbm4b:s30+s3] =	stream.linear.scatter [tilespmem:s24], [sflag:$0xD], $0x2000, $0x38;
	[tilespmem:$0x16400] =	vst v63  }
0x4d: {  	_ =	swait.ge [sflag:s12], $0x2000  }
0x4e: {  	[sflag:s12] =	ssyncset.done $0x0  }
0x4f: {  	s5 =	rddreg [dreg:$0x11];
	[sflag:s12] =	ssyncadd.s32 $0xFFFFE000  }
0x50: {  	[hbm4b:s5+s3] =	stream.linear.scatter [tilespmem:s26], [sflag:$0xE], $0x2000, $0x38;
	[tilespmem:$0x16400] =	vst v63  }
0x51: {  	_ =	swait.ge [sflag:s13], $0x2000  }
0x52: {  	[sflag:s13] =	ssyncset.done $0x0  }
0x53: {  	s30 =	rddreg [dreg:$0x12];
	[sflag:s13] =	ssyncadd.s32 $0xFFFFE000  }
0x54: {  	[hbm4b:s30+s3] =	stream.linear.scatter [tilespmem:s9], [sflag:$0xF], $0x2000, $0x38;
	[tilespmem:$0x16400] =	vst v63  }
0x55: {  	_ =	swait.ge [sflag:s14], $0x2000  }
0x56: {  	[sflag:s14] =	ssyncset.done $0x0  }
0x57: {  	s5 =	rddreg [dreg:$0x13];
	[sflag:s14] =	ssyncadd.s32 $0xFFFFE000  }
0x58: {  	[hbm4b:s5+s3] =	stream.linear.scatter [tilespmem:s10], [sflag:$0x10], $0x2000, $0x38;
	[tilespmem:$0x16400] =	vst v63  }
0x59: {  	_ =	swait.ge [sflag:s15], $0x2000  }
0x5a: {  	[sflag:s15] =	ssyncset.done $0x0  }
0x5b: {  	s30 =	simm.s32 $0x400;
	[sflag:s15] =	ssyncadd.s32 $0xFFFFE000  }
0x5c: {  	[tilespmem:s23], [sflag:$0x1] =	stream.indirect.gather [hbm4b:s4+s25], $0x40, s30, s25, $0xb8;
	[tilespmem:$0x16400] =	vst v63  }
0x5d: {  	_ =	swait.ge [sflag:s16], $0x2000  }
0x5e: {  	[sflag:s16] =	ssyncset.done $0x0  }
0x5f: {  	s5 =	simm.s32 $0x480;
	[sflag:s16] =	ssyncadd.s32 $0xFFFFE000  }
0x60: {  	[tilespmem:s1], [sflag:$0x2] =	stream.indirect.gather [hbm4b:s4+s25], $0x40, s5, s25, $0xb8;
	[tilespmem:$0x16400] =	vst v63  }
0x61: {  	_ =	swait.ge [sflag:s17], $0x2000  }
0x62: {  	[sflag:s17] =	ssyncset.done $0x0  }
0x63: {  	s30 =	simm.s32 $0x500;
	[sflag:s17] =	ssyncadd.s32 $0xFFFFE000  }
0x64: {  	[tilespmem:s7], [sflag:$0x3] =	stream.indirect.gather [hbm4b:s4+s25], $0x40, s30, s25, $0xb8;
	[tilespmem:$0x16400] =	vst v63  }
0x65: {  	_ =	swait.ge [sflag:s18], $0x2000  }
0x66: {  	[sflag:s18] =	ssyncset.done $0x0  }
0x67: {  	s5 =	simm.s32 $0x580;
	[sflag:s18] =	ssyncadd.s32 $0xFFFFE000  }
0x68: {  	[tilespmem:s8], [sflag:$0x4] =	stream.indirect.gather [hbm4b:s4+s25], $0x40, s5, s25, $0xb8;
	[tilespmem:$0x16400] =	vst v63  }
0x69: {  	_ =	swait.ge [sflag:s0], $0x2000  }
0x6a: {  	s5 =	rddreg [dreg:$0x1d]  }
0x6b: {  	[sflag:s0] =	ssyncset.done $0x0;
	s30 =	sshrl.u32 s5, $0x3  }
0x6c: {  	[sflag:s0] =	ssyncadd.s32 $0xFFFFE000;
	s2 =	sadd.s32 s28, s30  }
0x6d: {  	[hbm4b:s2+s3] =	stream.linear.scatter [tilespmem:s23], [sflag:$0x9], $0x2000, $0x38;
	[tilespmem:$0x16400] =	vst v63  }
0x6e: {  	_ =	swait.ge [sflag:s29], $0x2000  }
0x6f: {  	s0 =	rddreg [dreg:$0x6];
	[sflag:s29] =	ssyncset.done $0x0  }
0x70: {  	[sflag:s29] =	ssyncadd.s32 $0xFFFFE000;
	s2 =	sadd.s32 s28, s0  }
0x71: {  	[hbm4b:s2+s3] =	stream.linear.scatter [tilespmem:s1], [sflag:$0xA], $0x2000, $0x38;
	[tilespmem:$0x16400] =	vst v63  }
0x72: {  	_ =	swait.ge [sflag:s31], $0x2000  }
0x73: {  	s30 =	rddreg [dreg:$0x5];
	[sflag:s31] =	ssyncset.done $0x0  }
0x74: {  	[sflag:s31] =	ssyncadd.s32 $0xFFFFE000;
	s2 =	sadd.s32 s28, s30  }
0x75: {  	[hbm4b:s2+s3] =	stream.linear.scatter [tilespmem:s7], [sflag:$0xB], $0x2000, $0x38;
	[tilespmem:$0x16400] =	vst v63  }
0x76: {  	_ =	swait.ge [sflag:s6], $0x2000  }
0x77: {  	s0 =	rddreg [dreg:$0x4];
	[sflag:s6] =	ssyncset.done $0x0  }
0x78: {  	[sflag:s6] =	ssyncadd.s32 $0xFFFFE000;
	s2 =	sadd.s32 s28, s0  }
0x79: {  	[hbm4b:s2+s3] =	stream.linear.scatter [tilespmem:s8], [sflag:$0xC], $0x2000, $0x38;
	[tilespmem:$0x16400] =	vst v63  }
0x7a: {  	_ =	swait.ge [sflag:s19], $0x2000  }
0x7b: {  	[sflag:s19] =	ssyncset.done $0x0  }
0x7c: {  	s8 =	simm.s32 $0x600;
	[sflag:s19] =	ssyncadd.s32 $0xFFFFE000  }
0x7d: {  	[tilespmem:s24], [sflag:$0x5] =	stream.indirect.gather [hbm4b:s4+s25], $0x40, s8, s25, $0xb8;
	[tilespmem:$0x16400] =	vst v63  }
0x7e: {  	_ =	swait.ge [sflag:s20], $0x2000  }
0x7f: {  	[sflag:s20] =	ssyncset.done $0x0  }
0x80: {  	s30 =	simm.s32 $0x680;
	[sflag:s20] =	ssyncadd.s32 $0xFFFFE000  }
0x81: {  	[tilespmem:s26], [sflag:$0x6] =	stream.indirect.gather [hbm4b:s4+s25], $0x40, s30, s25, $0xb8;
	[tilespmem:$0x16400] =	vst v63  }
0x82: {  	_ =	swait.ge [sflag:s21], $0x2000  }
0x83: {  	[sflag:s21] =	ssyncset.done $0x0  }
0x84: {  	s0 =	simm.s32 $0x700;
	[sflag:s21] =	ssyncadd.s32 $0xFFFFE000  }
0x85: {  	[tilespmem:s9], [sflag:$0x7] =	stream.indirect.gather [hbm4b:s4+s25], $0x40, s0, s25, $0xb8;
	[tilespmem:$0x16400] =	vst v63  }
0x86: {  	_ =	swait.ge [sflag:s22], $0x2000  }
0x87: {  	[sflag:s22] =	ssyncset.done $0x0  }
0x88: {  	s8 =	simm.s32 $0x780;
	[sflag:s22] =	ssyncadd.s32 $0xFFFFE000  }
0x89: {  	[tilespmem:s10], [sflag:$0x8] =	stream.indirect.gather [hbm4b:s4+s25], $0x40, s8, s25, $0xb8;
	[tilespmem:$0x16400] =	vst v63  }
0x8a: {  	_ =	swait.ge [sflag:s11], $0x2000  }
0x8b: {  	s30 =	rddreg [dreg:$0x7];
	[sflag:s11] =	ssyncset.done $0x0  }
0x8c: {  	[sflag:s11] =	ssyncadd.s32 $0xFFFFE000;
	s2 =	sadd.s32 s28, s30  }
0x8d: {  	[hbm4b:s2+s3] =	stream.linear.scatter [tilespmem:s24], [sflag:$0xD], $0x2000, $0x38;
	[tilespmem:$0x16400] =	vst v63  }
0x8e: {  	_ =	swait.ge [sflag:s12], $0x2000  }
0x8f: {  	s0 =	rddreg [dreg:$0x9];
	[sflag:s12] =	ssyncset.done $0x0  }
0x90: {  	[sflag:s12] =	ssyncadd.s32 $0xFFFFE000;
	s2 =	sadd.s32 s28, s0  }
0x91: {  	[hbm4b:s2+s3] =	stream.linear.scatter [tilespmem:s26], [sflag:$0xE], $0x2000, $0x38;
	[tilespmem:$0x16400] =	vst v63  }
0x92: {  	_ =	swait.ge [sflag:s13], $0x2000  }
0x93: {  	s8 =	rddreg [dreg:$0x8];
	[sflag:s13] =	ssyncset.done $0x0  }
0x94: {  	[sflag:s13] =	ssyncadd.s32 $0xFFFFE000;
	s2 =	sadd.s32 s28, s8  }
0x95: {  	[hbm4b:s2+s3] =	stream.linear.scatter [tilespmem:s9], [sflag:$0xF], $0x2000, $0x38;
	[tilespmem:$0x16400] =	vst v63  }
0x96: {  	_ =	swait.ge [sflag:s14], $0x2000  }
0x97: {  	s9 =	rddreg [dreg:$0xa];
	[sflag:s14] =	ssyncset.done $0x0  }
0x98: {  	[sflag:s14] =	ssyncadd.s32 $0xFFFFE000;
	s2 =	sadd.s32 s28, s9  }
0x99: {  	[hbm4b:s2+s3] =	stream.linear.scatter [tilespmem:s10], [sflag:$0x10], $0x2000, $0x38;
	[tilespmem:$0x16400] =	vst v63  }
0x9a: {  	_ =	swait.ge [sflag:s15], $0x2000  }
0x9b: {  	[sflag:s15] =	ssyncset.done $0x0  }
0x9c: {  	s24 =	simm.s32 $0x800;
	[sflag:s15] =	ssyncadd.s32 $0xFFFFE000  }
0x9d: {  	[tilespmem:s23], [sflag:$0x1] =	stream.indirect.gather [hbm4b:s4+s25], $0x40, s24, s25, $0xb8;
	[tilespmem:$0x16400] =	vst v63  }
0x9e: {  	_ =	swait.ge [sflag:s16], $0x2000  }
0x9f: {  	[sflag:s16] =	ssyncset.done $0x0  }
0xa0: {  	s26 =	simm.s32 $0x880;
	[sflag:s16] =	ssyncadd.s32 $0xFFFFE000  }
0xa1: {  	[tilespmem:s1], [sflag:$0x2] =	stream.indirect.gather [hbm4b:s4+s25], $0x40, s26, s25, $0xb8;
	[tilespmem:$0x16400] =	vst v63  }
0xa2: {  	_ =	swait.ge [sflag:s17], $0x2000  }
0xa3: {  	[sflag:s17] =	ssyncset.done $0x0  }
0xa4: {  	s30 =	simm.s32 $0x900;
	[sflag:s17] =	ssyncadd.s32 $0xFFFFE000  }
0xa5: {  	[tilespmem:s7], [sflag:$0x3] =	stream.indirect.gather [hbm4b:s4+s25], $0x40, s30, s25, $0xb8;
	[tilespmem:$0x16400] =	vst v63  }
0xa6: {  	_ =	swait.ge [sflag:s18], $0x2000  }
0xa7: {  	s5 =	sadd.s32 $0x10000, s5;
	s2 =	simm.s32 $0x980;
	[sflag:s18] =	ssyncset.done $0x0  }
0xa8: {  	s24 =	simm.s32 $0x1000;
	s23 =	sadd.s32 $0x2000, s28;
	[sflag:s18] =	ssyncadd.s32 $0xFFFFE000  }
.LBB2_2:
0xa9: {  	s1 =	simm.s32 $0xC400;
	s0 =	simm.s32 $0x1  }
0xaa: {  	[tilespmem:s1], [sflag:$0x4] =	stream.indirect.gather [hbm4b:s4+s25], $0x40, s2, s25, $0xb8;
	[tilespmem:$0x16400] =	vst v63  }
0xab: {  	_ =	swait.ge [sflag:s0], $0x2000  }
0xac: {  	s26 =	sshrl.u32 s5, $0x3;
	[sflag:s0] =	ssyncset.done $0x0  }
0xad: {  	s30 =	simm.s32 $0x6400;
	s26 =	sadd.s32 s28, s26;
	[sflag:s0] =	ssyncadd.s32 $0xFFFFE000  }
0xae: {  	[hbm4b:s26+s3] =	stream.linear.scatter [tilespmem:s30], [sflag:$0x9], $0x2000, $0x38;
	[tilespmem:$0x16400] =	vst v63  }
0xaf: {  	_ =	swait.ge [sflag:s29], $0x2000  }
0xb0: {  	s9 =	rddreg [dreg:$0x6];
	[sflag:s29] =	ssyncset.done $0x0  }
0xb1: {  	s7 =	simm.s32 $0x8400;
	[sflag:s29] =	ssyncadd.s32 $0xFFFFE000;
	s26 =	sadd.s32 s23, s9  }
0xb2: {  	[hbm4b:s26+s3] =	stream.linear.scatter [tilespmem:s7], [sflag:$0xA], $0x2000, $0x38;
	[tilespmem:$0x16400] =	vst v63  }
0xb3: {  	_ =	swait.ge [sflag:s31], $0x2000  }
0xb4: {  	s10 =	rddreg [dreg:$0x5];
	[sflag:s31] =	ssyncset.done $0x0  }
0xb5: {  	s8 =	simm.s32 $0xA400;
	[sflag:s31] =	ssyncadd.s32 $0xFFFFE000;
	s26 =	sadd.s32 s23, s10  }
0xb6: {  	[hbm4b:s26+s3] =	stream.linear.scatter [tilespmem:s8], [sflag:$0xB], $0x2000, $0x38;
	[tilespmem:$0x16400] =	vst v63  }
0xb7: {  	_ =	swait.ge [sflag:s6], $0x2000  }
0xb8: {  	s0 =	rddreg [dreg:$0x4];
	[sflag:s6] =	ssyncset.done $0x0  }
0xb9: {  	[sflag:s6] =	ssyncadd.s32 $0xFFFFE000;
	s26 =	sadd.s32 s23, s0  }
0xba: {  	[hbm4b:s26+s3] =	stream.linear.scatter [tilespmem:s1], [sflag:$0xC], $0x2000, $0x38;
	[tilespmem:$0x16400] =	vst v63  }
0xbb: {  	s2 =	smov.u32 s24;
	_ =	swait.ge [sflag:s19], $0x2000  }
0xbc: {  	s2 =	sshra.s32 s2, $0x2;
	[sflag:s19] =	ssyncset.done $0x0  }
0xbd: {  	s9 =	sadd.s32 $0x600, s2;
	s1 =	simm.s32 $0xE400;
	[sflag:s19] =	ssyncadd.s32 $0xFFFFE000  }
0xbe: {  	[tilespmem:s1], [sflag:$0x5] =	stream.indirect.gather [hbm4b:s4+s25], $0x40, s9, s25, $0xb8;
	[tilespmem:$0x16400] =	vst v63  }
0xbf: {  	_ =	swait.ge [sflag:s20], $0x2000  }
0xc0: {  	[sflag:s20] =	ssyncset.done $0x0  }
0xc1: {  	s10 =	sadd.s32 $0x680, s2;
	s9 =	simm.s32 $0x10400;
	[sflag:s20] =	ssyncadd.s32 $0xFFFFE000  }
0xc2: {  	[tilespmem:s9], [sflag:$0x6] =	stream.indirect.gather [hbm4b:s4+s25], $0x40, s10, s25, $0xb8;
	[tilespmem:$0x16400] =	vst v63  }
0xc3: {  	_ =	swait.ge [sflag:s21], $0x2000  }
0xc4: {  	[sflag:s21] =	ssyncset.done $0x0  }
0xc5: {  	s0 =	sadd.s32 $0x700, s2;
	s10 =	simm.s32 $0x12400;
	[sflag:s21] =	ssyncadd.s32 $0xFFFFE000  }
0xc6: {  	[tilespmem:s10], [sflag:$0x7] =	stream.indirect.gather [hbm4b:s4+s25], $0x40, s0, s25, $0xb8;
	[tilespmem:$0x16400] =	vst v63  }
0xc7: {  	_ =	swait.ge [sflag:s22], $0x2000  }
0xc8: {  	[sflag:s22] =	ssyncset.done $0x0  }
0xc9: {  	s26 =	sadd.s32 $0x780, s2;
	s0 =	simm.s32 $0x14400;
	[sflag:s22] =	ssyncadd.s32 $0xFFFFE000  }
0xca: {  	[tilespmem:s0], [sflag:$0x8] =	stream.indirect.gather [hbm4b:s4+s25], $0x40, s26, s25, $0xb8;
	[tilespmem:$0x16400] =	vst v63  }
0xcb: {  	_ =	swait.ge [sflag:s11], $0x2000  }
0xcc: {  	s26 =	rddreg [dreg:$0x7];
	[sflag:s11] =	ssyncset.done $0x0  }
0xcd: {  	[sflag:s11] =	ssyncadd.s32 $0xFFFFE000;
	s26 =	sadd.s32 s23, s26  }
0xce: {  	[hbm4b:s26+s3] =	stream.linear.scatter [tilespmem:s1], [sflag:$0xD], $0x2000, $0x38;
	[tilespmem:$0x16400] =	vst v63  }
0xcf: {  	_ =	swait.ge [sflag:s12], $0x2000  }
0xd0: {  	s1 =	rddreg [dreg:$0x9];
	[sflag:s12] =	ssyncset.done $0x0  }
0xd1: {  	[sflag:s12] =	ssyncadd.s32 $0xFFFFE000;
	s26 =	sadd.s32 s23, s1  }
0xd2: {  	[hbm4b:s26+s3] =	stream.linear.scatter [tilespmem:s9], [sflag:$0xE], $0x2000, $0x38;
	[tilespmem:$0x16400] =	vst v63  }
0xd3: {  	_ =	swait.ge [sflag:s13], $0x2000  }
0xd4: {  	s9 =	rddreg [dreg:$0x8];
	[sflag:s13] =	ssyncset.done $0x0  }
0xd5: {  	[sflag:s13] =	ssyncadd.s32 $0xFFFFE000;
	s26 =	sadd.s32 s23, s9  }
0xd6: {  	[hbm4b:s26+s3] =	stream.linear.scatter [tilespmem:s10], [sflag:$0xF], $0x2000, $0x38;
	[tilespmem:$0x16400] =	vst v63  }
0xd7: {  	_ =	swait.ge [sflag:s14], $0x2000  }
0xd8: {  	s10 =	rddreg [dreg:$0xa];
	[sflag:s14] =	ssyncset.done $0x0  }
0xd9: {  	[sflag:s14] =	ssyncadd.s32 $0xFFFFE000;
	s26 =	sadd.s32 s23, s10  }
0xda: {  	[hbm4b:s26+s3] =	stream.linear.scatter [tilespmem:s0], [sflag:$0x10], $0x2000, $0x38;
	[tilespmem:$0x16400] =	vst v63  }
0xdb: {  	_ =	swait.ge [sflag:s15], $0x2000  }
0xdc: {  	[sflag:s15] =	ssyncset.done $0x0  }
0xdd: {  	s0 =	sadd.s32 $0x800, s2;
	[sflag:s15] =	ssyncadd.s32 $0xFFFFE000  }
0xde: {  	[tilespmem:s30], [sflag:$0x1] =	stream.indirect.gather [hbm4b:s4+s25], $0x40, s0, s25, $0xb8;
	[tilespmem:$0x16400] =	vst v63  }
0xdf: {  	_ =	swait.ge [sflag:s16], $0x2000  }
0xe0: {  	[sflag:s16] =	ssyncset.done $0x0  }
0xe1: {  	s9 =	sadd.s32 $0x880, s2;
	[sflag:s16] =	ssyncadd.s32 $0xFFFFE000  }
0xe2: {  	[tilespmem:s7], [sflag:$0x2] =	stream.indirect.gather [hbm4b:s4+s25], $0x40, s9, s25, $0xb8;
	[tilespmem:$0x16400] =	vst v63  }
0xe3: {  	_ =	swait.ge [sflag:s17], $0x2000  }
0xe4: {  	p0 =	sne.s32 s24, $0x16000;
	s5 =	sadd.s32 $0x10000, s5;
	[sflag:s17] =	ssyncset.done $0x0  }
.Ltmp0:
0xe5: {  	s10 =	sadd.s32 $0x900, s2;
	[sflag:s17] =	ssyncadd.s32 $0xFFFFE000;
	(pc) =	sbr.rel @p0 .LBB2_2-.Ltmp0, $4  }
0xe6: {  	[tilespmem:s8], [sflag:$0x3] =	stream.indirect.gather [hbm4b:s4+s25], $0x40, s10, s25, $0xb8;
	[tilespmem:$0x16400] =	vst v63  }
0xe7: {  	s24 =	sadd.s32 $0x1000, s24;
	s1 =	simm.s32 $0x6400;
	_ =	swait.ge [sflag:s18], $0x2000  }
0xe8: {  	s23 =	sadd.s32 $0x2000, s23;
	s2 =	sadd.s32 $0x980, s2;
	[sflag:s18] =	ssyncset.done $0x0  }
0xe9: {  	s30 =	simm.s32 $0x8400;
	s7 =	simm.s32 $0xA400;
	[sflag:s18] =	ssyncadd.s32 $0xFFFFE000  }
0xea: {  	s5 =	simm.s32 $0xC400;
	s0 =	simm.s32 $0x1  }
0xeb: {  	[tilespmem:s5], [sflag:$0x4] =	stream.indirect.gather [hbm4b:s4+s25], $0x40, s2, s25, $0xb8;
	[tilespmem:$0x16400] =	vst v63  }
0xec: {  	_ =	swait.ge [sflag:s0], $0x2000  }
0xed: {  	[sflag:s0] =	ssyncset.done $0x0  }
0xee: {  	[sflag:s0] =	ssyncadd.s32 $0xFFFFE000;
	s0 =	rddreg [dreg:$0x14]  }
0xef: {  	[hbm4b:s0+s3] =	stream.linear.scatter [tilespmem:s1], [sflag:$0x9], $0x2000, $0x38;
	[tilespmem:$0x16400] =	vst v63  }
0xf0: {  	_ =	swait.ge [sflag:s29], $0x2000  }
0xf1: {  	[sflag:s29] =	ssyncset.done $0x0  }
0xf2: {  	s1 =	rddreg [dreg:$0x15];
	[sflag:s29] =	ssyncadd.s32 $0xFFFFE000  }
0xf3: {  	[hbm4b:s1+s3] =	stream.linear.scatter [tilespmem:s30], [sflag:$0xA], $0x2000, $0x38;
	[tilespmem:$0x16400] =	vst v63  }
0xf4: {  	_ =	swait.ge [sflag:s31], $0x2000  }
0xf5: {  	[sflag:s31] =	ssyncset.done $0x0  }
0xf6: {  	s8 =	rddreg [dreg:$0x16];
	[sflag:s31] =	ssyncadd.s32 $0xFFFFE000  }
0xf7: {  	[hbm4b:s8+s3] =	stream.linear.scatter [tilespmem:s7], [sflag:$0xB], $0x2000, $0x38;
	[tilespmem:$0x16400] =	vst v63  }
0xf8: {  	_ =	swait.ge [sflag:s6], $0x2000  }
0xf9: {  	[sflag:s6] =	ssyncset.done $0x0  }
0xfa: {  	s9 =	rddreg [dreg:$0x17];
	[sflag:s6] =	ssyncadd.s32 $0xFFFFE000  }
0xfb: {  	[hbm4b:s9+s3] =	stream.linear.scatter [tilespmem:s5], [sflag:$0xC], $0x2000, $0x38;
	[tilespmem:$0x16400] =	vst v63  }
0xfc: {  	_ =	swait.ge [sflag:s19], $0x2000  }
0xfd: {  	[sflag:s19] =	ssyncset.done $0x0  }
0xfe: {  	s10 =	simm.s32 $0xE400;
	s5 =	simm.s32 $0x6200;
	[sflag:s19] =	ssyncadd.s32 $0xFFFFE000  }
0xff: {  	[tilespmem:s10], [sflag:$0x5] =	stream.indirect.gather [hbm4b:s4+s25], $0x40, s5, s25, $0xb8;
	[tilespmem:$0x16400] =	vst v63  }
0x100: {  	_ =	swait.ge [sflag:s20], $0x2000  }
0x101: {  	[sflag:s20] =	ssyncset.done $0x0  }
0x102: {  	s23 =	simm.s32 $0x6280;
	s7 =	simm.s32 $0x10400;
	[sflag:s20] =	ssyncadd.s32 $0xFFFFE000  }
0x103: {  	[tilespmem:s7], [sflag:$0x6] =	stream.indirect.gather [hbm4b:s4+s25], $0x40, s23, s25, $0xb8;
	[tilespmem:$0x16400] =	vst v63  }
0x104: {  	_ =	swait.ge [sflag:s21], $0x2000  }
0x105: {  	[sflag:s21] =	ssyncset.done $0x0  }
0x106: {  	s24 =	simm.s32 $0x12400;
	s26 =	simm.s32 $0x6300;
	[sflag:s21] =	ssyncadd.s32 $0xFFFFE000  }
0x107: {  	[tilespmem:s24], [sflag:$0x7] =	stream.indirect.gather [hbm4b:s4+s25], $0x40, s26, s25, $0xb8;
	[tilespmem:$0x16400] =	vst v63  }
0x108: {  	_ =	swait.ge [sflag:s22], $0x2000  }
0x109: {  	[sflag:s22] =	ssyncset.done $0x0  }
0x10a: {  	s30 =	simm.s32 $0x14400;
	s8 =	simm.s32 $0x6380;
	[sflag:s22] =	ssyncadd.s32 $0xFFFFE000  }
0x10b: {  	[tilespmem:s30], [sflag:$0x8] =	stream.indirect.gather [hbm4b:s4+s25], $0x40, s8, s25, $0xb8;
	[tilespmem:$0x16400] =	vst v63  }
0x10c: {  	_ =	swait.ge [sflag:s11], $0x2000  }
0x10d: {  	[sflag:s11] =	ssyncset.done $0x0  }
0x10e: {  	s9 =	rddreg [dreg:$0x18];
	[sflag:s11] =	ssyncadd.s32 $0xFFFFE000  }
0x10f: {  	[hbm4b:s9+s3] =	stream.linear.scatter [tilespmem:s10], [sflag:$0xD], $0x2000, $0x38;
	[tilespmem:$0x16400] =	vst v63  }
0x110: {  	_ =	swait.ge [sflag:s12], $0x2000  }
0x111: {  	[sflag:s12] =	ssyncset.done $0x0  }
0x112: {  	s10 =	rddreg [dreg:$0x19];
	[sflag:s12] =	ssyncadd.s32 $0xFFFFE000  }
0x113: {  	[hbm4b:s10+s3] =	stream.linear.scatter [tilespmem:s7], [sflag:$0xE], $0x2000, $0x38;
	[tilespmem:$0x16400] =	vst v63  }
0x114: {  	_ =	swait.ge [sflag:s13], $0x2000  }
0x115: {  	[sflag:s13] =	ssyncset.done $0x0  }
0x116: {  	s23 =	rddreg [dreg:$0x1a];
	[sflag:s13] =	ssyncadd.s32 $0xFFFFE000  }
0x117: {  	[hbm4b:s23+s3] =	stream.linear.scatter [tilespmem:s24], [sflag:$0xF], $0x2000, $0x38;
	[tilespmem:$0x16400] =	vst v63  }
0x118: {  	_ =	swait.ge [sflag:s14], $0x2000  }
0x119: {  	[sflag:s14] =	ssyncset.done $0x0  }
0x11a: {  	s24 =	rddreg [dreg:$0x1b];
	[sflag:s14] =	ssyncadd.s32 $0xFFFFE000  }
0x11b: {  	[hbm4b:s24+s3] =	stream.linear.scatter [tilespmem:s30], [sflag:$0x10], $0x2000, $0x38;
	[tilespmem:$0x16400] =	vst v63  }
0x11c: {  	_ =	swait.ge [sflag:s15], $0x2000  }
0x11d: {  	[sflag:s15] =	ssyncset.done $0x0  }
0x11e: {  	[sflag:s15] =	ssyncadd.s32 $0xFFFFE000  }
0x11f: {  	_ =	swait.ge [sflag:s16], $0x2000  }
0x120: {  	[sflag:s16] =	ssyncset.done $0x0  }
0x121: {  	[sflag:s16] =	ssyncadd.s32 $0xFFFFE000  }
0x122: {  	_ =	swait.ge [sflag:s17], $0x2000  }
0x123: {  	[sflag:s17] =	ssyncset.done $0x0  }
0x124: {  	[sflag:s17] =	ssyncadd.s32 $0xFFFFE000  }
0x125: {  	_ =	swait.ge [sflag:s18], $0x2000  }
0x126: {  	[sflag:s18] =	ssyncset.done $0x0  }
0x127: {  	[sflag:s18] =	ssyncadd.s32 $0xFFFFE000  }
0x128: {  	_ =	swait.ge [sflag:s19], $0x2000  }
0x129: {  	[sflag:s19] =	ssyncset.done $0x0  }
0x12a: {  	[sflag:s19] =	ssyncadd.s32 $0xFFFFE000  }
0x12b: {  	_ =	swait.ge [sflag:s20], $0x2000  }
0x12c: {  	[sflag:s20] =	ssyncset.done $0x0  }
0x12d: {  	[sflag:s20] =	ssyncadd.s32 $0xFFFFE000  }
0x12e: {  	_ =	swait.ge [sflag:s21], $0x2000  }
0x12f: {  	[sflag:s21] =	ssyncset.done $0x0  }
0x130: {  	[sflag:s21] =	ssyncadd.s32 $0xFFFFE000  }
0x131: {  	_ =	swait.ge [sflag:s22], $0x2000  }
0x132: {  	s26 =	rddreg [dreg:$0x1e]  }
0x133: {  	s30 =	rddreg [dreg:$0x1c];
	s0 =	sadd.s32 $0x1, s26  }
0x134: {  	p0 =	sne.s32 s0, s30  }
.Ltmp1:
0x135: {  	_ = 	snop;
	(pc) =	sbr.rel @p0 .LBB2_1-.Ltmp1, $3  }
0x136: {  	_ =	sdelay $0x1  }
0x137: {  	[sflag:s22] =	ssyncset.done $0x0  }
0x138: {  	[sflag:s22] =	ssyncadd.s32 $0xFFFFE000  }
0x139: {  	_ =	sfence.sel $0x180000  }
0x13a: {  	[bflag:$0x0] =	sbarrier.arrive $0xFFFF  }
0x13b: {  	_ =	strace $0x90000047  }
0x13c: {  	s0 =	stileid.u32;
	[bflag:$0x2] =	sbarrier.arrive $0xFFFF  }
0x13d: {  	p0 =	sne.s32 s0, $0x0;
	s0 =	rddreg [dreg:$0x3]  }
0x13e: {  	s0 =	sadd.s32 @!p0 $0x100000, s0  }
0x13f: {  	[sflag:s0] =	ssyncadd.tile.s32 @!p0 $0x1;
	_ =	shalt  }
.Lfunc_end2:
_tile_overlayer_lowered:
.L_overlay_start_2:
0x140: {  	(tag) =	ssettag $0x2  }
0x141: {  	s0 =	rddreg [dreg:$0x0];
	s2 =	stileid.u32  }
0x142: {  	s1 =	rddreg [dreg:$0x1];
	p0 =	sne.s32 s2, $0x0  }
0x143: {  	s3 =	rddreg [dreg:$0x2];
	[bflag:$0x3] =	sbarrier.arrive $0xFFFF;
	s2 =	simm.s32 @!p0 $0x1C11  }
0x144: {  	[timem:s3], [sflag:s2] =	dma.local @!p0 [hbm:s0], s1  }
0x145: {  	s0 =	simm.s32 @!p0 $0x11  }
0x146: {  	_ =	swait.ge @!p0 [sflag:s0], s1  }
0x147: {  	s1 =	ssub.s32 @!p0 $0x0, s1;
	[sflag:s0] =	ssyncset.done @!p0 $0x0  }
0x148: {  	[sflag:s0] =	ssyncadd.s32 @!p0 s1  }
0x149: {  	[bflag:$0x3] =	sbarrier.arrive $0xFFFF  }
0x14a: {  	_ =	shalt  }

// kernel: sparse-core-data-format-call.cloned.1.call-start
scs
called_computation_lowered:
.L_overlay_start_0:
0x0: {  	s2 =	sld [smem:$0x3FD9]  }
0x1: {  	s3 =	sld [smem:$0x3FFE];
	_ =	sdelay $0x1  }
0x2: {  	s1 =	srdreg.scid  }
0x3: {  	s0 =	sand.u32 $0x1, s1  }
0x4: {  	s18 =	sshll.u32 s0, $0xA;
	s2 =	sadd.s32 s3, s2  }
0x5: {  	s2 =	sadd.s32 s2, s18  }
0x6: {  	[smem:$0x3FC6] =	sst s2  }
0x7: {  	_ = 	snop  }
0x8: {  	s2 =	sld [smem:$0x3FD0];
	(tm) =	ssettm $0x1  }
0x9: {  	s19 =	sld [smem:$0x3FFB];
	_ =	sdelay $0x3  }
0xa: {  	_ =	strace s19  }
0xb: {  	s3 =	sld [smem:$0x3FFC];
	_ =	sdelay $0x3  }
0xc: {  	_ =	strace s3  }
0xd: {  	s3 =	sld [smem:$0x3FFD];
	_ =	sdelay $0x3  }
0xe: {  	_ =	strace s3  }
0xf: {  	_ =	strace $0x8FFFFFFF  }
0x10: {  	s20 =	sld [smem:$0x3FDB];
	_ =	sdelay $0x1  }
0x11: {  	s4 =	simm.s32 $_scs_section_size  }
0x12: {  	s5 =	simm.s32 $_size__tile_overlayer_lowered;
	s6 =	simm.s32 $_tile_overlayer_lowered  }
0x13: {  	s23 =	simm.s32 $0x1BFF;
	s22 =	sshll.u32 s6, $0x1;
	s3 =	sadd.s32 s4, s20  }
0x14: {  	s7 =	simm.s32 $0x0;
	s21 =	sshll.u32 s5, $0x1;
	s5 =	sadd.s32 s22, s3  }
0x15: {  	[timem:s7], [sflag:s23] =	dma.local [hbm:s5], s21  }
0x16: {  	_ =	swait.ge [sflag:s23], s21  }
0x17: {  	s4 =	ssub.s32 $0x0, s21;
	[sflag:s23] =	ssyncset.done $0x0  }
0x18: {  	[sflag:s23] =	ssyncadd.s32 s4;
	_ =	sdelay $0x1  }
0x19: {  	s24 =	simm.s32 $0x1B8B  }
0x1a: {  	_ =	swait.ge [sflag:s24], $0x1  }
0x1b: {  	[sflag:s24] =	ssyncset.done $0x0  }
0x1c: {  	s26 =	simm.s32 $0x1B8E;
	s25 =	sld [smem:$0x3FFE];
	[sflag:s24] =	ssyncadd.s32 $0xFFFFFFFF  }
0x1d: {  	s27 =	simm.s32 $execute0_lowered;
	[smem:$0x3FD2] =	sst s26  }
0x1e: {  	s5 =	sshll.u32 s27, $0x1;
	_ =	strace $0x80000049;
	[dreg:$0x1] =	wrdreg $0xFFFFFFFF  }
0x1f: {  	s28 =	simm.s32 $_size_execute0_lowered;
	s3 =	sadd.s32 s3, s5;
	[dreg:$0x0] =	wrdreg $0x0  }
0x20: {  	s5 =	sshll.u32 s28, $0x1;
	[dreg:$0x2] =	wrdreg s3  }
0x21: {  	[dreg:$0x3] =	wrdreg s5  }
0x22: {  	[dreg:$0x4] =	wrdreg $0xC0  }
0x23: {  	_ =	task [dreg:s7], $0x5FFFF  }
0x24: {  	[dreg:$0x1] =	wrdreg $0xFFFFFFFF  }
0x25: {  	[dreg:$0x0] =	wrdreg $0x60  }
0x26: {  	[dreg:$0x2] =	wrdreg s25  }
0x27: {  	[dreg:$0x3] =	wrdreg s2  }
0x28: {  	[dreg:$0x4] =	wrdreg $0x9  }
0x29: {  	_ =	task.clear_ibuf [dreg:s7], $0x5FFFF;
	_ =	strace $0x90000049  }
0x2a: {  	s29 =	simm.s32 $0x9;
	_ =	strace $0x8000004B  }
0x2b: {  	_ =	swait.ge [sflag:s29], $0x1  }
0x2c: {  	[sflag:s29] =	ssyncadd.s32 $0xFFFFFFFF  }
0x2d: {  	_ =	strace $0x9000004B  }
0x2e: {  	_ =	sfence  }
0x2f: {  	s30 =	sld [smem:$0x0];
	_ =	sdelay $0x2  }
0x30: {  	s31 =	sshll.u32 s1, $0xD;
	s1 =	sshrl.u32 s1, $0x2  }
0x31: {  	s3 =	sand.u32 $0x4000, s31;
	s1 =	sadd.s32 s1, s30  }
0x32: {  	s0 =	sor.u32 s3, s0;
	s1 =	sshll.u32 s1, $0x11  }
0x33: {  	s0 =	sor.u32 s1, s0  }
0x34: {  	s0 =	sadd.s32 $0x8F2B, s0  }
0x35: {  	[sflag:s0] =	ssyncadd.remote.s32 $0x1  }
0x36: {  	_ =	sfence.sel $0xFFFF  }
0x37: {  	[dreg:$0x0] =	wrdreg $0xFFFFFFFF;
	(pc) =	sbr.abs _section_cstart, $3  }
0x38: {  	[dreg:$0x1] =	wrdreg $0xFFFFFFFF  }
0x39: {  	_ =	task.clear_ibuf [dreg:s7], $0x2FFFF;
	_ =	strace $0x9FFFFFFF  }
0x3a: {  	(tm) =	ssettm $0x7FFFFFFF  }
0x3b: {  	_ =	shalt  }
tec
execute0_lowered:
.L_overlay_start_1:
0x0: {  	(tag) =	ssettag $0x1  }
0x1: {  	s0 =	srdreg.scid  }
0x2: {  	s1 =	sshll.u32 s0, $0x4  }
0x3: {  	s4 =	rddreg [dreg:$0x0];
	s0 =	stileid.u32;
	s1 =	sand.u32 $0x10, s1  }
0x4: {  	s2 =	rddreg [dreg:$0x1];
	s7 =	simm.s32 $0x1;
	s1 =	sor.u32 s0, s1  }
0x5: {  	s8 =	simm.s32 $0x2;
	s11 =	simm.s32 $0x0;
	s3 =	sshll.u32 s1, $0x7  }
0x6: {  	s10 =	simm.s32 $0x0;
	s4 =	sadd.s32 $0x800, s4;
	s6 =	ssub.s32 $0xC8000, s3  }
.Ltmp0:
0x7: {  	s1 =	rddreg [dreg:$0x2];
	s5 =	sand.u32 $0xF80, s6;
	(pc) =	sbr.rel .LBB1_1-.Ltmp0, $4  }
0x8: {  	_ =	strace $0x8000004A;
	s9 =	smov.u32 s3;
	p0 =	sne.s32 s5, $0x0  }
0x9: {  	s6 =	sshrl.u32 s6, $0xC;
	s5 =	simm.s32 $0x1;
	s7 =	simm.s32 @!p0 $0x0  }
0xa: {  	[sflag:s5] =	ssyncpa.u1 $0x0;
	p0 =	por $0x0, $0x0;
	s6 =	sadd.s32 s7, s6  }
0xb: {  	[sflag:s8] =	ssyncpa.u1 $0x0;
	s8 =	simm.s32 $0x640000;
	s7 =	sadd.s32 $0x1, s6  }
.LBB1_4:
0xc: {  	s14 =	sshll.u32 s11, $0x3  }
0xd: {  	s30 =	sand.u32 $0x7F, s11;
	s15 =	sand.u32 $0xFFFFFC00, s14  }
0xe: {  	s11 =	sor.u32 s30, s15  }
0xf: {  	s15 =	smulhi.u32 $0x51EB851F, s11  }
0x10: {  	s14 =	smulhi.u32 $0x51EB851F, s14  }
0x11: {  	s15 =	sshrl.u32 s15, $0x12  }
0x12: {  	s14 =	sshrl.u32 s14, $0x12;
	s15 =	smul.u32 $0xC8000, s15  }
0x13: {  	s14 =	sand.u32 $0x3F, s14  }
0x14: {  	s14 =	smul.u32 $0x19000, s14;
	s11 =	ssub.s32 s11, s15  }
0x15: {  	[tilespmem:s13+$0x810 ss:$0x81] =	vst.msk $0xffff, v2;
	s15 =	sand.u32 $0x7, s11  }
0x16: {  	[tilespmem:s13+$0x1020 ss:$0x81] =	vst.msk $0xffff, v0;
	s14 =	sadd.s32 s2, s14;
	s11 =	sshrl.u32 s11, $0x3;
	s15 =	sshll.u32 s15, $0x12  }
0x17: {  	[tilespmem:s13+$0x0 ss:$0x81] =	vst.msk $0xffff, v1;
	s11 =	sadd.s32 s11, s14;
	s31 =	sor.u32 $0x400, s15  }
0x18: {  	[hbm4b:s11+s31] =	stream.strided.scatter [tilespmem:s12], [sflag:$0x2], $0x2000, s8, s31, $0x20;
	[tilespmem:$0x8080] =	vst v63  }
.LBB1_5:
0x19: {  	s13 =	sadd.s32 $0x1000, s9  }
0x1a: {  	p2 =	sgt.s32 s13, $0xC7FFF  }
0x1b: {  	s13 =	smov.u32 @p2 s3;
	p2 =	sne.s32 s10, s7  }
.Ltmp1:
0x1c: {  	p1 =	slt.u32 s10, $0x2;
	(pc) =	sbr.rel @!p2 .LBB1_6-.Ltmp1, $4  }
0x1d: {  	s12 =	simm.s32 @!p1 $0x2  }
0x1e: {  	s14 =	sadd.s32 $0x1, s10;
	_ =	swait.ge @!p1 [sflag:s12], $0x2000  }
0x1f: {  	s11 =	smov.u32 s9;
	p0 =	por !p0, !p0;
	[sflag:s12] =	ssyncset.done @!p1 $0x0  }
0x20: {  	s10 =	smov.u32 s14;
	s9 =	smov.u32 s13;
	[sflag:s12] =	ssyncadd.s32 @!p1 $0xFFFFE000  }
.LBB1_1:
0x21: {  	p1 =	sge.u32 s10, s6  }
0x22: {  	s12 =	sand.u32 @!p1 $0x1FFFFFF, s9  }
0x23: {  	s13 =	smulhi.u32 @!p1 $0x147AE15, s12;
	_ =	sdelay $0x1  }
0x24: {  	s13 =	sshrl.u32 @!p1 s13, $0xC  }
0x25: {  	s13 =	smul.u32 @!p1 $0xC8000, s13;
	_ =	sdelay $0x1  }
0x26: {  	s31 =	sadd.s32 $0xFFFFFFFF, s10;
	s14 =	sxor.u32 @!p1 $0xFFFFFFFF, s10;
	s12 =	ssub.s32 @!p1 s12, s13  }
0x27: {  	s15 =	simm.s32 @!p1 $0x80;
	s14 =	sshll.u32 @!p1 s14, $0xD;
	s12 =	sshll.u32 @!p1 s12, $0x4  }
0x28: {  	s13 =	sand.u32 @!p1 $0x2000, s14;
	s14 =	simm.s32 @!p1 $0x40;
	s12 =	sadd.s32 @!p1 s4, s12  }
0x29: {  	[tilespmem:s13], [sflag:$0x1] =	stream.strided.gather @!p1 [hbm4b:s12+s14], $0x2000, s15, s14, $0x38;
	[tilespmem:$0x8080] =	vst v63  }
0x2a: {  	p1 =	sge.u32 s31, s6  }
.Ltmp2:
0x2b: {  	_ = 	snop;
	(pc) =	sbr.rel @p1 .LBB1_5-.Ltmp2, $1  }
0x2c: {  	_ =	sdelay $0x3  }
0x2d: {  	s12 =	simm.s32 $0x1  }
0x2e: {  	_ =	swait.ge [sflag:s5], $0x2000;
	s12 =	simm.s32 @!p0 $0x0  }
0x2f: {  	[sflag:s5] =	ssyncset.done $0x0;
	s13 =	sshll.u32 s12, $0xD  }
0x30: {  	[sflag:s5] =	ssyncadd.s32 $0xFFFFE000;
	s16 =	sor.u32 $0x20, s13  }
0x31: {  	s12 =	smul.u32 $0x8100, s12;
	v3 =	vld [tilespmem:s16+$0x10]  }
0x32: {  	s30 =	sand.u32 $0x1, s10;
	v2 =	vld [tilespmem:s16+$0xFFFFFFF0]  }
0x33: {  	s13 =	smul.u32 $0x8100, s30;
	s12 =	sshrl.u32 s12, $0x2;
	v0 =	vld [tilespmem:s16+$0x0]  }
0x34: {  	v1 =	vld [tilespmem:s16+$0xFFFFFFE0];
	s14 =	sor.u32 $0x4000, s12  }
0x35: {  	s31 =	sshrl.u32 s13, $0x2;
	s13 =	sadd.s32 $0x0, s14  }
0x36: {  	s15 =	simm.s32 $0x4;
	s16 =	sadd.s32 $0x40, s16;
	s12 =	sor.u32 $0x4000, s31;
	[tilespmem:s13+$0x1830 ss:$0x81] =	vst.msk $0xffff, v3  }
.LBB1_3:
0x37: {  	v3 =	vld [tilespmem:s16+$0x10];
	p1 =	sne.s32 s15, $0x1FC;
	[tilespmem:s13+$0x810 ss:$0x81] =	vst.msk $0xffff, v2;
	s17 =	smov.u32 s15;
	s15 =	sadd.s32 $0x4, s15  }
.Ltmp3:
0x38: {  	v2 =	vld [tilespmem:s16+$0xFFFFFFF0];
	[tilespmem:s13+$0x1020 ss:$0x81] =	vst.msk $0xffff, v0;
	(pc) =	sbr.rel @p1 .LBB1_3-.Ltmp3, $4  }
0x39: {  	v0 =	vld [tilespmem:s16+$0x0];
	[tilespmem:s13+$0x0 ss:$0x81] =	vst.msk $0xffff, v1  }
0x3a: {  	s13 =	sshra.s32 s17, $0x2;
	v1 =	vld [tilespmem:s16+$0xFFFFFFE0]  }
0x3b: {  	s13 =	sadd.s32 s13, s14  }
0x3c: {  	s16 =	sadd.s32 $0x40, s16;
	[tilespmem:s13+$0x1830 ss:$0x81] =	vst.msk $0xffff, v3  }
.Ltmp4:
0x3d: {  	_ = 	snop;
	(pc) =	sbr.rel .LBB1_4-.Ltmp4, $1  }
0x3e: {  	_ =	sdelay $0x3  }
.LBB1_6:
0x3f: {  	_ =	sfence.sel $0x180000  }
0x40: {  	s2 =	simm.s32 $0x1;
	[bflag:$0x0] =	sbarrier.arrive $0xFFFF  }
0x41: {  	s31 =	simm.s32 $0x2;
	[sflag:s2] =	ssyncpa.u1 $0x1  }
0x42: {  	[sflag:s31] =	ssyncpa.u1 $0x1  }
0x43: {  	p0 =	sne.s32 s0, $0x0;
	_ =	strace $0x9000004A  }
0x44: {  	s0 =	sadd.s32 @!p0 $0x100000, s1;
	[bflag:$0x2] =	sbarrier.arrive $0xFFFF  }
0x45: {  	[sflag:s0] =	ssyncadd.tile.s32 @!p0 $0x1;
	_ =	shalt  }
.Lfunc_end1:
_tile_overlayer_lowered:
.L_overlay_start_2:
0x46: {  	(tag) =	ssettag $0x2  }
0x47: {  	s0 =	rddreg [dreg:$0x0];
	s2 =	stileid.u32  }
0x48: {  	s1 =	rddreg [dreg:$0x1];
	p0 =	sne.s32 s2, $0x0  }
0x49: {  	s3 =	rddreg [dreg:$0x2];
	[bflag:$0x3] =	sbarrier.arrive $0xFFFF;
	s2 =	simm.s32 @!p0 $0x1C01  }
0x4a: {  	[timem:s3], [sflag:s2] =	dma.local @!p0 [hbm:s0], s1  }
0x4b: {  	s0 =	simm.s32 @!p0 $0x1  }
0x4c: {  	_ =	swait.ge @!p0 [sflag:s0], s1  }
0x4d: {  	s1 =	ssub.s32 @!p0 $0x0, s1;
	[sflag:s0] =	ssyncset.done @!p0 $0x0  }
0x4e: {  	[sflag:s0] =	ssyncadd.s32 @!p0 s1  }
0x4f: {  	[bflag:$0x3] =	sbarrier.arrive $0xFFFF  }
0x50: {  	_ =	shalt  }

</sc_bundles>
